<compile_context>
chip_gen: v7x
topology: tpu7x:2x2x1
jax: 0.10.2.dev20260603
libtpu: 0.0.44.dev20260713+nightly
codegen_flags: <defaults>
</compile_context>

<pallas_src>
import jax
import jax.numpy as jnp
from jax import lax
from jax.experimental import pallas as pl
from jax.experimental.pallas import tpu as pltpu
from jax.experimental.pallas import tpu_sc as plsc

_THRESHOLD = 6.43

_R = 256

_NC = 2
_NS = 16
_NW = _NC * _NS
_K = 32
_NB = 2


def _entropy_temp_body(t1_ref, t2_ref, k_ref, b_ref, x_ref, xyz_ref,
                       trep_ref, cond_ref):
    x = x_ref[...]
    m = jnp.max(x, axis=1, keepdims=True)
    e = jnp.exp(x - m)
    s = jnp.sum(e, axis=1, keepdims=True)
    p = e / s
    score = jnp.sum(-p * jnp.log(p), axis=1)
    cond = score < _THRESHOLD
    xyz = xyz_ref[...]
    depth = jnp.sqrt(jnp.sum(jnp.abs(xyz) ** 2, axis=1))
    coeff = k_ref[0, 0] * depth + b_ref[0, 0]
    temp = jnp.where(cond, t1_ref[0, 0] * coeff, t2_ref[0, 0] * coeff)
    trep_ref[...] = jnp.broadcast_to(temp[:, None], (_R, 16))
    cond_ref[...] = cond.astype(jnp.float32).reshape(1, 1, _R)


def _dest_body(cond_ref, dest_ref):
    cnd = cond_ref[...]
    ssz = cnd.shape[0]
    ir = lax.broadcasted_iota(jnp.int32, (ssz, ssz), 0).astype(jnp.float32)
    ic = lax.broadcasted_iota(jnp.int32, (ssz, ssz), 1).astype(jnp.float32)
    upper = (ir < ic).astype(jnp.float32)
    lower = (ir > ic).astype(jnp.float32)
    row_tot = jnp.sum(cnd, axis=1, keepdims=True)
    offs = jnp.dot(lower, row_tot, preferred_element_type=jnp.float32)
    inrow = jnp.dot(cnd, upper, preferred_element_type=jnp.float32)
    pc = inrow + offs
    total = jnp.sum(cnd)
    g = ir * jnp.float32(ssz) + ic
    dest = jnp.where(cnd > 0.5, pc, total + (g - pc))
    dest_ref[...] = dest.astype(jnp.int32)


def _scale_scatter_body(x_hbm, trep_hbm, dest_hbm, gt_hbm, out_hbm, outgt_hbm,
                        rows_v, trep_v, idx_v, gt_v,
                        load_sem, row_sem, gt_sem):
    n = x_hbm.shape[0]
    c = x_hbm.shape[1]
    rows_per_w = n // _NW
    nchunk = rows_per_w // _K
    wid = lax.axis_index("s") * _NC + lax.axis_index("c")
    w0 = wid * rows_per_w

    def start_load(ci, bf):
        base = w0 + ci * _K
        pltpu.async_copy(x_hbm.at[pl.ds(base, _K)], rows_v.at[bf], load_sem[bf])
        pltpu.async_copy(trep_hbm.at[pl.ds(base, _K)], trep_v.at[bf], load_sem[bf])
        pltpu.async_copy(dest_hbm.at[pl.ds(base, _K)], idx_v.at[bf], load_sem[bf])
        pltpu.async_copy(gt_hbm.at[pl.ds(base, _K)], gt_v.at[bf], load_sem[bf])

    def wait_load(ci, bf):
        base = w0 + ci * _K
        pltpu.make_async_copy(x_hbm.at[pl.ds(base, _K)], rows_v.at[bf], load_sem[bf]).wait()
        pltpu.make_async_copy(trep_hbm.at[pl.ds(base, _K)], trep_v.at[bf], load_sem[bf]).wait()
        pltpu.make_async_copy(dest_hbm.at[pl.ds(base, _K)], idx_v.at[bf], load_sem[bf]).wait()
        pltpu.make_async_copy(gt_hbm.at[pl.ds(base, _K)], gt_v.at[bf], load_sem[bf]).wait()

    def divide(bf):
        def rbody(r, carry):
            tv = trep_v[bf, r]
            for cc in range(c // 16):
                sl = (bf, r, pl.ds(cc * 16, 16))
                rows_v[sl] = rows_v[sl] / tv
            return carry
        lax.fori_loop(0, _K, rbody, 0)

    def fire_scatter(bf):
        pltpu.async_copy(rows_v.at[bf], out_hbm.at[idx_v.at[bf]], row_sem[bf])
        pltpu.async_copy(gt_v.at[bf], outgt_hbm.at[idx_v.at[bf]], gt_sem[bf])

    def wait_scatter(bf):
        pltpu.make_async_copy(rows_v.at[bf], out_hbm.at[idx_v.at[bf]], row_sem[bf]).wait()
        pltpu.make_async_copy(gt_v.at[bf], outgt_hbm.at[idx_v.at[bf]], gt_sem[bf]).wait()

    start_load(0, 0)

    def outer(ci2, carry):
        ci = ci2 * _NB
        for b in range(_NB):
            cib = ci + b
            nb = (b + 1) % _NB
            wait_load(cib, b)
            divide(b)
            fire_scatter(b)
            @pl.when(cib + 1 < nchunk)
            def _():
                @pl.when(cib >= 1)
                def _():
                    wait_scatter(nb)
                start_load(cib + 1, nb)
        return carry

    lax.fori_loop(0, nchunk // _NB, outer, 0)
    wait_scatter(0)
    wait_scatter(1)


def kernel(logits, gt, xyz, T1, T2, k, b):
    n, c = logits.shape
    grid = n // _R
    smem_spec = pl.BlockSpec((1, 1), lambda i: (0, 0), memory_space=pltpu.SMEM)
    trep, condf = pl.pallas_call(
        _entropy_temp_body,
        grid=(grid,),
        in_specs=[
            smem_spec, smem_spec, smem_spec, smem_spec,
            pl.BlockSpec((_R, c), lambda i: (i, 0)),
            pl.BlockSpec((_R, 3), lambda i: (i, 0)),
        ],
        out_specs=[
            pl.BlockSpec((_R, 16), lambda i: (i, 0)),
            pl.BlockSpec((1, 1, _R), lambda i: (i, 0, 0)),
        ],
        out_shape=[
            jax.ShapeDtypeStruct((n, 16), jnp.float32),
            jax.ShapeDtypeStruct((grid, 1, _R), jnp.float32),
        ],
    )(T1.reshape(1, 1), T2.reshape(1, 1), k.reshape(1, 1), b.reshape(1, 1),
      logits, xyz)

    ssz = 256
    assert ssz * ssz == n
    dest = pl.pallas_call(
        _dest_body,
        out_shape=jax.ShapeDtypeStruct((ssz, ssz), jnp.int32),
    )(condf.reshape(ssz, ssz))
    dest = dest.reshape(n)

    scatter = pl.kernel(
        _scale_scatter_body,
        out_type=(
            jax.ShapeDtypeStruct((n, c), jnp.float32),
            jax.ShapeDtypeStruct((n,), jnp.int32),
        ),
        mesh=plsc.VectorSubcoreMesh(core_axis_name="c", subcore_axis_name="s"),
        scratch_types=[
            pltpu.VMEM((_NB, _K, c), jnp.float32),
            pltpu.VMEM((_NB, _K, 16), jnp.float32),
            pltpu.VMEM((_NB, _K), jnp.int32),
            pltpu.VMEM((_NB, _K), jnp.int32),
            [pltpu.SemaphoreType.DMA] * _NB,
            [pltpu.SemaphoreType.DMA] * _NB,
            [pltpu.SemaphoreType.DMA] * _NB,
        ],
    )
    out_cal, out_gt = scatter(logits, trep, dest, gt)
    return (out_cal, out_gt)

# --- scband reference (transcript-rebuilt; emitter-appended) ---
"""Pipeline reference for scband-depth-aware-scaling-69337952026801 (READ-ONLY COPY).

The authoritative reference and input builder live on the scoring server;
editing this copy changes nothing except your own understanding.
"""

import jax, jax.numpy as jnp
import numpy as np

THRESHOLD = 6.43


def setup_inputs(seed: int = 0) -> dict:
    key = jax.random.key(seed)
    k1, k2, k3 = jax.random.split(key, 3)
    N, C = 65536, 1024
    logits = jax.random.normal(k1, (N, C), dtype=jnp.float32)
    gt = jax.random.randint(k2, (N,), 0, C, dtype=jnp.int32)
    xyz = jax.random.normal(k3, (N, 3), dtype=jnp.float32)
    # learned parameters per __init__
    T1 = jnp.ones((1,), dtype=jnp.float32)
    T2 = jnp.ones((1,), dtype=jnp.float32) * 0.9
    k = jnp.ones((1,), dtype=jnp.float32) * 0.1
    b = jnp.zeros((1,), dtype=jnp.float32)
    return {"logits": logits, "gt": gt, "xyz": xyz, "T1": T1, "T2": T2, "k": k, "b": b}


def reference(logits, gt, xyz, T1, T2, k, b):
    # eval-mode (self.training == False) branch of Depth_Aware_Scaling.forward
    prob = jax.nn.softmax(logits, axis=-1)
    score = jnp.sum(-prob * jnp.log(prob), axis=-1)
    cond = score < THRESHOLD
    depth = jnp.linalg.norm(xyz, ord=2, axis=1)
    depth_coff = k * depth + b  # [N]
    # per-row temperature: T1*coeff where cond, else T2*coeff
    T = jnp.where(cond[:, None], T1[0] * depth_coff[:, None], T2[0] * depth_coff[:, None])
    cal = logits / T
    # torch: cat((logits[cond], logits[~cond])) == stable permutation putting cond rows first
    perm = jnp.argsort(jnp.where(cond, 0, 1).astype(jnp.int32), stable=True)
    cal_logits = jnp.take(cal, perm, axis=0)
    cal_gt = jnp.take(gt, perm, axis=0)
    return (cal_logits, cal_gt)

if __name__ == "__main__":
    import jax
    _d = setup_inputs()
    print(jax.jit(kernel)(*tuple(_d.values())))

</pallas_src>

<mosaic_0001>
#map = affine_map<(d0, d1) -> (0, 0)>
#map1 = affine_map<(d0, d1) -> (0)>
module attributes {stable_mosaic.version = 14 : i64} {
  func.func @_scale_scatter_body(%arg0: i32, %arg1: i32, %arg2: memref<65536x1024xf32, #tpu.memory_space<hbm>>, %arg3: memref<65536x16xf32, #tpu.memory_space<hbm>>, %arg4: memref<65536xi32, #tpu.memory_space<hbm>>, %arg5: memref<65536xi32, #tpu.memory_space<hbm>>, %arg6: memref<65536x1024xf32, #tpu.memory_space<hbm>>, %arg7: memref<65536xi32, #tpu.memory_space<hbm>>, %arg8: memref<2x32x1024xf32, #tpu.memory_space<vmem>>, %arg9: memref<2x32x16xf32, #tpu.memory_space<vmem>>, %arg10: memref<2x32xi32, #tpu.memory_space<vmem>>, %arg11: memref<2x32xi32, #tpu.memory_space<vmem>>, %arg12: memref<!tpu.dma_semaphore, #tpu.memory_space<semaphore_mem>>, %arg13: memref<!tpu.dma_semaphore, #tpu.memory_space<semaphore_mem>>, %arg14: memref<!tpu.dma_semaphore, #tpu.memory_space<semaphore_mem>>, %arg15: memref<!tpu.dma_semaphore, #tpu.memory_space<semaphore_mem>>, %arg16: memref<!tpu.dma_semaphore, #tpu.memory_space<semaphore_mem>>, %arg17: memref<!tpu.dma_semaphore, #tpu.memory_space<semaphore_mem>>) attributes {dimension_semantics = [#tpu.dimension_semantics<core_parallel>, #tpu.dimension_semantics<subcore_parallel>], iteration_bounds = array<i64: 2, 16>, scalar_prefetch = 0 : i64, scratch_operands = 10 : i64, tpu.core_type = #tpu.core_type<sc_vector_subcore>, window_params = [{transform_indices = #map}, {transform_indices = #map}, {transform_indices = #map1}, {transform_indices = #map1}, {transform_indices = #map}, {transform_indices = #map1}]} {
    %mul3A = arith.constant 2 : i32
    %mul3A_0 = arith.muli %arg1, %mul3A : i32
    %add3A = arith.addi %mul3A_0, %arg0 : i32
    %mul3A_1 = arith.constant 2048 : i32
    %mul3A_2 = arith.muli %add3A, %mul3A_1 : i32
    %add3A_3 = arith.constant 0 : i32
    %add3A_4 = arith.addi %mul3A_2, %add3A_3 : i32
    %dma_start3A = arith.constant 0 : i32
    %dma_start3A_5 = arith.constant 0 : i32
    %dma_start3A_6 = arith.constant 0 : i32
    %dma_start3A_7 = tpu.memref_slice %arg8[%dma_start3A, %dma_start3A_5, %dma_start3A_6] : memref<2x32x1024xf32, #tpu.memory_space<vmem>> -> memref<1x32x1024xf32, #tpu.memory_space<vmem>>
    %dma_start3A_8 = tpu.memref_squeeze %dma_start3A_7 : memref<1x32x1024xf32, #tpu.memory_space<vmem>> -> memref<32x1024xf32, #tpu.memory_space<vmem>>
    %dma_start3A_9 = arith.constant 0 : i32
    %dma_start3A_10 = tpu.memref_slice %arg2[%add3A_4, %dma_start3A_9] : memref<65536x1024xf32, #tpu.memory_space<hbm>> -> memref<32x1024xf32, #tpu.memory_space<hbm>>
    %dma_start3A_11 = arith.constant 0 : i32
    %dma_start3A_12 = arith.constant 0 : i32
    %dma_start3A_13 = tpu.memref_slice %arg8[%dma_start3A, %dma_start3A_11, %dma_start3A_12] : memref<2x32x1024xf32, #tpu.memory_space<vmem>> -> memref<1x32x1024xf32, #tpu.memory_space<vmem>>
    %dma_start3A_14 = tpu.memref_squeeze %dma_start3A_13 : memref<1x32x1024xf32, #tpu.memory_space<vmem>> -> memref<32x1024xf32, #tpu.memory_space<vmem>>
    %dma_start3A_15 = arith.constant 0 : i32
    %dma_start3A_16 = tpu.memref_slice %arg2[%add3A_4, %dma_start3A_15] : memref<65536x1024xf32, #tpu.memory_space<hbm>> -> memref<32x1024xf32, #tpu.memory_space<hbm>>
    tpu.enqueue_dma source(%dma_start3A_16 : memref<32x1024xf32, #tpu.memory_space<hbm>>) target(%dma_start3A_14 : memref<32x1024xf32, #tpu.memory_space<vmem>>) target_semaphore(%arg12 : memref<!tpu.dma_semaphore, #tpu.memory_space<semaphore_mem>>)
    %dma_start3A_17 = arith.constant 0 : i32
    %dma_start3A_18 = arith.constant 0 : i32
    %dma_start3A_19 = arith.constant 0 : i32
    %dma_start3A_20 = tpu.memref_slice %arg9[%dma_start3A_17, %dma_start3A_18, %dma_start3A_19] : memref<2x32x16xf32, #tpu.memory_space<vmem>> -> memref<1x32x16xf32, #tpu.memory_space<vmem>>
    %dma_start3A_21 = tpu.memref_squeeze %dma_start3A_20 : memref<1x32x16xf32, #tpu.memory_space<vmem>> -> memref<32x16xf32, #tpu.memory_space<vmem>>
    %dma_start3A_22 = arith.constant 0 : i32
    %dma_start3A_23 = tpu.memref_slice %arg3[%add3A_4, %dma_start3A_22] : memref<65536x16xf32, #tpu.memory_space<hbm>> -> memref<32x16xf32, #tpu.memory_space<hbm>>
    %dma_start3A_24 = arith.constant 0 : i32
    %dma_start3A_25 = arith.constant 0 : i32
    %dma_start3A_26 = tpu.memref_slice %arg9[%dma_start3A_17, %dma_start3A_24, %dma_start3A_25] : memref<2x32x16xf32, #tpu.memory_space<vmem>> -> memref<1x32x16xf32, #tpu.memory_space<vmem>>
    %dma_start3A_27 = tpu.memref_squeeze %dma_start3A_26 : memref<1x32x16xf32, #tpu.memory_space<vmem>> -> memref<32x16xf32, #tpu.memory_space<vmem>>
    %dma_start3A_28 = arith.constant 0 : i32
    %dma_start3A_29 = tpu.memref_slice %arg3[%add3A_4, %dma_start3A_28] : memref<65536x16xf32, #tpu.memory_space<hbm>> -> memref<32x16xf32, #tpu.memory_space<hbm>>
    tpu.enqueue_dma source(%dma_start3A_29 : memref<32x16xf32, #tpu.memory_space<hbm>>) target(%dma_start3A_27 : memref<32x16xf32, #tpu.memory_space<vmem>>) target_semaphore(%arg12 : memref<!tpu.dma_semaphore, #tpu.memory_space<semaphore_mem>>)
    %dma_start3A_30 = arith.constant 0 : i32
    %dma_start3A_31 = arith.constant 0 : i32
    %dma_start3A_32 = tpu.memref_slice %arg10[%dma_start3A_30, %dma_start3A_31] : memref<2x32xi32, #tpu.memory_space<vmem>> -> memref<1x32xi32, #tpu.memory_space<vmem>>
    %dma_start3A_33 = tpu.memref_squeeze %dma_start3A_32 : memref<1x32xi32, #tpu.memory_space<vmem>> -> memref<32xi32, #tpu.memory_space<vmem>>
    %dma_start3A_34 = tpu.memref_slice %arg4[%add3A_4] : memref<65536xi32, #tpu.memory_space<hbm>> -> memref<32xi32, #tpu.memory_space<hbm>>
    %dma_start3A_35 = arith.constant 0 : i32
    %dma_start3A_36 = tpu.memref_slice %arg10[%dma_start3A_30, %dma_start3A_35] : memref<2x32xi32, #tpu.memory_space<vmem>> -> memref<1x32xi32, #tpu.memory_space<vmem>>
    %dma_start3A_37 = tpu.memref_squeeze %dma_start3A_36 : memref<1x32xi32, #tpu.memory_space<vmem>> -> memref<32xi32, #tpu.memory_space<vmem>>
    %dma_start3A_38 = tpu.memref_slice %arg4[%add3A_4] : memref<65536xi32, #tpu.memory_space<hbm>> -> memref<32xi32, #tpu.memory_space<hbm>>
    tpu.enqueue_dma source(%dma_start3A_38 : memref<32xi32, #tpu.memory_space<hbm>>) target(%dma_start3A_37 : memref<32xi32, #tpu.memory_space<vmem>>) target_semaphore(%arg12 : memref<!tpu.dma_semaphore, #tpu.memory_space<semaphore_mem>>)
    %dma_start3A_39 = arith.constant 0 : i32
    %dma_start3A_40 = arith.constant 0 : i32
    %dma_start3A_41 = tpu.memref_slice %arg11[%dma_start3A_39, %dma_start3A_40] : memref<2x32xi32, #tpu.memory_space<vmem>> -> memref<1x32xi32, #tpu.memory_space<vmem>>
    %dma_start3A_42 = tpu.memref_squeeze %dma_start3A_41 : memref<1x32xi32, #tpu.memory_space<vmem>> -> memref<32xi32, #tpu.memory_space<vmem>>
    %dma_start3A_43 = tpu.memref_slice %arg5[%add3A_4] : memref<65536xi32, #tpu.memory_space<hbm>> -> memref<32xi32, #tpu.memory_space<hbm>>
    %dma_start3A_44 = arith.constant 0 : i32
    %dma_start3A_45 = tpu.memref_slice %arg11[%dma_start3A_39, %dma_start3A_44] : memref<2x32xi32, #tpu.memory_space<vmem>> -> memref<1x32xi32, #tpu.memory_space<vmem>>
    %dma_start3A_46 = tpu.memref_squeeze %dma_start3A_45 : memref<1x32xi32, #tpu.memory_space<vmem>> -> memref<32xi32, #tpu.memory_space<vmem>>
    %dma_start3A_47 = tpu.memref_slice %arg5[%add3A_4] : memref<65536xi32, #tpu.memory_space<hbm>> -> memref<32xi32, #tpu.memory_space<hbm>>
    tpu.enqueue_dma source(%dma_start3A_47 : memref<32xi32, #tpu.memory_space<hbm>>) target(%dma_start3A_46 : memref<32xi32, #tpu.memory_space<vmem>>) target_semaphore(%arg12 : memref<!tpu.dma_semaphore, #tpu.memory_space<semaphore_mem>>)
    %scan3A = arith.constant 0 : i32
    %scan3A_48 = arith.constant 0 : i32
    %scan3A_49 = arith.constant 32 : i32
    %scan3A_50 = arith.addi %scan3A_48, %scan3A_49 : i32
    %scan3A_51 = arith.constant 1 : i32
    scf.for %scan3A_96 = %scan3A_48 to %scan3A_50 step %scan3A_51  : i32 {
      %mul3A_97 = arith.constant 2 : i32
      %mul3A_98 = arith.muli %scan3A_96, %mul3A_97 : i32
      %add3A_99 = arith.constant 0 : i32
      %add3A_100 = arith.addi %mul3A_98, %add3A_99 : i32
      %mul3A_101 = arith.constant 32 : i32
      %mul3A_102 = arith.muli %add3A_100, %mul3A_101 : i32
      %add3A_103 = arith.addi %mul3A_2, %mul3A_102 : i32
      %dma_wait3A_104 = arith.constant 0 : i32
      %dma_wait3A_105 = arith.constant 0 : i32
      %dma_wait3A_106 = arith.constant 0 : i32
      %dma_wait3A_107 = tpu.memref_slice %arg8[%dma_wait3A_104, %dma_wait3A_105, %dma_wait3A_106] : memref<2x32x1024xf32, #tpu.memory_space<vmem>> -> memref<1x32x1024xf32, #tpu.memory_space<vmem>>
      %dma_wait3A_108 = tpu.memref_squeeze %dma_wait3A_107 : memref<1x32x1024xf32, #tpu.memory_space<vmem>> -> memref<32x1024xf32, #tpu.memory_space<vmem>>
      %dma_wait3A_109 = arith.constant 0 : i32
      %dma_wait3A_110 = tpu.memref_slice %arg2[%add3A_103, %dma_wait3A_109] : memref<65536x1024xf32, #tpu.memory_space<hbm>> -> memref<32x1024xf32, #tpu.memory_space<hbm>>
      %dma_wait3A_111 = arith.constant 0 : i32
      %dma_wait3A_112 = arith.constant 0 : i32
      %dma_wait3A_113 = tpu.memref_slice %arg8[%dma_wait3A_104, %dma_wait3A_111, %dma_wait3A_112] : memref<2x32x1024xf32, #tpu.memory_space<vmem>> -> memref<1x32x1024xf32, #tpu.memory_space<vmem>>
      %dma_wait3A_114 = tpu.memref_squeeze %dma_wait3A_113 : memref<1x32x1024xf32, #tpu.memory_space<vmem>> -> memref<32x1024xf32, #tpu.memory_space<vmem>>
      %dma_wait3A_115 = arith.constant 0 : i32
      %dma_wait3A_116 = tpu.memref_slice %arg2[%add3A_103, %dma_wait3A_115] : memref<65536x1024xf32, #tpu.memory_space<hbm>> -> memref<32x1024xf32, #tpu.memory_space<hbm>>
      tpu.wait_dma2 semaphore(%arg12 : memref<!tpu.dma_semaphore, #tpu.memory_space<semaphore_mem>>) src(%dma_wait3A_116 : memref<32x1024xf32, #tpu.memory_space<hbm>>) dst(%dma_wait3A_114 : memref<32x1024xf32, #tpu.memory_space<vmem>>)
      %dma_wait3A_117 = arith.constant 0 : i32
      %dma_wait3A_118 = arith.constant 0 : i32
      %dma_wait3A_119 = arith.constant 0 : i32
      %dma_wait3A_120 = tpu.memref_slice %arg9[%dma_wait3A_117, %dma_wait3A_118, %dma_wait3A_119] : memref<2x32x16xf32, #tpu.memory_space<vmem>> -> memref<1x32x16xf32, #tpu.memory_space<vmem>>
      %dma_wait3A_121 = tpu.memref_squeeze %dma_wait3A_120 : memref<1x32x16xf32, #tpu.memory_space<vmem>> -> memref<32x16xf32, #tpu.memory_space<vmem>>
      %dma_wait3A_122 = arith.constant 0 : i32
      %dma_wait3A_123 = tpu.memref_slice %arg3[%add3A_103, %dma_wait3A_122] : memref<65536x16xf32, #tpu.memory_space<hbm>> -> memref<32x16xf32, #tpu.memory_space<hbm>>
      %dma_wait3A_124 = arith.constant 0 : i32
      %dma_wait3A_125 = arith.constant 0 : i32
      %dma_wait3A_126 = tpu.memref_slice %arg9[%dma_wait3A_117, %dma_wait3A_124, %dma_wait3A_125] : memref<2x32x16xf32, #tpu.memory_space<vmem>> -> memref<1x32x16xf32, #tpu.memory_space<vmem>>
      %dma_wait3A_127 = tpu.memref_squeeze %dma_wait3A_126 : memref<1x32x16xf32, #tpu.memory_space<vmem>> -> memref<32x16xf32, #tpu.memory_space<vmem>>
      %dma_wait3A_128 = arith.constant 0 : i32
      %dma_wait3A_129 = tpu.memref_slice %arg3[%add3A_103, %dma_wait3A_128] : memref<65536x16xf32, #tpu.memory_space<hbm>> -> memref<32x16xf32, #tpu.memory_space<hbm>>
      tpu.wait_dma2 semaphore(%arg12 : memref<!tpu.dma_semaphore, #tpu.memory_space<semaphore_mem>>) src(%dma_wait3A_129 : memref<32x16xf32, #tpu.memory_space<hbm>>) dst(%dma_wait3A_127 : memref<32x16xf32, #tpu.memory_space<vmem>>)
      %dma_wait3A_130 = arith.constant 0 : i32
      %dma_wait3A_131 = arith.constant 0 : i32
      %dma_wait3A_132 = tpu.memref_slice %arg10[%dma_wait3A_130, %dma_wait3A_131] : memref<2x32xi32, #tpu.memory_space<vmem>> -> memref<1x32xi32, #tpu.memory_space<vmem>>
      %dma_wait3A_133 = tpu.memref_squeeze %dma_wait3A_132 : memref<1x32xi32, #tpu.memory_space<vmem>> -> memref<32xi32, #tpu.memory_space<vmem>>
      %dma_wait3A_134 = tpu.memref_slice %arg4[%add3A_103] : memref<65536xi32, #tpu.memory_space<hbm>> -> memref<32xi32, #tpu.memory_space<hbm>>
      %dma_wait3A_135 = arith.constant 0 : i32
      %dma_wait3A_136 = tpu.memref_slice %arg10[%dma_wait3A_130, %dma_wait3A_135] : memref<2x32xi32, #tpu.memory_space<vmem>> -> memref<1x32xi32, #tpu.memory_space<vmem>>
      %dma_wait3A_137 = tpu.memref_squeeze %dma_wait3A_136 : memref<1x32xi32, #tpu.memory_space<vmem>> -> memref<32xi32, #tpu.memory_space<vmem>>
      %dma_wait3A_138 = tpu.memref_slice %arg4[%add3A_103] : memref<65536xi32, #tpu.memory_space<hbm>> -> memref<32xi32, #tpu.memory_space<hbm>>
      tpu.wait_dma2 semaphore(%arg12 : memref<!tpu.dma_semaphore, #tpu.memory_space<semaphore_mem>>) src(%dma_wait3A_138 : memref<32xi32, #tpu.memory_space<hbm>>) dst(%dma_wait3A_137 : memref<32xi32, #tpu.memory_space<vmem>>)
      %dma_wait3A_139 = arith.constant 0 : i32
      %dma_wait3A_140 = arith.constant 0 : i32
      %dma_wait3A_141 = tpu.memref_slice %arg11[%dma_wait3A_139, %dma_wait3A_140] : memref<2x32xi32, #tpu.memory_space<vmem>> -> memref<1x32xi32, #tpu.memory_space<vmem>>
      %dma_wait3A_142 = tpu.memref_squeeze %dma_wait3A_141 : memref<1x32xi32, #tpu.memory_space<vmem>> -> memref<32xi32, #tpu.memory_space<vmem>>
      %dma_wait3A_143 = tpu.memref_slice %arg5[%add3A_103] : memref<65536xi32, #tpu.memory_space<hbm>> -> memref<32xi32, #tpu.memory_space<hbm>>
      %dma_wait3A_144 = arith.constant 0 : i32
      %dma_wait3A_145 = tpu.memref_slice %arg11[%dma_wait3A_139, %dma_wait3A_144] : memref<2x32xi32, #tpu.memory_space<vmem>> -> memref<1x32xi32, #tpu.memory_space<vmem>>
      %dma_wait3A_146 = tpu.memref_squeeze %dma_wait3A_145 : memref<1x32xi32, #tpu.memory_space<vmem>> -> memref<32xi32, #tpu.memory_space<vmem>>
      %dma_wait3A_147 = tpu.memref_slice %arg5[%add3A_103] : memref<65536xi32, #tpu.memory_space<hbm>> -> memref<32xi32, #tpu.memory_space<hbm>>
      tpu.wait_dma2 semaphore(%arg12 : memref<!tpu.dma_semaphore, #tpu.memory_space<semaphore_mem>>) src(%dma_wait3A_147 : memref<32xi32, #tpu.memory_space<hbm>>) dst(%dma_wait3A_146 : memref<32xi32, #tpu.memory_space<vmem>>)
      %scan3A_148 = arith.constant 0 : i32
      %scan3A_149 = arith.constant 0 : i32
      %scan3A_150 = arith.constant 32 : i32
      %scan3A_151 = arith.addi %scan3A_149, %scan3A_150 : i32
      %scan3A_152 = arith.constant 1 : i32
      scf.for %scan3A_264 = %scan3A_149 to %scan3A_151 step %scan3A_152  : i32 {
        %get3A = arith.constant 0 : i32
        %get3A_265 = arith.index_cast %get3A : i32 to index
        %get3A_266 = arith.index_cast %scan3A_264 : i32 to index
        %get3A_267 = arith.constant 0 : index
        %get3A_268 = tpu.vector_load %arg9[%get3A_265, %get3A_266, %get3A_267] {strides = array<i32>} : memref<2x32x16xf32, #tpu.memory_space<vmem>>, vector<1x1x16xf32>,
        %get3A_269 = vector.shape_cast %get3A_268 : vector<1x1x16xf32> to vector<16xf32>
        %get3A_270 = arith.constant 0 : i32
        %get3A_271 = arith.index_cast %get3A_270 : i32 to index
        %get3A_272 = arith.index_cast %scan3A_264 : i32 to index
        %get3A_273 = arith.constant 0 : index
        %get3A_274 = tpu.vector_load %arg8[%get3A_271, %get3A_272, %get3A_273] {strides = array<i32>} : memref<2x32x1024xf32, #tpu.memory_space<vmem>>, vector<1x1x16xf32>,
        %get3A_275 = vector.shape_cast %get3A_274 : vector<1x1x16xf32> to vector<16xf32>
        %div3A = arith.divf %get3A_275, %get3A_269 : vector<16xf32>
        %swap3A = arith.constant 0 : i32
        %swap3A_276 = arith.index_cast %swap3A : i32 to index
        %swap3A_277 = arith.index_cast %scan3A_264 : i32 to index
        %swap3A_278 = arith.constant 0 : index
        %swap3A_279 = tpu.vector_load %arg8[%swap3A_276, %swap3A_277, %swap3A_278] {strides = array<i32>} : memref<2x32x1024xf32, #tpu.memory_space<vmem>>, vector<1x1x16xf32>,
        %swap3A_280 = vector.shape_cast %swap3A_279 : vector<1x1x16xf32> to vector<16xf32>
        %swap3A_281 = vector.shape_cast %div3A : vector<16xf32> to vector<1x1x16xf32>
        tpu.vector_store %arg8[%swap3A_276, %swap3A_277, %swap3A_278], %swap3A_281 {strides = array<i32>} : memref<2x32x1024xf32, #tpu.memory_space<vmem>>, vector<1x1x16xf32>,
        %get3A_282 = arith.constant 0 : i32
        %get3A_283 = arith.index_cast %get3A_282 : i32 to index
        %get3A_284 = arith.index_cast %scan3A_264 : i32 to index
        %get3A_285 = arith.constant 16 : index
        %get3A_286 = tpu.vector_load %arg8[%get3A_283, %get3A_284, %get3A_285] {strides = array<i32>} : memref<2x32x1024xf32, #tpu.memory_space<vmem>>, vector<1x1x16xf32>,
        %get3A_287 = vector.shape_cast %get3A_286 : vector<1x1x16xf32> to vector<16xf32>
        %div3A_288 = arith.divf %get3A_287, %get3A_269 : vector<16xf32>
        %swap3A_289 = arith.constant 0 : i32
        %swap3A_290 = arith.index_cast %swap3A_289 : i32 to index
        %swap3A_291 = arith.index_cast %scan3A_264 : i32 to index
        %swap3A_292 = arith.constant 16 : index
        %swap3A_293 = tpu.vector_load %arg8[%swap3A_290, %swap3A_291, %swap3A_292] {strides = array<i32>} : memref<2x32x1024xf32, #tpu.memory_space<vmem>>, vector<1x1x16xf32>,
        %swap3A_294 = vector.shape_cast %swap3A_293 : vector<1x1x16xf32> to vector<16xf32>
        %swap3A_295 = vector.shape_cast %div3A_288 : vector<16xf32> to vector<1x1x16xf32>
        tpu.vector_store %arg8[%swap3A_290, %swap3A_291, %swap3A_292], %swap3A_295 {strides = array<i32>} : memref<2x32x1024xf32, #tpu.memory_space<vmem>>, vector<1x1x16xf32>,
        %get3A_296 = arith.constant 0 : i32
        %get3A_297 = arith.index_cast %get3A_296 : i32 to index
        %get3A_298 = arith.index_cast %scan3A_264 : i32 to index
        %get3A_299 = arith.constant 32 : index
        %get3A_300 = tpu.vector_load %arg8[%get3A_297, %get3A_298, %get3A_299] {strides = array<i32>} : memref<2x32x1024xf32, #tpu.memory_space<vmem>>, vector<1x1x16xf32>,
        %get3A_301 = vector.shape_cast %get3A_300 : vector<1x1x16xf32> to vector<16xf32>
        %div3A_302 = arith.divf %get3A_301, %get3A_269 : vector<16xf32>
        %swap3A_303 = arith.constant 0 : i32
        %swap3A_304 = arith.index_cast %swap3A_303 : i32 to index
        %swap3A_305 = arith.index_cast %scan3A_264 : i32 to index
        %swap3A_306 = arith.constant 32 : index
        %swap3A_307 = tpu.vector_load %arg8[%swap3A_304, %swap3A_305, %swap3A_306] {strides = array<i32>} : memref<2x32x1024xf32, #tpu.memory_space<vmem>>, vector<1x1x16xf32>,
        %swap3A_308 = vector.shape_cast %swap3A_307 : vector<1x1x16xf32> to vector<16xf32>
        %swap3A_309 = vector.shape_cast %div3A_302 : vector<16xf32> to vector<1x1x16xf32>
        tpu.vector_store %arg8[%swap3A_304, %swap3A_305, %swap3A_306], %swap3A_309 {strides = array<i32>} : memref<2x32x1024xf32, #tpu.memory_space<vmem>>, vector<1x1x16xf32>,
        %get3A_310 = arith.constant 0 : i32
        %get3A_311 = arith.index_cast %get3A_310 : i32 to index
        %get3A_312 = arith.index_cast %scan3A_264 : i32 to index
        %get3A_313 = arith.constant 48 : index
        %get3A_314 = tpu.vector_load %arg8[%get3A_311, %get3A_312, %get3A_313] {strides = array<i32>} : memref<2x32x1024xf32, #tpu.memory_space<vmem>>, vector<1x1x16xf32>,
        %get3A_315 = vector.shape_cast %get3A_314 : vector<1x1x16xf32> to vector<16xf32>
        %div3A_316 = arith.divf %get3A_315, %get3A_269 : vector<16xf32>
        %swap3A_317 = arith.constant 0 : i32
        %swap3A_318 = arith.index_cast %swap3A_317 : i32 to index
        %swap3A_319 = arith.index_cast %scan3A_264 : i32 to index
        %swap3A_320 = arith.constant 48 : index
        %swap3A_321 = tpu.vector_load %arg8[%swap3A_318, %swap3A_319, %swap3A_320] {strides = array<i32>} : memref<2x32x1024xf32, #tpu.memory_space<vmem>>, vector<1x1x16xf32>,
        %swap3A_322 = vector.shape_cast %swap3A_321 : vector<1x1x16xf32> to vector<16xf32>
        %swap3A_323 = vector.shape_cast %div3A_316 : vector<16xf32> to vector<1x1x16xf32>
        tpu.vector_store %arg8[%swap3A_318, %swap3A_319, %swap3A_320], %swap3A_323 {strides = array<i32>} : memref<2x32x1024xf32, #tpu.memory_space<vmem>>, vector<1x1x16xf32>,
        %get3A_324 = arith.constant 0 : i32
        %get3A_325 = arith.index_cast %get3A_324 : i32 to index
        %get3A_326 = arith.index_cast %scan3A_264 : i32 to index
        %get3A_327 = arith.constant 64 : index
        %get3A_328 = tpu.vector_load %arg8[%get3A_325, %get3A_326, %get3A_327] {strides = array<i32>} : memref<2x32x1024xf32, #tpu.memory_space<vmem>>, vector<1x1x16xf32>,
        %get3A_329 = vector.shape_cast %get3A_328 : vector<1x1x16xf32> to vector<16xf32>
        %div3A_330 = arith.divf %get3A_329, %get3A_269 : vector<16xf32>
        %swap3A_331 = arith.constant 0 : i32
        %swap3A_332 = arith.index_cast %swap3A_331 : i32 to index
        %swap3A_333 = arith.index_cast %scan3A_264 : i32 to index
        %swap3A_334 = arith.constant 64 : index
        %swap3A_335 = tpu.vector_load %arg8[%swap3A_332, %swap3A_333, %swap3A_334] {strides = array<i32>} : memref<2x32x1024xf32, #tpu.memory_space<vmem>>, vector<1x1x16xf32>,
        %swap3A_336 = vector.shape_cast %swap3A_335 : vector<1x1x16xf32> to vector<16xf32>
        %swap3A_337 = vector.shape_cast %div3A_330 : vector<16xf32> to vector<1x1x16xf32>
        tpu.vector_store %arg8[%swap3A_332, %swap3A_333, %swap3A_334], %swap3A_337 {strides = array<i32>} : memref<2x32x1024xf32, #tpu.memory_space<vmem>>, vector<1x1x16xf32>,
        %get3A_338 = arith.constant 0 : i32
        %get3A_339 = arith.index_cast %get3A_338 : i32 to index
        %get3A_340 = arith.index_cast %scan3A_264 : i32 to index
        %get3A_341 = arith.constant 80 : index
        %get3A_342 = tpu.vector_load %arg8[%get3A_339, %get3A_340, %get3A_341] {strides = array<i32>} : memref<2x32x1024xf32, #tpu.memory_space<vmem>>, vector<1x1x16xf32>,
        %get3A_343 = vector.shape_cast %get3A_342 : vector<1x1x16xf32> to vector<16xf32>
        %div3A_344 = arith.divf %get3A_343, %get3A_269 : vector<16xf32>
        %swap3A_345 = arith.constant 0 : i32
        %swap3A_346 = arith.index_cast %swap3A_345 : i32 to index
        %swap3A_347 = arith.index_cast %scan3A_264 : i32 to index
        %swap3A_348 = arith.constant 80 : index
        %swap3A_349 = tpu.vector_load %arg8[%swap3A_346, %swap3A_347, %swap3A_348] {strides = array<i32>} : memref<2x32x1024xf32, #tpu.memory_space<vmem>>, vector<1x1x16xf32>,
        %swap3A_350 = vector.shape_cast %swap3A_349 : vector<1x1x16xf32> to vector<16xf32>
        %swap3A_351 = vector.shape_cast %div3A_344 : vector<16xf32> to vector<1x1x16xf32>
        tpu.vector_store %arg8[%swap3A_346, %swap3A_347, %swap3A_348], %swap3A_351 {strides = array<i32>} : memref<2x32x1024xf32, #tpu.memory_space<vmem>>, vector<1x1x16xf32>,
        %get3A_352 = arith.constant 0 : i32
        %get3A_353 = arith.index_cast %get3A_352 : i32 to index
        %get3A_354 = arith.index_cast %scan3A_264 : i32 to index
        %get3A_355 = arith.constant 96 : index
        %get3A_356 = tpu.vector_load %arg8[%get3A_353, %get3A_354, %get3A_355] {strides = array<i32>} : memref<2x32x1024xf32, #tpu.memory_space<vmem>>, vector<1x1x16xf32>,
        %get3A_357 = vector.shape_cast %get3A_356 : vector<1x1x16xf32> to vector<16xf32>
        %div3A_358 = arith.divf %get3A_357, %get3A_269 : vector<16xf32>
        %swap3A_359 = arith.constant 0 : i32
        %swap3A_360 = arith.index_cast %swap3A_359 : i32 to index
        %swap3A_361 = arith.index_cast %scan3A_264 : i32 to index
        %swap3A_362 = arith.constant 96 : index
        %swap3A_363 = tpu.vector_load %arg8[%swap3A_360, %swap3A_361, %swap3A_362] {strides = array<i32>} : memref<2x32x1024xf32, #tpu.memory_space<vmem>>, vector<1x1x16xf32>,
        %swap3A_364 = vector.shape_cast %swap3A_363 : vector<1x1x16xf32> to vector<16xf32>
        %swap3A_365 = vector.shape_cast %div3A_358 : vector<16xf32> to vector<1x1x16xf32>
        tpu.vector_store %arg8[%swap3A_360, %swap3A_361, %swap3A_362], %swap3A_365 {strides = array<i32>} : memref<2x32x1024xf32, #tpu.memory_space<vmem>>, vector<1x1x16xf32>,
        %get3A_366 = arith.constant 0 : i32
        %get3A_367 = arith.index_cast %get3A_366 : i32 to index
        %get3A_368 = arith.index_cast %scan3A_264 : i32 to index
        %get3A_369 = arith.constant 112 : index
        %get3A_370 = tpu.vector_load %arg8[%get3A_367, %get3A_368, %get3A_369] {strides = array<i32>} : memref<2x32x1024xf32, #tpu.memory_space<vmem>>, vector<1x1x16xf32>,
        %get3A_371 = vector.shape_cast %get3A_370 : vector<1x1x16xf32> to vector<16xf32>
        %div3A_372 = arith.divf %get3A_371, %get3A_269 : vector<16xf32>
        %swap3A_373 = arith.constant 0 : i32
        %swap3A_374 = arith.index_cast %swap3A_373 : i32 to index
        %swap3A_375 = arith.index_cast %scan3A_264 : i32 to index
        %swap3A_376 = arith.constant 112 : index
        %swap3A_377 = tpu.vector_load %arg8[%swap3A_374, %swap3A_375, %swap3A_376] {strides = array<i32>} : memref<2x32x1024xf32, #tpu.memory_space<vmem>>, vector<1x1x16xf32>,
        %swap3A_378 = vector.shape_cast %swap3A_377 : vector<1x1x16xf32> to vector<16xf32>
        %swap3A_379 = vector.shape_cast %div3A_372 : vector<16xf32> to vector<1x1x16xf32>
        tpu.vector_store %arg8[%swap3A_374, %swap3A_375, %swap3A_376], %swap3A_379 {strides = array<i32>} : memref<2x32x1024xf32, #tpu.memory_space<vmem>>, vector<1x1x16xf32>,
        %get3A_380 = arith.constant 0 : i32
        %get3A_381 = arith.index_cast %get3A_380 : i32 to index
        %get3A_382 = arith.index_cast %scan3A_264 : i32 to index
        %get3A_383 = arith.constant 128 : index
        %get3A_384 = tpu.vector_load %arg8[%get3A_381, %get3A_382, %get3A_383] {strides = array<i32>} : memref<2x32x1024xf32, #tpu.memory_space<vmem>>, vector<1x1x16xf32>,
        %get3A_385 = vector.shape_cast %get3A_384 : vector<1x1x16xf32> to vector<16xf32>
        %div3A_386 = arith.divf %get3A_385, %get3A_269 : vector<16xf32>
        %swap3A_387 = arith.constant 0 : i32
        %swap3A_388 = arith.index_cast %swap3A_387 : i32 to index
        %swap3A_389 = arith.index_cast %scan3A_264 : i32 to index
        %swap3A_390 = arith.constant 128 : index
        %swap3A_391 = tpu.vector_load %arg8[%swap3A_388, %swap3A_389, %swap3A_390] {strides = array<i32>} : memref<2x32x1024xf32, #tpu.memory_space<vmem>>, vector<1x1x16xf32>,
        %swap3A_392 = vector.shape_cast %swap3A_391 : vector<1x1x16xf32> to vector<16xf32>
        %swap3A_393 = vector.shape_cast %div3A_386 : vector<16xf32> to vector<1x1x16xf32>
        tpu.vector_store %arg8[%swap3A_388, %swap3A_389, %swap3A_390], %swap3A_393 {strides = array<i32>} : memref<2x32x1024xf32, #tpu.memory_space<vmem>>, vector<1x1x16xf32>,
        %get3A_394 = arith.constant 0 : i32
        %get3A_395 = arith.index_cast %get3A_394 : i32 to index
        %get3A_396 = arith.index_cast %scan3A_264 : i32 to index
        %get3A_397 = arith.constant 144 : index
        %get3A_398 = tpu.vector_load %arg8[%get3A_395, %get3A_396, %get3A_397] {strides = array<i32>} : memref<2x32x1024xf32, #tpu.memory_space<vmem>>, vector<1x1x16xf32>,
        %get3A_399 = vector.shape_cast %get3A_398 : vector<1x1x16xf32> to vector<16xf32>
        %div3A_400 = arith.divf %get3A_399, %get3A_269 : vector<16xf32>
        %swap3A_401 = arith.constant 0 : i32
        %swap3A_402 = arith.index_cast %swap3A_401 : i32 to index
        %swap3A_403 = arith.index_cast %scan3A_264 : i32 to index
        %swap3A_404 = arith.constant 144 : index
        %swap3A_405 = tpu.vector_load %arg8[%swap3A_402, %swap3A_403, %swap3A_404] {strides = array<i32>} : memref<2x32x1024xf32, #tpu.memory_space<vmem>>, vector<1x1x16xf32>,
        %swap3A_406 = vector.shape_cast %swap3A_405 : vector<1x1x16xf32> to vector<16xf32>
        %swap3A_407 = vector.shape_cast %div3A_400 : vector<16xf32> to vector<1x1x16xf32>
        tpu.vector_store %arg8[%swap3A_402, %swap3A_403, %swap3A_404], %swap3A_407 {strides = array<i32>} : memref<2x32x1024xf32, #tpu.memory_space<vmem>>, vector<1x1x16xf32>,
        %get3A_408 = arith.constant 0 : i32
        %get3A_409 = arith.index_cast %get3A_408 : i32 to index
        %get3A_410 = arith.index_cast %scan3A_264 : i32 to index
        %get3A_411 = arith.constant 160 : index
        %get3A_412 = tpu.vector_load %arg8[%get3A_409, %get3A_410, %get3A_411] {strides = array<i32>} : memref<2x32x1024xf32, #tpu.memory_space<vmem>>, vector<1x1x16xf32>,
        %get3A_413 = vector.shape_cast %get3A_412 : vector<1x1x16xf32> to vector<16xf32>
        %div3A_414 = arith.divf %get3A_413, %get3A_269 : vector<16xf32>
        %swap3A_415 = arith.constant 0 : i32
        %swap3A_416 = arith.index_cast %swap3A_415 : i32 to index
        %swap3A_417 = arith.index_cast %scan3A_264 : i32 to index
        %swap3A_418 = arith.constant 160 : index
        %swap3A_419 = tpu.vector_load %arg8[%swap3A_416, %swap3A_417, %swap3A_418] {strides = array<i32>} : memref<2x32x1024xf32, #tpu.memory_space<vmem>>, vector<1x1x16xf32>,
        %swap3A_420 = vector.shape_cast %swap3A_419 : vector<1x1x16xf32> to vector<16xf32>
        %swap3A_421 = vector.shape_cast %div3A_414 : vector<16xf32> to vector<1x1x16xf32>
        tpu.vector_store %arg8[%swap3A_416, %swap3A_417, %swap3A_418], %swap3A_421 {strides = array<i32>} : memref<2x32x1024xf32, #tpu.memory_space<vmem>>, vector<1x1x16xf32>,
        %get3A_422 = arith.constant 0 : i32
        %get3A_423 = arith.index_cast %get3A_422 : i32 to index
        %get3A_424 = arith.index_cast %scan3A_264 : i32 to index
        %get3A_425 = arith.constant 176 : index
        %get3A_426 = tpu.vector_load %arg8[%get3A_423, %get3A_424, %get3A_425] {strides = array<i32>} : memref<2x32x1024xf32, #tpu.memory_space<vmem>>, vector<1x1x16xf32>,
        %get3A_427 = vector.shape_cast %get3A_426 : vector<1x1x16xf32> to vector<16xf32>
        %div3A_428 = arith.divf %get3A_427, %get3A_269 : vector<16xf32>
        %swap3A_429 = arith.constant 0 : i32
        %swap3A_430 = arith.index_cast %swap3A_429 : i32 to index
        %swap3A_431 = arith.index_cast %scan3A_264 : i32 to index
        %swap3A_432 = arith.constant 176 : index
        %swap3A_433 = tpu.vector_load %arg8[%swap3A_430, %swap3A_431, %swap3A_432] {strides = array<i32>} : memref<2x32x1024xf32, #tpu.memory_space<vmem>>, vector<1x1x16xf32>,
        %swap3A_434 = vector.shape_cast %swap3A_433 : vector<1x1x16xf32> to vector<16xf32>
        %swap3A_435 = vector.shape_cast %div3A_428 : vector<16xf32> to vector<1x1x16xf32>
        tpu.vector_store %arg8[%swap3A_430, %swap3A_431, %swap3A_432], %swap3A_435 {strides = array<i32>} : memref<2x32x1024xf32, #tpu.memory_space<vmem>>, vector<1x1x16xf32>,
        %get3A_436 = arith.constant 0 : i32
        %get3A_437 = arith.index_cast %get3A_436 : i32 to index
        %get3A_438 = arith.index_cast %scan3A_264 : i32 to index
        %get3A_439 = arith.constant 192 : index
        %get3A_440 = tpu.vector_load %arg8[%get3A_437, %get3A_438, %get3A_439] {strides = array<i32>} : memref<2x32x1024xf32, #tpu.memory_space<vmem>>, vector<1x1x16xf32>,
        %get3A_441 = vector.shape_cast %get3A_440 : vector<1x1x16xf32> to vector<16xf32>
        %div3A_442 = arith.divf %get3A_441, %get3A_269 : vector<16xf32>
        %swap3A_443 = arith.constant 0 : i32
        %swap3A_444 = arith.index_cast %swap3A_443 : i32 to index
        %swap3A_445 = arith.index_cast %scan3A_264 : i32 to index
        %swap3A_446 = arith.constant 192 : index
        %swap3A_447 = tpu.vector_load %arg8[%swap3A_444, %swap3A_445, %swap3A_446] {strides = array<i32>} : memref<2x32x1024xf32, #tpu.memory_space<vmem>>, vector<1x1x16xf32>,
        %swap3A_448 = vector.shape_cast %swap3A_447 : vector<1x1x16xf32> to vector<16xf32>
        %swap3A_449 = vector.shape_cast %div3A_442 : vector<16xf32> to vector<1x1x16xf32>
        tpu.vector_store %arg8[%swap3A_444, %swap3A_445, %swap3A_446], %swap3A_449 {strides = array<i32>} : memref<2x32x1024xf32, #tpu.memory_space<vmem>>, vector<1x1x16xf32>,
        %get3A_450 = arith.constant 0 : i32
        %get3A_451 = arith.index_cast %get3A_450 : i32 to index
        %get3A_452 = arith.index_cast %scan3A_264 : i32 to index
        %get3A_453 = arith.constant 208 : index
        %get3A_454 = tpu.vector_load %arg8[%get3A_451, %get3A_452, %get3A_453] {strides = array<i32>} : memref<2x32x1024xf32, #tpu.memory_space<vmem>>, vector<1x1x16xf32>,
        %get3A_455 = vector.shape_cast %get3A_454 : vector<1x1x16xf32> to vector<16xf32>
        %div3A_456 = arith.divf %get3A_455, %get3A_269 : vector<16xf32>
        %swap3A_457 = arith.constant 0 : i32
        %swap3A_458 = arith.index_cast %swap3A_457 : i32 to index
        %swap3A_459 = arith.index_cast %scan3A_264 : i32 to index
        %swap3A_460 = arith.constant 208 : index
        %swap3A_461 = tpu.vector_load %arg8[%swap3A_458, %swap3A_459, %swap3A_460] {strides = array<i32>} : memref<2x32x1024xf32, #tpu.memory_space<vmem>>, vector<1x1x16xf32>,
        %swap3A_462 = vector.shape_cast %swap3A_461 : vector<1x1x16xf32> to vector<16xf32>
        %swap3A_463 = vector.shape_cast %div3A_456 : vector<16xf32> to vector<1x1x16xf32>
        tpu.vector_store %arg8[%swap3A_458, %swap3A_459, %swap3A_460], %swap3A_463 {strides = array<i32>} : memref<2x32x1024xf32, #tpu.memory_space<vmem>>, vector<1x1x16xf32>,
        %get3A_464 = arith.constant 0 : i32
        %get3A_465 = arith.index_cast %get3A_464 : i32 to index
        %get3A_466 = arith.index_cast %scan3A_264 : i32 to index
        %get3A_467 = arith.constant 224 : index
        %get3A_468 = tpu.vector_load %arg8[%get3A_465, %get3A_466, %get3A_467] {strides = array<i32>} : memref<2x32x1024xf32, #tpu.memory_space<vmem>>, vector<1x1x16xf32>,
        %get3A_469 = vector.shape_cast %get3A_468 : vector<1x1x16xf32> to vector<16xf32>
        %div3A_470 = arith.divf %get3A_469, %get3A_269 : vector<16xf32>
        %swap3A_471 = arith.constant 0 : i32
        %swap3A_472 = arith.index_cast %swap3A_471 : i32 to index
        %swap3A_473 = arith.index_cast %scan3A_264 : i32 to index
        %swap3A_474 = arith.constant 224 : index
        %swap3A_475 = tpu.vector_load %arg8[%swap3A_472, %swap3A_473, %swap3A_474] {strides = array<i32>} : memref<2x32x1024xf32, #tpu.memory_space<vmem>>, vector<1x1x16xf32>,
        %swap3A_476 = vector.shape_cast %swap3A_475 : vector<1x1x16xf32> to vector<16xf32>
        %swap3A_477 = vector.shape_cast %div3A_470 : vector<16xf32> to vector<1x1x16xf32>
        tpu.vector_store %arg8[%swap3A_472, %swap3A_473, %swap3A_474], %swap3A_477 {strides = array<i32>} : memref<2x32x1024xf32, #tpu.memory_space<vmem>>, vector<1x1x16xf32>,
        %get3A_478 = arith.constant 0 : i32
        %get3A_479 = arith.index_cast %get3A_478 : i32 to index
        %get3A_480 = arith.index_cast %scan3A_264 : i32 to index
        %get3A_481 = arith.constant 240 : index
        %get3A_482 = tpu.vector_load %arg8[%get3A_479, %get3A_480, %get3A_481] {strides = array<i32>} : memref<2x32x1024xf32, #tpu.memory_space<vmem>>, vector<1x1x16xf32>,
        %get3A_483 = vector.shape_cast %get3A_482 : vector<1x1x16xf32> to vector<16xf32>
        %div3A_484 = arith.divf %get3A_483, %get3A_269 : vector<16xf32>
        %swap3A_485 = arith.constant 0 : i32
        %swap3A_486 = arith.index_cast %swap3A_485 : i32 to index
        %swap3A_487 = arith.index_cast %scan3A_264 : i32 to index
        %swap3A_488 = arith.constant 240 : index
        %swap3A_489 = tpu.vector_load %arg8[%swap3A_486, %swap3A_487, %swap3A_488] {strides = array<i32>} : memref<2x32x1024xf32, #tpu.memory_space<vmem>>, vector<1x1x16xf32>,
        %swap3A_490 = vector.shape_cast %swap3A_489 : vector<1x1x16xf32> to vector<16xf32>
        %swap3A_491 = vector.shape_cast %div3A_484 : vector<16xf32> to vector<1x1x16xf32>
        tpu.vector_store %arg8[%swap3A_486, %swap3A_487, %swap3A_488], %swap3A_491 {strides = array<i32>} : memref<2x32x1024xf32, #tpu.memory_space<vmem>>, vector<1x1x16xf32>,
        %get3A_492 = arith.constant 0 : i32
        %get3A_493 = arith.index_cast %get3A_492 : i32 to index
        %get3A_494 = arith.index_cast %scan3A_264 : i32 to index
        %get3A_495 = arith.constant 256 : index
        %get3A_496 = tpu.vector_load %arg8[%get3A_493, %get3A_494, %get3A_495] {strides = array<i32>} : memref<2x32x1024xf32, #tpu.memory_space<vmem>>, vector<1x1x16xf32>,
        %get3A_497 = vector.shape_cast %get3A_496 : vector<1x1x16xf32> to vector<16xf32>
        %div3A_498 = arith.divf %get3A_497, %get3A_269 : vector<16xf32>
        %swap3A_499 = arith.constant 0 : i32
        %swap3A_500 = arith.index_cast %swap3A_499 : i32 to index
        %swap3A_501 = arith.index_cast %scan3A_264 : i32 to index
        %swap3A_502 = arith.constant 256 : index
        %swap3A_503 = tpu.vector_load %arg8[%swap3A_500, %swap3A_501, %swap3A_502] {strides = array<i32>} : memref<2x32x1024xf32, #tpu.memory_space<vmem>>, vector<1x1x16xf32>,
        %swap3A_504 = vector.shape_cast %swap3A_503 : vector<1x1x16xf32> to vector<16xf32>
        %swap3A_505 = vector.shape_cast %div3A_498 : vector<16xf32> to vector<1x1x16xf32>
        tpu.vector_store %arg8[%swap3A_500, %swap3A_501, %swap3A_502], %swap3A_505 {strides = array<i32>} : memref<2x32x1024xf32, #tpu.memory_space<vmem>>, vector<1x1x16xf32>,
        %get3A_506 = arith.constant 0 : i32
        %get3A_507 = arith.index_cast %get3A_506 : i32 to index
        %get3A_508 = arith.index_cast %scan3A_264 : i32 to index
        %get3A_509 = arith.constant 272 : index
        %get3A_510 = tpu.vector_load %arg8[%get3A_507, %get3A_508, %get3A_509] {strides = array<i32>} : memref<2x32x1024xf32, #tpu.memory_space<vmem>>, vector<1x1x16xf32>,
        %get3A_511 = vector.shape_cast %get3A_510 : vector<1x1x16xf32> to vector<16xf32>
        %div3A_512 = arith.divf %get3A_511, %get3A_269 : vector<16xf32>
        %swap3A_513 = arith.constant 0 : i32
        %swap3A_514 = arith.index_cast %swap3A_513 : i32 to index
        %swap3A_515 = arith.index_cast %scan3A_264 : i32 to index
        %swap3A_516 = arith.constant 272 : index
        %swap3A_517 = tpu.vector_load %arg8[%swap3A_514, %swap3A_515, %swap3A_516] {strides = array<i32>} : memref<2x32x1024xf32, #tpu.memory_space<vmem>>, vector<1x1x16xf32>,
        %swap3A_518 = vector.shape_cast %swap3A_517 : vector<1x1x16xf32> to vector<16xf32>
        %swap3A_519 = vector.shape_cast %div3A_512 : vector<16xf32> to vector<1x1x16xf32>
        tpu.vector_store %arg8[%swap3A_514, %swap3A_515, %swap3A_516], %swap3A_519 {strides = array<i32>} : memref<2x32x1024xf32, #tpu.memory_space<vmem>>, vector<1x1x16xf32>,
        %get3A_520 = arith.constant 0 : i32
        %get3A_521 = arith.index_cast %get3A_520 : i32 to index
        %get3A_522 = arith.index_cast %scan3A_264 : i32 to index
        %get3A_523 = arith.constant 288 : index
        %get3A_524 = tpu.vector_load %arg8[%get3A_521, %get3A_522, %get3A_523] {strides = array<i32>} : memref<2x32x1024xf32, #tpu.memory_space<vmem>>, vector<1x1x16xf32>,
        %get3A_525 = vector.shape_cast %get3A_524 : vector<1x1x16xf32> to vector<16xf32>
        %div3A_526 = arith.divf %get3A_525, %get3A_269 : vector<16xf32>
        %swap3A_527 = arith.constant 0 : i32
        %swap3A_528 = arith.index_cast %swap3A_527 : i32 to index
        %swap3A_529 = arith.index_cast %scan3A_264 : i32 to index
        %swap3A_530 = arith.constant 288 : index
        %swap3A_531 = tpu.vector_load %arg8[%swap3A_528, %swap3A_529, %swap3A_530] {strides = array<i32>} : memref<2x32x1024xf32, #tpu.memory_space<vmem>>, vector<1x1x16xf32>,
        %swap3A_532 = vector.shape_cast %swap3A_531 : vector<1x1x16xf32> to vector<16xf32>
        %swap3A_533 = vector.shape_cast %div3A_526 : vector<16xf32> to vector<1x1x16xf32>
        tpu.vector_store %arg8[%swap3A_528, %swap3A_529, %swap3A_530], %swap3A_533 {strides = array<i32>} : memref<2x32x1024xf32, #tpu.memory_space<vmem>>, vector<1x1x16xf32>,
        %get3A_534 = arith.constant 0 : i32
        %get3A_535 = arith.index_cast %get3A_534 : i32 to index
        %get3A_536 = arith.index_cast %scan3A_264 : i32 to index
        %get3A_537 = arith.constant 304 : index
        %get3A_538 = tpu.vector_load %arg8[%get3A_535, %get3A_536, %get3A_537] {strides = array<i32>} : memref<2x32x1024xf32, #tpu.memory_space<vmem>>, vector<1x1x16xf32>,
        %get3A_539 = vector.shape_cast %get3A_538 : vector<1x1x16xf32> to vector<16xf32>
        %div3A_540 = arith.divf %get3A_539, %get3A_269 : vector<16xf32>
        %swap3A_541 = arith.constant 0 : i32
        %swap3A_542 = arith.index_cast %swap3A_541 : i32 to index
        %swap3A_543 = arith.index_cast %scan3A_264 : i32 to index
        %swap3A_544 = arith.constant 304 : index
        %swap3A_545 = tpu.vector_load %arg8[%swap3A_542, %swap3A_543, %swap3A_544] {strides = array<i32>} : memref<2x32x1024xf32, #tpu.memory_space<vmem>>, vector<1x1x16xf32>,
        %swap3A_546 = vector.shape_cast %swap3A_545 : vector<1x1x16xf32> to vector<16xf32>
        %swap3A_547 = vector.shape_cast %div3A_540 : vector<16xf32> to vector<1x1x16xf32>
        tpu.vector_store %arg8[%swap3A_542, %swap3A_543, %swap3A_544], %swap3A_547 {strides = array<i32>} : memref<2x32x1024xf32, #tpu.memory_space<vmem>>, vector<1x1x16xf32>,
        %get3A_548 = arith.constant 0 : i32
        %get3A_549 = arith.index_cast %get3A_548 : i32 to index
        %get3A_550 = arith.index_cast %scan3A_264 : i32 to index
        %get3A_551 = arith.constant 320 : index
        %get3A_552 = tpu.vector_load %arg8[%get3A_549, %get3A_550, %get3A_551] {strides = array<i32>} : memref<2x32x1024xf32, #tpu.memory_space<vmem>>, vector<1x1x16xf32>,
        %get3A_553 = vector.shape_cast %get3A_552 : vector<1x1x16xf32> to vector<16xf32>
        %div3A_554 = arith.divf %get3A_553, %get3A_269 : vector<16xf32>
        %swap3A_555 = arith.constant 0 : i32
        %swap3A_556 = arith.index_cast %swap3A_555 : i32 to index
        %swap3A_557 = arith.index_cast %scan3A_264 : i32 to index
        %swap3A_558 = arith.constant 320 : index
        %swap3A_559 = tpu.vector_load %arg8[%swap3A_556, %swap3A_557, %swap3A_558] {strides = array<i32>} : memref<2x32x1024xf32, #tpu.memory_space<vmem>>, vector<1x1x16xf32>,
        %swap3A_560 = vector.shape_cast %swap3A_559 : vector<1x1x16xf32> to vector<16xf32>
        %swap3A_561 = vector.shape_cast %div3A_554 : vector<16xf32> to vector<1x1x16xf32>
        tpu.vector_store %arg8[%swap3A_556, %swap3A_557, %swap3A_558], %swap3A_561 {strides = array<i32>} : memref<2x32x1024xf32, #tpu.memory_space<vmem>>, vector<1x1x16xf32>,
        %get3A_562 = arith.constant 0 : i32
        %get3A_563 = arith.index_cast %get3A_562 : i32 to index
        %get3A_564 = arith.index_cast %scan3A_264 : i32 to index
        %get3A_565 = arith.constant 336 : index
        %get3A_566 = tpu.vector_load %arg8[%get3A_563, %get3A_564, %get3A_565] {strides = array<i32>} : memref<2x32x1024xf32, #tpu.memory_space<vmem>>, vector<1x1x16xf32>,
        %get3A_567 = vector.shape_cast %get3A_566 : vector<1x1x16xf32> to vector<16xf32>
        %div3A_568 = arith.divf %get3A_567, %get3A_269 : vector<16xf32>
        %swap3A_569 = arith.constant 0 : i32
        %swap3A_570 = arith.index_cast %swap3A_569 : i32 to index
        %swap3A_571 = arith.index_cast %scan3A_264 : i32 to index
        %swap3A_572 = arith.constant 336 : index
        %swap3A_573 = tpu.vector_load %arg8[%swap3A_570, %swap3A_571, %swap3A_572] {strides = array<i32>} : memref<2x32x1024xf32, #tpu.memory_space<vmem>>, vector<1x1x16xf32>,
        %swap3A_574 = vector.shape_cast %swap3A_573 : vector<1x1x16xf32> to vector<16xf32>
        %swap3A_575 = vector.shape_cast %div3A_568 : vector<16xf32> to vector<1x1x16xf32>
        tpu.vector_store %arg8[%swap3A_570, %swap3A_571, %swap3A_572], %swap3A_575 {strides = array<i32>} : memref<2x32x1024xf32, #tpu.memory_space<vmem>>, vector<1x1x16xf32>,
        %get3A_576 = arith.constant 0 : i32
        %get3A_577 = arith.index_cast %get3A_576 : i32 to index
        %get3A_578 = arith.index_cast %scan3A_264 : i32 to index
        %get3A_579 = arith.constant 352 : index
        %get3A_580 = tpu.vector_load %arg8[%get3A_577, %get3A_578, %get3A_579] {strides = array<i32>} : memref<2x32x1024xf32, #tpu.memory_space<vmem>>, vector<1x1x16xf32>,
        %get3A_581 = vector.shape_cast %get3A_580 : vector<1x1x16xf32> to vector<16xf32>
        %div3A_582 = arith.divf %get3A_581, %get3A_269 : vector<16xf32>
        %swap3A_583 = arith.constant 0 : i32
        %swap3A_584 = arith.index_cast %swap3A_583 : i32 to index
        %swap3A_585 = arith.index_cast %scan3A_264 : i32 to index
        %swap3A_586 = arith.constant 352 : index
        %swap3A_587 = tpu.vector_load %arg8[%swap3A_584, %swap3A_585, %swap3A_586] {strides = array<i32>} : memref<2x32x1024xf32, #tpu.memory_space<vmem>>, vector<1x1x16xf32>,
        %swap3A_588 = vector.shape_cast %swap3A_587 : vector<1x1x16xf32> to vector<16xf32>
        %swap3A_589 = vector.shape_cast %div3A_582 : vector<16xf32> to vector<1x1x16xf32>
        tpu.vector_store %arg8[%swap3A_584, %swap3A_585, %swap3A_586], %swap3A_589 {strides = array<i32>} : memref<2x32x1024xf32, #tpu.memory_space<vmem>>, vector<1x1x16xf32>,
        %get3A_590 = arith.constant 0 : i32
        %get3A_591 = arith.index_cast %get3A_590 : i32 to index
        %get3A_592 = arith.index_cast %scan3A_264 : i32 to index
        %get3A_593 = arith.constant 368 : index
        %get3A_594 = tpu.vector_load %arg8[%get3A_591, %get3A_592, %get3A_593] {strides = array<i32>} : memref<2x32x1024xf32, #tpu.memory_space<vmem>>, vector<1x1x16xf32>,
        %get3A_595 = vector.shape_cast %get3A_594 : vector<1x1x16xf32> to vector<16xf32>
        %div3A_596 = arith.divf %get3A_595, %get3A_269 : vector<16xf32>
        %swap3A_597 = arith.constant 0 : i32
        %swap3A_598 = arith.index_cast %swap3A_597 : i32 to index
        %swap3A_599 = arith.index_cast %scan3A_264 : i32 to index
        %swap3A_600 = arith.constant 368 : index
        %swap3A_601 = tpu.vector_load %arg8[%swap3A_598, %swap3A_599, %swap3A_600] {strides = array<i32>} : memref<2x32x1024xf32, #tpu.memory_space<vmem>>, vector<1x1x16xf32>,
        %swap3A_602 = vector.shape_cast %swap3A_601 : vector<1x1x16xf32> to vector<16xf32>
        %swap3A_603 = vector.shape_cast %div3A_596 : vector<16xf32> to vector<1x1x16xf32>
        tpu.vector_store %arg8[%swap3A_598, %swap3A_599, %swap3A_600], %swap3A_603 {strides = array<i32>} : memref<2x32x1024xf32, #tpu.memory_space<vmem>>, vector<1x1x16xf32>,
        %get3A_604 = arith.constant 0 : i32
        %get3A_605 = arith.index_cast %get3A_604 : i32 to index
        %get3A_606 = arith.index_cast %scan3A_264 : i32 to index
        %get3A_607 = arith.constant 384 : index
        %get3A_608 = tpu.vector_load %arg8[%get3A_605, %get3A_606, %get3A_607] {strides = array<i32>} : memref<2x32x1024xf32, #tpu.memory_space<vmem>>, vector<1x1x16xf32>,
        %get3A_609 = vector.shape_cast %get3A_608 : vector<1x1x16xf32> to vector<16xf32>
        %div3A_610 = arith.divf %get3A_609, %get3A_269 : vector<16xf32>
        %swap3A_611 = arith.constant 0 : i32
        %swap3A_612 = arith.index_cast %swap3A_611 : i32 to index
        %swap3A_613 = arith.index_cast %scan3A_264 : i32 to index
        %swap3A_614 = arith.constant 384 : index
        %swap3A_615 = tpu.vector_load %arg8[%swap3A_612, %swap3A_613, %swap3A_614] {strides = array<i32>} : memref<2x32x1024xf32, #tpu.memory_space<vmem>>, vector<1x1x16xf32>,
        %swap3A_616 = vector.shape_cast %swap3A_615 : vector<1x1x16xf32> to vector<16xf32>
        %swap3A_617 = vector.shape_cast %div3A_610 : vector<16xf32> to vector<1x1x16xf32>
        tpu.vector_store %arg8[%swap3A_612, %swap3A_613, %swap3A_614], %swap3A_617 {strides = array<i32>} : memref<2x32x1024xf32, #tpu.memory_space<vmem>>, vector<1x1x16xf32>,
        %get3A_618 = arith.constant 0 : i32
        %get3A_619 = arith.index_cast %get3A_618 : i32 to index
        %get3A_620 = arith.index_cast %scan3A_264 : i32 to index
        %get3A_621 = arith.constant 400 : index
        %get3A_622 = tpu.vector_load %arg8[%get3A_619, %get3A_620, %get3A_621] {strides = array<i32>} : memref<2x32x1024xf32, #tpu.memory_space<vmem>>, vector<1x1x16xf32>,
        %get3A_623 = vector.shape_cast %get3A_622 : vector<1x1x16xf32> to vector<16xf32>
        %div3A_624 = arith.divf %get3A_623, %get3A_269 : vector<16xf32>
        %swap3A_625 = arith.constant 0 : i32
        %swap3A_626 = arith.index_cast %swap3A_625 : i32 to index
        %swap3A_627 = arith.index_cast %scan3A_264 : i32 to index
        %swap3A_628 = arith.constant 400 : index
        %swap3A_629 = tpu.vector_load %arg8[%swap3A_626, %swap3A_627, %swap3A_628] {strides = array<i32>} : memref<2x32x1024xf32, #tpu.memory_space<vmem>>, vector<1x1x16xf32>,
        %swap3A_630 = vector.shape_cast %swap3A_629 : vector<1x1x16xf32> to vector<16xf32>
        %swap3A_631 = vector.shape_cast %div3A_624 : vector<16xf32> to vector<1x1x16xf32>
        tpu.vector_store %arg8[%swap3A_626, %swap3A_627, %swap3A_628], %swap3A_631 {strides = array<i32>} : memref<2x32x1024xf32, #tpu.memory_space<vmem>>, vector<1x1x16xf32>,
        %get3A_632 = arith.constant 0 : i32
        %get3A_633 = arith.index_cast %get3A_632 : i32 to index
        %get3A_634 = arith.index_cast %scan3A_264 : i32 to index
        %get3A_635 = arith.constant 416 : index
        %get3A_636 = tpu.vector_load %arg8[%get3A_633, %get3A_634, %get3A_635] {strides = array<i32>} : memref<2x32x1024xf32, #tpu.memory_space<vmem>>, vector<1x1x16xf32>,
        %get3A_637 = vector.shape_cast %get3A_636 : vector<1x1x16xf32> to vector<16xf32>
        %div3A_638 = arith.divf %get3A_637, %get3A_269 : vector<16xf32>
        %swap3A_639 = arith.constant 0 : i32
        %swap3A_640 = arith.index_cast %swap3A_639 : i32 to index
        %swap3A_641 = arith.index_cast %scan3A_264 : i32 to index
        %swap3A_642 = arith.constant 416 : index
        %swap3A_643 = tpu.vector_load %arg8[%swap3A_640, %swap3A_641, %swap3A_642] {strides = array<i32>} : memref<2x32x1024xf32, #tpu.memory_space<vmem>>, vector<1x1x16xf32>,
        %swap3A_644 = vector.shape_cast %swap3A_643 : vector<1x1x16xf32> to vector<16xf32>
        %swap3A_645 = vector.shape_cast %div3A_638 : vector<16xf32> to vector<1x1x16xf32>
        tpu.vector_store %arg8[%swap3A_640, %swap3A_641, %swap3A_642], %swap3A_645 {strides = array<i32>} : memref<2x32x1024xf32, #tpu.memory_space<vmem>>, vector<1x1x16xf32>,
        %get3A_646 = arith.constant 0 : i32
        %get3A_647 = arith.index_cast %get3A_646 : i32 to index
        %get3A_648 = arith.index_cast %scan3A_264 : i32 to index
        %get3A_649 = arith.constant 432 : index
        %get3A_650 = tpu.vector_load %arg8[%get3A_647, %get3A_648, %get3A_649] {strides = array<i32>} : memref<2x32x1024xf32, #tpu.memory_space<vmem>>, vector<1x1x16xf32>,
        %get3A_651 = vector.shape_cast %get3A_650 : vector<1x1x16xf32> to vector<16xf32>
        %div3A_652 = arith.divf %get3A_651, %get3A_269 : vector<16xf32>
        %swap3A_653 = arith.constant 0 : i32
        %swap3A_654 = arith.index_cast %swap3A_653 : i32 to index
        %swap3A_655 = arith.index_cast %scan3A_264 : i32 to index
        %swap3A_656 = arith.constant 432 : index
        %swap3A_657 = tpu.vector_load %arg8[%swap3A_654, %swap3A_655, %swap3A_656] {strides = array<i32>} : memref<2x32x1024xf32, #tpu.memory_space<vmem>>, vector<1x1x16xf32>,
        %swap3A_658 = vector.shape_cast %swap3A_657 : vector<1x1x16xf32> to vector<16xf32>
        %swap3A_659 = vector.shape_cast %div3A_652 : vector<16xf32> to vector<1x1x16xf32>
        tpu.vector_store %arg8[%swap3A_654, %swap3A_655, %swap3A_656], %swap3A_659 {strides = array<i32>} : memref<2x32x1024xf32, #tpu.memory_space<vmem>>, vector<1x1x16xf32>,
        %get3A_660 = arith.constant 0 : i32
        %get3A_661 = arith.index_cast %get3A_660 : i32 to index
        %get3A_662 = arith.index_cast %scan3A_264 : i32 to index
        %get3A_663 = arith.constant 448 : index
        %get3A_664 = tpu.vector_load %arg8[%get3A_661, %get3A_662, %get3A_663] {strides = array<i32>} : memref<2x32x1024xf32, #tpu.memory_space<vmem>>, vector<1x1x16xf32>,
        %get3A_665 = vector.shape_cast %get3A_664 : vector<1x1x16xf32> to vector<16xf32>
        %div3A_666 = arith.divf %get3A_665, %get3A_269 : vector<16xf32>
        %swap3A_667 = arith.constant 0 : i32
        %swap3A_668 = arith.index_cast %swap3A_667 : i32 to index
        %swap3A_669 = arith.index_cast %scan3A_264 : i32 to index
        %swap3A_670 = arith.constant 448 : index
        %swap3A_671 = tpu.vector_load %arg8[%swap3A_668, %swap3A_669, %swap3A_670] {strides = array<i32>} : memref<2x32x1024xf32, #tpu.memory_space<vmem>>, vector<1x1x16xf32>,
        %swap3A_672 = vector.shape_cast %swap3A_671 : vector<1x1x16xf32> to vector<16xf32>
        %swap3A_673 = vector.shape_cast %div3A_666 : vector<16xf32> to vector<1x1x16xf32>
        tpu.vector_store %arg8[%swap3A_668, %swap3A_669, %swap3A_670], %swap3A_673 {strides = array<i32>} : memref<2x32x1024xf32, #tpu.memory_space<vmem>>, vector<1x1x16xf32>,
        %get3A_674 = arith.constant 0 : i32
        %get3A_675 = arith.index_cast %get3A_674 : i32 to index
        %get3A_676 = arith.index_cast %scan3A_264 : i32 to index
        %get3A_677 = arith.constant 464 : index
        %get3A_678 = tpu.vector_load %arg8[%get3A_675, %get3A_676, %get3A_677] {strides = array<i32>} : memref<2x32x1024xf32, #tpu.memory_space<vmem>>, vector<1x1x16xf32>,
        %get3A_679 = vector.shape_cast %get3A_678 : vector<1x1x16xf32> to vector<16xf32>
        %div3A_680 = arith.divf %get3A_679, %get3A_269 : vector<16xf32>
        %swap3A_681 = arith.constant 0 : i32
        %swap3A_682 = arith.index_cast %swap3A_681 : i32 to index
        %swap3A_683 = arith.index_cast %scan3A_264 : i32 to index
        %swap3A_684 = arith.constant 464 : index
        %swap3A_685 = tpu.vector_load %arg8[%swap3A_682, %swap3A_683, %swap3A_684] {strides = array<i32>} : memref<2x32x1024xf32, #tpu.memory_space<vmem>>, vector<1x1x16xf32>,
        %swap3A_686 = vector.shape_cast %swap3A_685 : vector<1x1x16xf32> to vector<16xf32>
        %swap3A_687 = vector.shape_cast %div3A_680 : vector<16xf32> to vector<1x1x16xf32>
        tpu.vector_store %arg8[%swap3A_682, %swap3A_683, %swap3A_684], %swap3A_687 {strides = array<i32>} : memref<2x32x1024xf32, #tpu.memory_space<vmem>>, vector<1x1x16xf32>,
        %get3A_688 = arith.constant 0 : i32
        %get3A_689 = arith.index_cast %get3A_688 : i32 to index
        %get3A_690 = arith.index_cast %scan3A_264 : i32 to index
        %get3A_691 = arith.constant 480 : index
        %get3A_692 = tpu.vector_load %arg8[%get3A_689, %get3A_690, %get3A_691] {strides = array<i32>} : memref<2x32x1024xf32, #tpu.memory_space<vmem>>, vector<1x1x16xf32>,
        %get3A_693 = vector.shape_cast %get3A_692 : vector<1x1x16xf32> to vector<16xf32>
        %div3A_694 = arith.divf %get3A_693, %get3A_269 : vector<16xf32>
        %swap3A_695 = arith.constant 0 : i32
        %swap3A_696 = arith.index_cast %swap3A_695 : i32 to index
        %swap3A_697 = arith.index_cast %scan3A_264 : i32 to index
        %swap3A_698 = arith.constant 480 : index
        %swap3A_699 = tpu.vector_load %arg8[%swap3A_696, %swap3A_697, %swap3A_698] {strides = array<i32>} : memref<2x32x1024xf32, #tpu.memory_space<vmem>>, vector<1x1x16xf32>,
        %swap3A_700 = vector.shape_cast %swap3A_699 : vector<1x1x16xf32> to vector<16xf32>
        %swap3A_701 = vector.shape_cast %div3A_694 : vector<16xf32> to vector<1x1x16xf32>
        tpu.vector_store %arg8[%swap3A_696, %swap3A_697, %swap3A_698], %swap3A_701 {strides = array<i32>} : memref<2x32x1024xf32, #tpu.memory_space<vmem>>, vector<1x1x16xf32>,
        %get3A_702 = arith.constant 0 : i32
        %get3A_703 = arith.index_cast %get3A_702 : i32 to index
        %get3A_704 = arith.index_cast %scan3A_264 : i32 to index
        %get3A_705 = arith.constant 496 : index
        %get3A_706 = tpu.vector_load %arg8[%get3A_703, %get3A_704, %get3A_705] {strides = array<i32>} : memref<2x32x1024xf32, #tpu.memory_space<vmem>>, vector<1x1x16xf32>,
        %get3A_707 = vector.shape_cast %get3A_706 : vector<1x1x16xf32> to vector<16xf32>
        %div3A_708 = arith.divf %get3A_707, %get3A_269 : vector<16xf32>
        %swap3A_709 = arith.constant 0 : i32
        %swap3A_710 = arith.index_cast %swap3A_709 : i32 to index
        %swap3A_711 = arith.index_cast %scan3A_264 : i32 to index
        %swap3A_712 = arith.constant 496 : index
        %swap3A_713 = tpu.vector_load %arg8[%swap3A_710, %swap3A_711, %swap3A_712] {strides = array<i32>} : memref<2x32x1024xf32, #tpu.memory_space<vmem>>, vector<1x1x16xf32>,
        %swap3A_714 = vector.shape_cast %swap3A_713 : vector<1x1x16xf32> to vector<16xf32>
        %swap3A_715 = vector.shape_cast %div3A_708 : vector<16xf32> to vector<1x1x16xf32>
        tpu.vector_store %arg8[%swap3A_710, %swap3A_711, %swap3A_712], %swap3A_715 {strides = array<i32>} : memref<2x32x1024xf32, #tpu.memory_space<vmem>>, vector<1x1x16xf32>,
        %get3A_716 = arith.constant 0 : i32
        %get3A_717 = arith.index_cast %get3A_716 : i32 to index
        %get3A_718 = arith.index_cast %scan3A_264 : i32 to index
        %get3A_719 = arith.constant 512 : index
        %get3A_720 = tpu.vector_load %arg8[%get3A_717, %get3A_718, %get3A_719] {strides = array<i32>} : memref<2x32x1024xf32, #tpu.memory_space<vmem>>, vector<1x1x16xf32>,
        %get3A_721 = vector.shape_cast %get3A_720 : vector<1x1x16xf32> to vector<16xf32>
        %div3A_722 = arith.divf %get3A_721, %get3A_269 : vector<16xf32>
        %swap3A_723 = arith.constant 0 : i32
        %swap3A_724 = arith.index_cast %swap3A_723 : i32 to index
        %swap3A_725 = arith.index_cast %scan3A_264 : i32 to index
        %swap3A_726 = arith.constant 512 : index
        %swap3A_727 = tpu.vector_load %arg8[%swap3A_724, %swap3A_725, %swap3A_726] {strides = array<i32>} : memref<2x32x1024xf32, #tpu.memory_space<vmem>>, vector<1x1x16xf32>,
        %swap3A_728 = vector.shape_cast %swap3A_727 : vector<1x1x16xf32> to vector<16xf32>
        %swap3A_729 = vector.shape_cast %div3A_722 : vector<16xf32> to vector<1x1x16xf32>
        tpu.vector_store %arg8[%swap3A_724, %swap3A_725, %swap3A_726], %swap3A_729 {strides = array<i32>} : memref<2x32x1024xf32, #tpu.memory_space<vmem>>, vector<1x1x16xf32>,
        %get3A_730 = arith.constant 0 : i32
        %get3A_731 = arith.index_cast %get3A_730 : i32 to index
        %get3A_732 = arith.index_cast %scan3A_264 : i32 to index
        %get3A_733 = arith.constant 528 : index
        %get3A_734 = tpu.vector_load %arg8[%get3A_731, %get3A_732, %get3A_733] {strides = array<i32>} : memref<2x32x1024xf32, #tpu.memory_space<vmem>>, vector<1x1x16xf32>,
        %get3A_735 = vector.shape_cast %get3A_734 : vector<1x1x16xf32> to vector<16xf32>
        %div3A_736 = arith.divf %get3A_735, %get3A_269 : vector<16xf32>
        %swap3A_737 = arith.constant 0 : i32
        %swap3A_738 = arith.index_cast %swap3A_737 : i32 to index
        %swap3A_739 = arith.index_cast %scan3A_264 : i32 to index
        %swap3A_740 = arith.constant 528 : index
        %swap3A_741 = tpu.vector_load %arg8[%swap3A_738, %swap3A_739, %swap3A_740] {strides = array<i32>} : memref<2x32x1024xf32, #tpu.memory_space<vmem>>, vector<1x1x16xf32>,
        %swap3A_742 = vector.shape_cast %swap3A_741 : vector<1x1x16xf32> to vector<16xf32>
        %swap3A_743 = vector.shape_cast %div3A_736 : vector<16xf32> to vector<1x1x16xf32>
        tpu.vector_store %arg8[%swap3A_738, %swap3A_739, %swap3A_740], %swap3A_743 {strides = array<i32>} : memref<2x32x1024xf32, #tpu.memory_space<vmem>>, vector<1x1x16xf32>,
        %get3A_744 = arith.constant 0 : i32
        %get3A_745 = arith.index_cast %get3A_744 : i32 to index
        %get3A_746 = arith.index_cast %scan3A_264 : i32 to index
        %get3A_747 = arith.constant 544 : index
        %get3A_748 = tpu.vector_load %arg8[%get3A_745, %get3A_746, %get3A_747] {strides = array<i32>} : memref<2x32x1024xf32, #tpu.memory_space<vmem>>, vector<1x1x16xf32>,
        %get3A_749 = vector.shape_cast %get3A_748 : vector<1x1x16xf32> to vector<16xf32>
        %div3A_750 = arith.divf %get3A_749, %get3A_269 : vector<16xf32>
        %swap3A_751 = arith.constant 0 : i32
        %swap3A_752 = arith.index_cast %swap3A_751 : i32 to index
        %swap3A_753 = arith.index_cast %scan3A_264 : i32 to index
        %swap3A_754 = arith.constant 544 : index
        %swap3A_755 = tpu.vector_load %arg8[%swap3A_752, %swap3A_753, %swap3A_754] {strides = array<i32>} : memref<2x32x1024xf32, #tpu.memory_space<vmem>>, vector<1x1x16xf32>,
        %swap3A_756 = vector.shape_cast %swap3A_755 : vector<1x1x16xf32> to vector<16xf32>
        %swap3A_757 = vector.shape_cast %div3A_750 : vector<16xf32> to vector<1x1x16xf32>
        tpu.vector_store %arg8[%swap3A_752, %swap3A_753, %swap3A_754], %swap3A_757 {strides = array<i32>} : memref<2x32x1024xf32, #tpu.memory_space<vmem>>, vector<1x1x16xf32>,
        %get3A_758 = arith.constant 0 : i32
        %get3A_759 = arith.index_cast %get3A_758 : i32 to index
        %get3A_760 = arith.index_cast %scan3A_264 : i32 to index
        %get3A_761 = arith.constant 560 : index
        %get3A_762 = tpu.vector_load %arg8[%get3A_759, %get3A_760, %get3A_761] {strides = array<i32>} : memref<2x32x1024xf32, #tpu.memory_space<vmem>>, vector<1x1x16xf32>,
        %get3A_763 = vector.shape_cast %get3A_762 : vector<1x1x16xf32> to vector<16xf32>
        %div3A_764 = arith.divf %get3A_763, %get3A_269 : vector<16xf32>
        %swap3A_765 = arith.constant 0 : i32
        %swap3A_766 = arith.index_cast %swap3A_765 : i32 to index
        %swap3A_767 = arith.index_cast %scan3A_264 : i32 to index
        %swap3A_768 = arith.constant 560 : index
        %swap3A_769 = tpu.vector_load %arg8[%swap3A_766, %swap3A_767, %swap3A_768] {strides = array<i32>} : memref<2x32x1024xf32, #tpu.memory_space<vmem>>, vector<1x1x16xf32>,
        %swap3A_770 = vector.shape_cast %swap3A_769 : vector<1x1x16xf32> to vector<16xf32>
        %swap3A_771 = vector.shape_cast %div3A_764 : vector<16xf32> to vector<1x1x16xf32>
        tpu.vector_store %arg8[%swap3A_766, %swap3A_767, %swap3A_768], %swap3A_771 {strides = array<i32>} : memref<2x32x1024xf32, #tpu.memory_space<vmem>>, vector<1x1x16xf32>,
        %get3A_772 = arith.constant 0 : i32
        %get3A_773 = arith.index_cast %get3A_772 : i32 to index
        %get3A_774 = arith.index_cast %scan3A_264 : i32 to index
        %get3A_775 = arith.constant 576 : index
        %get3A_776 = tpu.vector_load %arg8[%get3A_773, %get3A_774, %get3A_775] {strides = array<i32>} : memref<2x32x1024xf32, #tpu.memory_space<vmem>>, vector<1x1x16xf32>,
        %get3A_777 = vector.shape_cast %get3A_776 : vector<1x1x16xf32> to vector<16xf32>
        %div3A_778 = arith.divf %get3A_777, %get3A_269 : vector<16xf32>
        %swap3A_779 = arith.constant 0 : i32
        %swap3A_780 = arith.index_cast %swap3A_779 : i32 to index
        %swap3A_781 = arith.index_cast %scan3A_264 : i32 to index
        %swap3A_782 = arith.constant 576 : index
        %swap3A_783 = tpu.vector_load %arg8[%swap3A_780, %swap3A_781, %swap3A_782] {strides = array<i32>} : memref<2x32x1024xf32, #tpu.memory_space<vmem>>, vector<1x1x16xf32>,
        %swap3A_784 = vector.shape_cast %swap3A_783 : vector<1x1x16xf32> to vector<16xf32>
        %swap3A_785 = vector.shape_cast %div3A_778 : vector<16xf32> to vector<1x1x16xf32>
        tpu.vector_store %arg8[%swap3A_780, %swap3A_781, %swap3A_782], %swap3A_785 {strides = array<i32>} : memref<2x32x1024xf32, #tpu.memory_space<vmem>>, vector<1x1x16xf32>,
        %get3A_786 = arith.constant 0 : i32
        %get3A_787 = arith.index_cast %get3A_786 : i32 to index
        %get3A_788 = arith.index_cast %scan3A_264 : i32 to index
        %get3A_789 = arith.constant 592 : index
        %get3A_790 = tpu.vector_load %arg8[%get3A_787, %get3A_788, %get3A_789] {strides = array<i32>} : memref<2x32x1024xf32, #tpu.memory_space<vmem>>, vector<1x1x16xf32>,
        %get3A_791 = vector.shape_cast %get3A_790 : vector<1x1x16xf32> to vector<16xf32>
        %div3A_792 = arith.divf %get3A_791, %get3A_269 : vector<16xf32>
        %swap3A_793 = arith.constant 0 : i32
        %swap3A_794 = arith.index_cast %swap3A_793 : i32 to index
        %swap3A_795 = arith.index_cast %scan3A_264 : i32 to index
        %swap3A_796 = arith.constant 592 : index
        %swap3A_797 = tpu.vector_load %arg8[%swap3A_794, %swap3A_795, %swap3A_796] {strides = array<i32>} : memref<2x32x1024xf32, #tpu.memory_space<vmem>>, vector<1x1x16xf32>,
        %swap3A_798 = vector.shape_cast %swap3A_797 : vector<1x1x16xf32> to vector<16xf32>
        %swap3A_799 = vector.shape_cast %div3A_792 : vector<16xf32> to vector<1x1x16xf32>
        tpu.vector_store %arg8[%swap3A_794, %swap3A_795, %swap3A_796], %swap3A_799 {strides = array<i32>} : memref<2x32x1024xf32, #tpu.memory_space<vmem>>, vector<1x1x16xf32>,
        %get3A_800 = arith.constant 0 : i32
        %get3A_801 = arith.index_cast %get3A_800 : i32 to index
        %get3A_802 = arith.index_cast %scan3A_264 : i32 to index
        %get3A_803 = arith.constant 608 : index
        %get3A_804 = tpu.vector_load %arg8[%get3A_801, %get3A_802, %get3A_803] {strides = array<i32>} : memref<2x32x1024xf32, #tpu.memory_space<vmem>>, vector<1x1x16xf32>,
        %get3A_805 = vector.shape_cast %get3A_804 : vector<1x1x16xf32> to vector<16xf32>
        %div3A_806 = arith.divf %get3A_805, %get3A_269 : vector<16xf32>
        %swap3A_807 = arith.constant 0 : i32
        %swap3A_808 = arith.index_cast %swap3A_807 : i32 to index
        %swap3A_809 = arith.index_cast %scan3A_264 : i32 to index
        %swap3A_810 = arith.constant 608 : index
        %swap3A_811 = tpu.vector_load %arg8[%swap3A_808, %swap3A_809, %swap3A_810] {strides = array<i32>} : memref<2x32x1024xf32, #tpu.memory_space<vmem>>, vector<1x1x16xf32>,
        %swap3A_812 = vector.shape_cast %swap3A_811 : vector<1x1x16xf32> to vector<16xf32>
        %swap3A_813 = vector.shape_cast %div3A_806 : vector<16xf32> to vector<1x1x16xf32>
        tpu.vector_store %arg8[%swap3A_808, %swap3A_809, %swap3A_810], %swap3A_813 {strides = array<i32>} : memref<2x32x1024xf32, #tpu.memory_space<vmem>>, vector<1x1x16xf32>,
        %get3A_814 = arith.constant 0 : i32
        %get3A_815 = arith.index_cast %get3A_814 : i32 to index
        %get3A_816 = arith.index_cast %scan3A_264 : i32 to index
        %get3A_817 = arith.constant 624 : index
        %get3A_818 = tpu.vector_load %arg8[%get3A_815, %get3A_816, %get3A_817] {strides = array<i32>} : memref<2x32x1024xf32, #tpu.memory_space<vmem>>, vector<1x1x16xf32>,
        %get3A_819 = vector.shape_cast %get3A_818 : vector<1x1x16xf32> to vector<16xf32>
        %div3A_820 = arith.divf %get3A_819, %get3A_269 : vector<16xf32>
        %swap3A_821 = arith.constant 0 : i32
        %swap3A_822 = arith.index_cast %swap3A_821 : i32 to index
        %swap3A_823 = arith.index_cast %scan3A_264 : i32 to index
        %swap3A_824 = arith.constant 624 : index
        %swap3A_825 = tpu.vector_load %arg8[%swap3A_822, %swap3A_823, %swap3A_824] {strides = array<i32>} : memref<2x32x1024xf32, #tpu.memory_space<vmem>>, vector<1x1x16xf32>,
        %swap3A_826 = vector.shape_cast %swap3A_825 : vector<1x1x16xf32> to vector<16xf32>
        %swap3A_827 = vector.shape_cast %div3A_820 : vector<16xf32> to vector<1x1x16xf32>
        tpu.vector_store %arg8[%swap3A_822, %swap3A_823, %swap3A_824], %swap3A_827 {strides = array<i32>} : memref<2x32x1024xf32, #tpu.memory_space<vmem>>, vector<1x1x16xf32>,
        %get3A_828 = arith.constant 0 : i32
        %get3A_829 = arith.index_cast %get3A_828 : i32 to index
        %get3A_830 = arith.index_cast %scan3A_264 : i32 to index
        %get3A_831 = arith.constant 640 : index
        %get3A_832 = tpu.vector_load %arg8[%get3A_829, %get3A_830, %get3A_831] {strides = array<i32>} : memref<2x32x1024xf32, #tpu.memory_space<vmem>>, vector<1x1x16xf32>,
        %get3A_833 = vector.shape_cast %get3A_832 : vector<1x1x16xf32> to vector<16xf32>
        %div3A_834 = arith.divf %get3A_833, %get3A_269 : vector<16xf32>
        %swap3A_835 = arith.constant 0 : i32
        %swap3A_836 = arith.index_cast %swap3A_835 : i32 to index
        %swap3A_837 = arith.index_cast %scan3A_264 : i32 to index
        %swap3A_838 = arith.constant 640 : index
        %swap3A_839 = tpu.vector_load %arg8[%swap3A_836, %swap3A_837, %swap3A_838] {strides = array<i32>} : memref<2x32x1024xf32, #tpu.memory_space<vmem>>, vector<1x1x16xf32>,
        %swap3A_840 = vector.shape_cast %swap3A_839 : vector<1x1x16xf32> to vector<16xf32>
        %swap3A_841 = vector.shape_cast %div3A_834 : vector<16xf32> to vector<1x1x16xf32>
        tpu.vector_store %arg8[%swap3A_836, %swap3A_837, %swap3A_838], %swap3A_841 {strides = array<i32>} : memref<2x32x1024xf32, #tpu.memory_space<vmem>>, vector<1x1x16xf32>,
        %get3A_842 = arith.constant 0 : i32
        %get3A_843 = arith.index_cast %get3A_842 : i32 to index
        %get3A_844 = arith.index_cast %scan3A_264 : i32 to index
        %get3A_845 = arith.constant 656 : index
        %get3A_846 = tpu.vector_load %arg8[%get3A_843, %get3A_844, %get3A_845] {strides = array<i32>} : memref<2x32x1024xf32, #tpu.memory_space<vmem>>, vector<1x1x16xf32>,
        %get3A_847 = vector.shape_cast %get3A_846 : vector<1x1x16xf32> to vector<16xf32>
        %div3A_848 = arith.divf %get3A_847, %get3A_269 : vector<16xf32>
        %swap3A_849 = arith.constant 0 : i32
        %swap3A_850 = arith.index_cast %swap3A_849 : i32 to index
        %swap3A_851 = arith.index_cast %scan3A_264 : i32 to index
        %swap3A_852 = arith.constant 656 : index
        %swap3A_853 = tpu.vector_load %arg8[%swap3A_850, %swap3A_851, %swap3A_852] {strides = array<i32>} : memref<2x32x1024xf32, #tpu.memory_space<vmem>>, vector<1x1x16xf32>,
        %swap3A_854 = vector.shape_cast %swap3A_853 : vector<1x1x16xf32> to vector<16xf32>
        %swap3A_855 = vector.shape_cast %div3A_848 : vector<16xf32> to vector<1x1x16xf32>
        tpu.vector_store %arg8[%swap3A_850, %swap3A_851, %swap3A_852], %swap3A_855 {strides = array<i32>} : memref<2x32x1024xf32, #tpu.memory_space<vmem>>, vector<1x1x16xf32>,
        %get3A_856 = arith.constant 0 : i32
        %get3A_857 = arith.index_cast %get3A_856 : i32 to index
        %get3A_858 = arith.index_cast %scan3A_264 : i32 to index
        %get3A_859 = arith.constant 672 : index
        %get3A_860 = tpu.vector_load %arg8[%get3A_857, %get3A_858, %get3A_859] {strides = array<i32>} : memref<2x32x1024xf32, #tpu.memory_space<vmem>>, vector<1x1x16xf32>,
        %get3A_861 = vector.shape_cast %get3A_860 : vector<1x1x16xf32> to vector<16xf32>
        %div3A_862 = arith.divf %get3A_861, %get3A_269 : vector<16xf32>
        %swap3A_863 = arith.constant 0 : i32
        %swap3A_864 = arith.index_cast %swap3A_863 : i32 to index
        %swap3A_865 = arith.index_cast %scan3A_264 : i32 to index
        %swap3A_866 = arith.constant 672 : index
        %swap3A_867 = tpu.vector_load %arg8[%swap3A_864, %swap3A_865, %swap3A_866] {strides = array<i32>} : memref<2x32x1024xf32, #tpu.memory_space<vmem>>, vector<1x1x16xf32>,
        %swap3A_868 = vector.shape_cast %swap3A_867 : vector<1x1x16xf32> to vector<16xf32>
        %swap3A_869 = vector.shape_cast %div3A_862 : vector<16xf32> to vector<1x1x16xf32>
        tpu.vector_store %arg8[%swap3A_864, %swap3A_865, %swap3A_866], %swap3A_869 {strides = array<i32>} : memref<2x32x1024xf32, #tpu.memory_space<vmem>>, vector<1x1x16xf32>,
        %get3A_870 = arith.constant 0 : i32
        %get3A_871 = arith.index_cast %get3A_870 : i32 to index
        %get3A_872 = arith.index_cast %scan3A_264 : i32 to index
        %get3A_873 = arith.constant 688 : index
        %get3A_874 = tpu.vector_load %arg8[%get3A_871, %get3A_872, %get3A_873] {strides = array<i32>} : memref<2x32x1024xf32, #tpu.memory_space<vmem>>, vector<1x1x16xf32>,
        %get3A_875 = vector.shape_cast %get3A_874 : vector<1x1x16xf32> to vector<16xf32>
        %div3A_876 = arith.divf %get3A_875, %get3A_269 : vector<16xf32>
        %swap3A_877 = arith.constant 0 : i32
        %swap3A_878 = arith.index_cast %swap3A_877 : i32 to index
        %swap3A_879 = arith.index_cast %scan3A_264 : i32 to index
        %swap3A_880 = arith.constant 688 : index
        %swap3A_881 = tpu.vector_load %arg8[%swap3A_878, %swap3A_879, %swap3A_880] {strides = array<i32>} : memref<2x32x1024xf32, #tpu.memory_space<vmem>>, vector<1x1x16xf32>,
        %swap3A_882 = vector.shape_cast %swap3A_881 : vector<1x1x16xf32> to vector<16xf32>
        %swap3A_883 = vector.shape_cast %div3A_876 : vector<16xf32> to vector<1x1x16xf32>
        tpu.vector_store %arg8[%swap3A_878, %swap3A_879, %swap3A_880], %swap3A_883 {strides = array<i32>} : memref<2x32x1024xf32, #tpu.memory_space<vmem>>, vector<1x1x16xf32>,
        %get3A_884 = arith.constant 0 : i32
        %get3A_885 = arith.index_cast %get3A_884 : i32 to index
        %get3A_886 = arith.index_cast %scan3A_264 : i32 to index
        %get3A_887 = arith.constant 704 : index
        %get3A_888 = tpu.vector_load %arg8[%get3A_885, %get3A_886, %get3A_887] {strides = array<i32>} : memref<2x32x1024xf32, #tpu.memory_space<vmem>>, vector<1x1x16xf32>,
        %get3A_889 = vector.shape_cast %get3A_888 : vector<1x1x16xf32> to vector<16xf32>
        %div3A_890 = arith.divf %get3A_889, %get3A_269 : vector<16xf32>
        %swap3A_891 = arith.constant 0 : i32
        %swap3A_892 = arith.index_cast %swap3A_891 : i32 to index
        %swap3A_893 = arith.index_cast %scan3A_264 : i32 to index
        %swap3A_894 = arith.constant 704 : index
        %swap3A_895 = tpu.vector_load %arg8[%swap3A_892, %swap3A_893, %swap3A_894] {strides = array<i32>} : memref<2x32x1024xf32, #tpu.memory_space<vmem>>, vector<1x1x16xf32>,
        %swap3A_896 = vector.shape_cast %swap3A_895 : vector<1x1x16xf32> to vector<16xf32>
        %swap3A_897 = vector.shape_cast %div3A_890 : vector<16xf32> to vector<1x1x16xf32>
        tpu.vector_store %arg8[%swap3A_892, %swap3A_893, %swap3A_894], %swap3A_897 {strides = array<i32>} : memref<2x32x1024xf32, #tpu.memory_space<vmem>>, vector<1x1x16xf32>,
        %get3A_898 = arith.constant 0 : i32
        %get3A_899 = arith.index_cast %get3A_898 : i32 to index
        %get3A_900 = arith.index_cast %scan3A_264 : i32 to index
        %get3A_901 = arith.constant 720 : index
        %get3A_902 = tpu.vector_load %arg8[%get3A_899, %get3A_900, %get3A_901] {strides = array<i32>} : memref<2x32x1024xf32, #tpu.memory_space<vmem>>, vector<1x1x16xf32>,
        %get3A_903 = vector.shape_cast %get3A_902 : vector<1x1x16xf32> to vector<16xf32>
        %div3A_904 = arith.divf %get3A_903, %get3A_269 : vector<16xf32>
        %swap3A_905 = arith.constant 0 : i32
        %swap3A_906 = arith.index_cast %swap3A_905 : i32 to index
        %swap3A_907 = arith.index_cast %scan3A_264 : i32 to index
        %swap3A_908 = arith.constant 720 : index
        %swap3A_909 = tpu.vector_load %arg8[%swap3A_906, %swap3A_907, %swap3A_908] {strides = array<i32>} : memref<2x32x1024xf32, #tpu.memory_space<vmem>>, vector<1x1x16xf32>,
        %swap3A_910 = vector.shape_cast %swap3A_909 : vector<1x1x16xf32> to vector<16xf32>
        %swap3A_911 = vector.shape_cast %div3A_904 : vector<16xf32> to vector<1x1x16xf32>
        tpu.vector_store %arg8[%swap3A_906, %swap3A_907, %swap3A_908], %swap3A_911 {strides = array<i32>} : memref<2x32x1024xf32, #tpu.memory_space<vmem>>, vector<1x1x16xf32>,
        %get3A_912 = arith.constant 0 : i32
        %get3A_913 = arith.index_cast %get3A_912 : i32 to index
        %get3A_914 = arith.index_cast %scan3A_264 : i32 to index
        %get3A_915 = arith.constant 736 : index
        %get3A_916 = tpu.vector_load %arg8[%get3A_913, %get3A_914, %get3A_915] {strides = array<i32>} : memref<2x32x1024xf32, #tpu.memory_space<vmem>>, vector<1x1x16xf32>,
        %get3A_917 = vector.shape_cast %get3A_916 : vector<1x1x16xf32> to vector<16xf32>
        %div3A_918 = arith.divf %get3A_917, %get3A_269 : vector<16xf32>
        %swap3A_919 = arith.constant 0 : i32
        %swap3A_920 = arith.index_cast %swap3A_919 : i32 to index
        %swap3A_921 = arith.index_cast %scan3A_264 : i32 to index
        %swap3A_922 = arith.constant 736 : index
        %swap3A_923 = tpu.vector_load %arg8[%swap3A_920, %swap3A_921, %swap3A_922] {strides = array<i32>} : memref<2x32x1024xf32, #tpu.memory_space<vmem>>, vector<1x1x16xf32>,
        %swap3A_924 = vector.shape_cast %swap3A_923 : vector<1x1x16xf32> to vector<16xf32>
        %swap3A_925 = vector.shape_cast %div3A_918 : vector<16xf32> to vector<1x1x16xf32>
        tpu.vector_store %arg8[%swap3A_920, %swap3A_921, %swap3A_922], %swap3A_925 {strides = array<i32>} : memref<2x32x1024xf32, #tpu.memory_space<vmem>>, vector<1x1x16xf32>,
        %get3A_926 = arith.constant 0 : i32
        %get3A_927 = arith.index_cast %get3A_926 : i32 to index
        %get3A_928 = arith.index_cast %scan3A_264 : i32 to index
        %get3A_929 = arith.constant 752 : index
        %get3A_930 = tpu.vector_load %arg8[%get3A_927, %get3A_928, %get3A_929] {strides = array<i32>} : memref<2x32x1024xf32, #tpu.memory_space<vmem>>, vector<1x1x16xf32>,
        %get3A_931 = vector.shape_cast %get3A_930 : vector<1x1x16xf32> to vector<16xf32>
        %div3A_932 = arith.divf %get3A_931, %get3A_269 : vector<16xf32>
        %swap3A_933 = arith.constant 0 : i32
        %swap3A_934 = arith.index_cast %swap3A_933 : i32 to index
        %swap3A_935 = arith.index_cast %scan3A_264 : i32 to index
        %swap3A_936 = arith.constant 752 : index
        %swap3A_937 = tpu.vector_load %arg8[%swap3A_934, %swap3A_935, %swap3A_936] {strides = array<i32>} : memref<2x32x1024xf32, #tpu.memory_space<vmem>>, vector<1x1x16xf32>,
        %swap3A_938 = vector.shape_cast %swap3A_937 : vector<1x1x16xf32> to vector<16xf32>
        %swap3A_939 = vector.shape_cast %div3A_932 : vector<16xf32> to vector<1x1x16xf32>
        tpu.vector_store %arg8[%swap3A_934, %swap3A_935, %swap3A_936], %swap3A_939 {strides = array<i32>} : memref<2x32x1024xf32, #tpu.memory_space<vmem>>, vector<1x1x16xf32>,
        %get3A_940 = arith.constant 0 : i32
        %get3A_941 = arith.index_cast %get3A_940 : i32 to index
        %get3A_942 = arith.index_cast %scan3A_264 : i32 to index
        %get3A_943 = arith.constant 768 : index
        %get3A_944 = tpu.vector_load %arg8[%get3A_941, %get3A_942, %get3A_943] {strides = array<i32>} : memref<2x32x1024xf32, #tpu.memory_space<vmem>>, vector<1x1x16xf32>,
        %get3A_945 = vector.shape_cast %get3A_944 : vector<1x1x16xf32> to vector<16xf32>
        %div3A_946 = arith.divf %get3A_945, %get3A_269 : vector<16xf32>
        %swap3A_947 = arith.constant 0 : i32
        %swap3A_948 = arith.index_cast %swap3A_947 : i32 to index
        %swap3A_949 = arith.index_cast %scan3A_264 : i32 to index
        %swap3A_950 = arith.constant 768 : index
        %swap3A_951 = tpu.vector_load %arg8[%swap3A_948, %swap3A_949, %swap3A_950] {strides = array<i32>} : memref<2x32x1024xf32, #tpu.memory_space<vmem>>, vector<1x1x16xf32>,
        %swap3A_952 = vector.shape_cast %swap3A_951 : vector<1x1x16xf32> to vector<16xf32>
        %swap3A_953 = vector.shape_cast %div3A_946 : vector<16xf32> to vector<1x1x16xf32>
        tpu.vector_store %arg8[%swap3A_948, %swap3A_949, %swap3A_950], %swap3A_953 {strides = array<i32>} : memref<2x32x1024xf32, #tpu.memory_space<vmem>>, vector<1x1x16xf32>,
        %get3A_954 = arith.constant 0 : i32
        %get3A_955 = arith.index_cast %get3A_954 : i32 to index
        %get3A_956 = arith.index_cast %scan3A_264 : i32 to index
        %get3A_957 = arith.constant 784 : index
        %get3A_958 = tpu.vector_load %arg8[%get3A_955, %get3A_956, %get3A_957] {strides = array<i32>} : memref<2x32x1024xf32, #tpu.memory_space<vmem>>, vector<1x1x16xf32>,
        %get3A_959 = vector.shape_cast %get3A_958 : vector<1x1x16xf32> to vector<16xf32>
        %div3A_960 = arith.divf %get3A_959, %get3A_269 : vector<16xf32>
        %swap3A_961 = arith.constant 0 : i32
        %swap3A_962 = arith.index_cast %swap3A_961 : i32 to index
        %swap3A_963 = arith.index_cast %scan3A_264 : i32 to index
        %swap3A_964 = arith.constant 784 : index
        %swap3A_965 = tpu.vector_load %arg8[%swap3A_962, %swap3A_963, %swap3A_964] {strides = array<i32>} : memref<2x32x1024xf32, #tpu.memory_space<vmem>>, vector<1x1x16xf32>,
        %swap3A_966 = vector.shape_cast %swap3A_965 : vector<1x1x16xf32> to vector<16xf32>
        %swap3A_967 = vector.shape_cast %div3A_960 : vector<16xf32> to vector<1x1x16xf32>
        tpu.vector_store %arg8[%swap3A_962, %swap3A_963, %swap3A_964], %swap3A_967 {strides = array<i32>} : memref<2x32x1024xf32, #tpu.memory_space<vmem>>, vector<1x1x16xf32>,
        %get3A_968 = arith.constant 0 : i32
        %get3A_969 = arith.index_cast %get3A_968 : i32 to index
        %get3A_970 = arith.index_cast %scan3A_264 : i32 to index
        %get3A_971 = arith.constant 800 : index
        %get3A_972 = tpu.vector_load %arg8[%get3A_969, %get3A_970, %get3A_971] {strides = array<i32>} : memref<2x32x1024xf32, #tpu.memory_space<vmem>>, vector<1x1x16xf32>,
        %get3A_973 = vector.shape_cast %get3A_972 : vector<1x1x16xf32> to vector<16xf32>
        %div3A_974 = arith.divf %get3A_973, %get3A_269 : vector<16xf32>
        %swap3A_975 = arith.constant 0 : i32
        %swap3A_976 = arith.index_cast %swap3A_975 : i32 to index
        %swap3A_977 = arith.index_cast %scan3A_264 : i32 to index
        %swap3A_978 = arith.constant 800 : index
        %swap3A_979 = tpu.vector_load %arg8[%swap3A_976, %swap3A_977, %swap3A_978] {strides = array<i32>} : memref<2x32x1024xf32, #tpu.memory_space<vmem>>, vector<1x1x16xf32>,
        %swap3A_980 = vector.shape_cast %swap3A_979 : vector<1x1x16xf32> to vector<16xf32>
        %swap3A_981 = vector.shape_cast %div3A_974 : vector<16xf32> to vector<1x1x16xf32>
        tpu.vector_store %arg8[%swap3A_976, %swap3A_977, %swap3A_978], %swap3A_981 {strides = array<i32>} : memref<2x32x1024xf32, #tpu.memory_space<vmem>>, vector<1x1x16xf32>,
        %get3A_982 = arith.constant 0 : i32
        %get3A_983 = arith.index_cast %get3A_982 : i32 to index
        %get3A_984 = arith.index_cast %scan3A_264 : i32 to index
        %get3A_985 = arith.constant 816 : index
        %get3A_986 = tpu.vector_load %arg8[%get3A_983, %get3A_984, %get3A_985] {strides = array<i32>} : memref<2x32x1024xf32, #tpu.memory_space<vmem>>, vector<1x1x16xf32>,
        %get3A_987 = vector.shape_cast %get3A_986 : vector<1x1x16xf32> to vector<16xf32>
        %div3A_988 = arith.divf %get3A_987, %get3A_269 : vector<16xf32>
        %swap3A_989 = arith.constant 0 : i32
        %swap3A_990 = arith.index_cast %swap3A_989 : i32 to index
        %swap3A_991 = arith.index_cast %scan3A_264 : i32 to index
        %swap3A_992 = arith.constant 816 : index
        %swap3A_993 = tpu.vector_load %arg8[%swap3A_990, %swap3A_991, %swap3A_992] {strides = array<i32>} : memref<2x32x1024xf32, #tpu.memory_space<vmem>>, vector<1x1x16xf32>,
        %swap3A_994 = vector.shape_cast %swap3A_993 : vector<1x1x16xf32> to vector<16xf32>
        %swap3A_995 = vector.shape_cast %div3A_988 : vector<16xf32> to vector<1x1x16xf32>
        tpu.vector_store %arg8[%swap3A_990, %swap3A_991, %swap3A_992], %swap3A_995 {strides = array<i32>} : memref<2x32x1024xf32, #tpu.memory_space<vmem>>, vector<1x1x16xf32>,
        %get3A_996 = arith.constant 0 : i32
        %get3A_997 = arith.index_cast %get3A_996 : i32 to index
        %get3A_998 = arith.index_cast %scan3A_264 : i32 to index
        %get3A_999 = arith.constant 832 : index
        %get3A_1000 = tpu.vector_load %arg8[%get3A_997, %get3A_998, %get3A_999] {strides = array<i32>} : memref<2x32x1024xf32, #tpu.memory_space<vmem>>, vector<1x1x16xf32>,
        %get3A_1001 = vector.shape_cast %get3A_1000 : vector<1x1x16xf32> to vector<16xf32>
        %div3A_1002 = arith.divf %get3A_1001, %get3A_269 : vector<16xf32>
        %swap3A_1003 = arith.constant 0 : i32
        %swap3A_1004 = arith.index_cast %swap3A_1003 : i32 to index
        %swap3A_1005 = arith.index_cast %scan3A_264 : i32 to index
        %swap3A_1006 = arith.constant 832 : index
        %swap3A_1007 = tpu.vector_load %arg8[%swap3A_1004, %swap3A_1005, %swap3A_1006] {strides = array<i32>} : memref<2x32x1024xf32, #tpu.memory_space<vmem>>, vector<1x1x16xf32>,
        %swap3A_1008 = vector.shape_cast %swap3A_1007 : vector<1x1x16xf32> to vector<16xf32>
        %swap3A_1009 = vector.shape_cast %div3A_1002 : vector<16xf32> to vector<1x1x16xf32>
        tpu.vector_store %arg8[%swap3A_1004, %swap3A_1005, %swap3A_1006], %swap3A_1009 {strides = array<i32>} : memref<2x32x1024xf32, #tpu.memory_space<vmem>>, vector<1x1x16xf32>,
        %get3A_1010 = arith.constant 0 : i32
        %get3A_1011 = arith.index_cast %get3A_1010 : i32 to index
        %get3A_1012 = arith.index_cast %scan3A_264 : i32 to index
        %get3A_1013 = arith.constant 848 : index
        %get3A_1014 = tpu.vector_load %arg8[%get3A_1011, %get3A_1012, %get3A_1013] {strides = array<i32>} : memref<2x32x1024xf32, #tpu.memory_space<vmem>>, vector<1x1x16xf32>,
        %get3A_1015 = vector.shape_cast %get3A_1014 : vector<1x1x16xf32> to vector<16xf32>
        %div3A_1016 = arith.divf %get3A_1015, %get3A_269 : vector<16xf32>
        %swap3A_1017 = arith.constant 0 : i32
        %swap3A_1018 = arith.index_cast %swap3A_1017 : i32 to index
        %swap3A_1019 = arith.index_cast %scan3A_264 : i32 to index
        %swap3A_1020 = arith.constant 848 : index
        %swap3A_1021 = tpu.vector_load %arg8[%swap3A_1018, %swap3A_1019, %swap3A_1020] {strides = array<i32>} : memref<2x32x1024xf32, #tpu.memory_space<vmem>>, vector<1x1x16xf32>,
        %swap3A_1022 = vector.shape_cast %swap3A_1021 : vector<1x1x16xf32> to vector<16xf32>
        %swap3A_1023 = vector.shape_cast %div3A_1016 : vector<16xf32> to vector<1x1x16xf32>
        tpu.vector_store %arg8[%swap3A_1018, %swap3A_1019, %swap3A_1020], %swap3A_1023 {strides = array<i32>} : memref<2x32x1024xf32, #tpu.memory_space<vmem>>, vector<1x1x16xf32>,
        %get3A_1024 = arith.constant 0 : i32
        %get3A_1025 = arith.index_cast %get3A_1024 : i32 to index
        %get3A_1026 = arith.index_cast %scan3A_264 : i32 to index
        %get3A_1027 = arith.constant 864 : index
        %get3A_1028 = tpu.vector_load %arg8[%get3A_1025, %get3A_1026, %get3A_1027] {strides = array<i32>} : memref<2x32x1024xf32, #tpu.memory_space<vmem>>, vector<1x1x16xf32>,
        %get3A_1029 = vector.shape_cast %get3A_1028 : vector<1x1x16xf32> to vector<16xf32>
        %div3A_1030 = arith.divf %get3A_1029, %get3A_269 : vector<16xf32>
        %swap3A_1031 = arith.constant 0 : i32
        %swap3A_1032 = arith.index_cast %swap3A_1031 : i32 to index
        %swap3A_1033 = arith.index_cast %scan3A_264 : i32 to index
        %swap3A_1034 = arith.constant 864 : index
        %swap3A_1035 = tpu.vector_load %arg8[%swap3A_1032, %swap3A_1033, %swap3A_1034] {strides = array<i32>} : memref<2x32x1024xf32, #tpu.memory_space<vmem>>, vector<1x1x16xf32>,
        %swap3A_1036 = vector.shape_cast %swap3A_1035 : vector<1x1x16xf32> to vector<16xf32>
        %swap3A_1037 = vector.shape_cast %div3A_1030 : vector<16xf32> to vector<1x1x16xf32>
        tpu.vector_store %arg8[%swap3A_1032, %swap3A_1033, %swap3A_1034], %swap3A_1037 {strides = array<i32>} : memref<2x32x1024xf32, #tpu.memory_space<vmem>>, vector<1x1x16xf32>,
        %get3A_1038 = arith.constant 0 : i32
        %get3A_1039 = arith.index_cast %get3A_1038 : i32 to index
        %get3A_1040 = arith.index_cast %scan3A_264 : i32 to index
        %get3A_1041 = arith.constant 880 : index
        %get3A_1042 = tpu.vector_load %arg8[%get3A_1039, %get3A_1040, %get3A_1041] {strides = array<i32>} : memref<2x32x1024xf32, #tpu.memory_space<vmem>>, vector<1x1x16xf32>,
        %get3A_1043 = vector.shape_cast %get3A_1042 : vector<1x1x16xf32> to vector<16xf32>
        %div3A_1044 = arith.divf %get3A_1043, %get3A_269 : vector<16xf32>
        %swap3A_1045 = arith.constant 0 : i32
        %swap3A_1046 = arith.index_cast %swap3A_1045 : i32 to index
        %swap3A_1047 = arith.index_cast %scan3A_264 : i32 to index
        %swap3A_1048 = arith.constant 880 : index
        %swap3A_1049 = tpu.vector_load %arg8[%swap3A_1046, %swap3A_1047, %swap3A_1048] {strides = array<i32>} : memref<2x32x1024xf32, #tpu.memory_space<vmem>>, vector<1x1x16xf32>,
        %swap3A_1050 = vector.shape_cast %swap3A_1049 : vector<1x1x16xf32> to vector<16xf32>
        %swap3A_1051 = vector.shape_cast %div3A_1044 : vector<16xf32> to vector<1x1x16xf32>
        tpu.vector_store %arg8[%swap3A_1046, %swap3A_1047, %swap3A_1048], %swap3A_1051 {strides = array<i32>} : memref<2x32x1024xf32, #tpu.memory_space<vmem>>, vector<1x1x16xf32>,
        %get3A_1052 = arith.constant 0 : i32
        %get3A_1053 = arith.index_cast %get3A_1052 : i32 to index
        %get3A_1054 = arith.index_cast %scan3A_264 : i32 to index
        %get3A_1055 = arith.constant 896 : index
        %get3A_1056 = tpu.vector_load %arg8[%get3A_1053, %get3A_1054, %get3A_1055] {strides = array<i32>} : memref<2x32x1024xf32, #tpu.memory_space<vmem>>, vector<1x1x16xf32>,
        %get3A_1057 = vector.shape_cast %get3A_1056 : vector<1x1x16xf32> to vector<16xf32>
        %div3A_1058 = arith.divf %get3A_1057, %get3A_269 : vector<16xf32>
        %swap3A_1059 = arith.constant 0 : i32
        %swap3A_1060 = arith.index_cast %swap3A_1059 : i32 to index
        %swap3A_1061 = arith.index_cast %scan3A_264 : i32 to index
        %swap3A_1062 = arith.constant 896 : index
        %swap3A_1063 = tpu.vector_load %arg8[%swap3A_1060, %swap3A_1061, %swap3A_1062] {strides = array<i32>} : memref<2x32x1024xf32, #tpu.memory_space<vmem>>, vector<1x1x16xf32>,
        %swap3A_1064 = vector.shape_cast %swap3A_1063 : vector<1x1x16xf32> to vector<16xf32>
        %swap3A_1065 = vector.shape_cast %div3A_1058 : vector<16xf32> to vector<1x1x16xf32>
        tpu.vector_store %arg8[%swap3A_1060, %swap3A_1061, %swap3A_1062], %swap3A_1065 {strides = array<i32>} : memref<2x32x1024xf32, #tpu.memory_space<vmem>>, vector<1x1x16xf32>,
        %get3A_1066 = arith.constant 0 : i32
        %get3A_1067 = arith.index_cast %get3A_1066 : i32 to index
        %get3A_1068 = arith.index_cast %scan3A_264 : i32 to index
        %get3A_1069 = arith.constant 912 : index
        %get3A_1070 = tpu.vector_load %arg8[%get3A_1067, %get3A_1068, %get3A_1069] {strides = array<i32>} : memref<2x32x1024xf32, #tpu.memory_space<vmem>>, vector<1x1x16xf32>,
        %get3A_1071 = vector.shape_cast %get3A_1070 : vector<1x1x16xf32> to vector<16xf32>
        %div3A_1072 = arith.divf %get3A_1071, %get3A_269 : vector<16xf32>
        %swap3A_1073 = arith.constant 0 : i32
        %swap3A_1074 = arith.index_cast %swap3A_1073 : i32 to index
        %swap3A_1075 = arith.index_cast %scan3A_264 : i32 to index
        %swap3A_1076 = arith.constant 912 : index
        %swap3A_1077 = tpu.vector_load %arg8[%swap3A_1074, %swap3A_1075, %swap3A_1076] {strides = array<i32>} : memref<2x32x1024xf32, #tpu.memory_space<vmem>>, vector<1x1x16xf32>,
        %swap3A_1078 = vector.shape_cast %swap3A_1077 : vector<1x1x16xf32> to vector<16xf32>
        %swap3A_1079 = vector.shape_cast %div3A_1072 : vector<16xf32> to vector<1x1x16xf32>
        tpu.vector_store %arg8[%swap3A_1074, %swap3A_1075, %swap3A_1076], %swap3A_1079 {strides = array<i32>} : memref<2x32x1024xf32, #tpu.memory_space<vmem>>, vector<1x1x16xf32>,
        %get3A_1080 = arith.constant 0 : i32
        %get3A_1081 = arith.index_cast %get3A_1080 : i32 to index
        %get3A_1082 = arith.index_cast %scan3A_264 : i32 to index
        %get3A_1083 = arith.constant 928 : index
        %get3A_1084 = tpu.vector_load %arg8[%get3A_1081, %get3A_1082, %get3A_1083] {strides = array<i32>} : memref<2x32x1024xf32, #tpu.memory_space<vmem>>, vector<1x1x16xf32>,
        %get3A_1085 = vector.shape_cast %get3A_1084 : vector<1x1x16xf32> to vector<16xf32>
        %div3A_1086 = arith.divf %get3A_1085, %get3A_269 : vector<16xf32>
        %swap3A_1087 = arith.constant 0 : i32
        %swap3A_1088 = arith.index_cast %swap3A_1087 : i32 to index
        %swap3A_1089 = arith.index_cast %scan3A_264 : i32 to index
        %swap3A_1090 = arith.constant 928 : index
        %swap3A_1091 = tpu.vector_load %arg8[%swap3A_1088, %swap3A_1089, %swap3A_1090] {strides = array<i32>} : memref<2x32x1024xf32, #tpu.memory_space<vmem>>, vector<1x1x16xf32>,
        %swap3A_1092 = vector.shape_cast %swap3A_1091 : vector<1x1x16xf32> to vector<16xf32>
        %swap3A_1093 = vector.shape_cast %div3A_1086 : vector<16xf32> to vector<1x1x16xf32>
        tpu.vector_store %arg8[%swap3A_1088, %swap3A_1089, %swap3A_1090], %swap3A_1093 {strides = array<i32>} : memref<2x32x1024xf32, #tpu.memory_space<vmem>>, vector<1x1x16xf32>,
        %get3A_1094 = arith.constant 0 : i32
        %get3A_1095 = arith.index_cast %get3A_1094 : i32 to index
        %get3A_1096 = arith.index_cast %scan3A_264 : i32 to index
        %get3A_1097 = arith.constant 944 : index
        %get3A_1098 = tpu.vector_load %arg8[%get3A_1095, %get3A_1096, %get3A_1097] {strides = array<i32>} : memref<2x32x1024xf32, #tpu.memory_space<vmem>>, vector<1x1x16xf32>,
        %get3A_1099 = vector.shape_cast %get3A_1098 : vector<1x1x16xf32> to vector<16xf32>
        %div3A_1100 = arith.divf %get3A_1099, %get3A_269 : vector<16xf32>
        %swap3A_1101 = arith.constant 0 : i32
        %swap3A_1102 = arith.index_cast %swap3A_1101 : i32 to index
        %swap3A_1103 = arith.index_cast %scan3A_264 : i32 to index
        %swap3A_1104 = arith.constant 944 : index
        %swap3A_1105 = tpu.vector_load %arg8[%swap3A_1102, %swap3A_1103, %swap3A_1104] {strides = array<i32>} : memref<2x32x1024xf32, #tpu.memory_space<vmem>>, vector<1x1x16xf32>,
        %swap3A_1106 = vector.shape_cast %swap3A_1105 : vector<1x1x16xf32> to vector<16xf32>
        %swap3A_1107 = vector.shape_cast %div3A_1100 : vector<16xf32> to vector<1x1x16xf32>
        tpu.vector_store %arg8[%swap3A_1102, %swap3A_1103, %swap3A_1104], %swap3A_1107 {strides = array<i32>} : memref<2x32x1024xf32, #tpu.memory_space<vmem>>, vector<1x1x16xf32>,
        %get3A_1108 = arith.constant 0 : i32
        %get3A_1109 = arith.index_cast %get3A_1108 : i32 to index
        %get3A_1110 = arith.index_cast %scan3A_264 : i32 to index
        %get3A_1111 = arith.constant 960 : index
        %get3A_1112 = tpu.vector_load %arg8[%get3A_1109, %get3A_1110, %get3A_1111] {strides = array<i32>} : memref<2x32x1024xf32, #tpu.memory_space<vmem>>, vector<1x1x16xf32>,
        %get3A_1113 = vector.shape_cast %get3A_1112 : vector<1x1x16xf32> to vector<16xf32>
        %div3A_1114 = arith.divf %get3A_1113, %get3A_269 : vector<16xf32>
        %swap3A_1115 = arith.constant 0 : i32
        %swap3A_1116 = arith.index_cast %swap3A_1115 : i32 to index
        %swap3A_1117 = arith.index_cast %scan3A_264 : i32 to index
        %swap3A_1118 = arith.constant 960 : index
        %swap3A_1119 = tpu.vector_load %arg8[%swap3A_1116, %swap3A_1117, %swap3A_1118] {strides = array<i32>} : memref<2x32x1024xf32, #tpu.memory_space<vmem>>, vector<1x1x16xf32>,
        %swap3A_1120 = vector.shape_cast %swap3A_1119 : vector<1x1x16xf32> to vector<16xf32>
        %swap3A_1121 = vector.shape_cast %div3A_1114 : vector<16xf32> to vector<1x1x16xf32>
        tpu.vector_store %arg8[%swap3A_1116, %swap3A_1117, %swap3A_1118], %swap3A_1121 {strides = array<i32>} : memref<2x32x1024xf32, #tpu.memory_space<vmem>>, vector<1x1x16xf32>,
        %get3A_1122 = arith.constant 0 : i32
        %get3A_1123 = arith.index_cast %get3A_1122 : i32 to index
        %get3A_1124 = arith.index_cast %scan3A_264 : i32 to index
        %get3A_1125 = arith.constant 976 : index
        %get3A_1126 = tpu.vector_load %arg8[%get3A_1123, %get3A_1124, %get3A_1125] {strides = array<i32>} : memref<2x32x1024xf32, #tpu.memory_space<vmem>>, vector<1x1x16xf32>,
        %get3A_1127 = vector.shape_cast %get3A_1126 : vector<1x1x16xf32> to vector<16xf32>
        %div3A_1128 = arith.divf %get3A_1127, %get3A_269 : vector<16xf32>
        %swap3A_1129 = arith.constant 0 : i32
        %swap3A_1130 = arith.index_cast %swap3A_1129 : i32 to index
        %swap3A_1131 = arith.index_cast %scan3A_264 : i32 to index
        %swap3A_1132 = arith.constant 976 : index
        %swap3A_1133 = tpu.vector_load %arg8[%swap3A_1130, %swap3A_1131, %swap3A_1132] {strides = array<i32>} : memref<2x32x1024xf32, #tpu.memory_space<vmem>>, vector<1x1x16xf32>,
        %swap3A_1134 = vector.shape_cast %swap3A_1133 : vector<1x1x16xf32> to vector<16xf32>
        %swap3A_1135 = vector.shape_cast %div3A_1128 : vector<16xf32> to vector<1x1x16xf32>
        tpu.vector_store %arg8[%swap3A_1130, %swap3A_1131, %swap3A_1132], %swap3A_1135 {strides = array<i32>} : memref<2x32x1024xf32, #tpu.memory_space<vmem>>, vector<1x1x16xf32>,
        %get3A_1136 = arith.constant 0 : i32
        %get3A_1137 = arith.index_cast %get3A_1136 : i32 to index
        %get3A_1138 = arith.index_cast %scan3A_264 : i32 to index
        %get3A_1139 = arith.constant 992 : index
        %get3A_1140 = tpu.vector_load %arg8[%get3A_1137, %get3A_1138, %get3A_1139] {strides = array<i32>} : memref<2x32x1024xf32, #tpu.memory_space<vmem>>, vector<1x1x16xf32>,
        %get3A_1141 = vector.shape_cast %get3A_1140 : vector<1x1x16xf32> to vector<16xf32>
        %div3A_1142 = arith.divf %get3A_1141, %get3A_269 : vector<16xf32>
        %swap3A_1143 = arith.constant 0 : i32
        %swap3A_1144 = arith.index_cast %swap3A_1143 : i32 to index
        %swap3A_1145 = arith.index_cast %scan3A_264 : i32 to index
        %swap3A_1146 = arith.constant 992 : index
        %swap3A_1147 = tpu.vector_load %arg8[%swap3A_1144, %swap3A_1145, %swap3A_1146] {strides = array<i32>} : memref<2x32x1024xf32, #tpu.memory_space<vmem>>, vector<1x1x16xf32>,
        %swap3A_1148 = vector.shape_cast %swap3A_1147 : vector<1x1x16xf32> to vector<16xf32>
        %swap3A_1149 = vector.shape_cast %div3A_1142 : vector<16xf32> to vector<1x1x16xf32>
        tpu.vector_store %arg8[%swap3A_1144, %swap3A_1145, %swap3A_1146], %swap3A_1149 {strides = array<i32>} : memref<2x32x1024xf32, #tpu.memory_space<vmem>>, vector<1x1x16xf32>,
        %get3A_1150 = arith.constant 0 : i32
        %get3A_1151 = arith.index_cast %get3A_1150 : i32 to index
        %get3A_1152 = arith.index_cast %scan3A_264 : i32 to index
        %get3A_1153 = arith.constant 1008 : index
        %get3A_1154 = tpu.vector_load %arg8[%get3A_1151, %get3A_1152, %get3A_1153] {strides = array<i32>} : memref<2x32x1024xf32, #tpu.memory_space<vmem>>, vector<1x1x16xf32>,
        %get3A_1155 = vector.shape_cast %get3A_1154 : vector<1x1x16xf32> to vector<16xf32>
        %div3A_1156 = arith.divf %get3A_1155, %get3A_269 : vector<16xf32>
        %swap3A_1157 = arith.constant 0 : i32
        %swap3A_1158 = arith.index_cast %swap3A_1157 : i32 to index
        %swap3A_1159 = arith.index_cast %scan3A_264 : i32 to index
        %swap3A_1160 = arith.constant 1008 : index
        %swap3A_1161 = tpu.vector_load %arg8[%swap3A_1158, %swap3A_1159, %swap3A_1160] {strides = array<i32>} : memref<2x32x1024xf32, #tpu.memory_space<vmem>>, vector<1x1x16xf32>,
        %swap3A_1162 = vector.shape_cast %swap3A_1161 : vector<1x1x16xf32> to vector<16xf32>
        %swap3A_1163 = vector.shape_cast %div3A_1156 : vector<16xf32> to vector<1x1x16xf32>
        tpu.vector_store %arg8[%swap3A_1158, %swap3A_1159, %swap3A_1160], %swap3A_1163 {strides = array<i32>} : memref<2x32x1024xf32, #tpu.memory_space<vmem>>, vector<1x1x16xf32>,
      }
      %scan3A_153 = arith.constant 32 : i32
      %dma_start3A_154 = arith.constant 0 : i32
      %dma_start3A_155 = arith.constant 0 : i32
      %dma_start3A_156 = arith.constant 0 : i32
      %dma_start3A_157 = arith.constant 0 : i32
      %dma_start3A_158 = tpu.memref_slice %arg8[%dma_start3A_154, %dma_start3A_156, %dma_start3A_157] : memref<2x32x1024xf32, #tpu.memory_space<vmem>> -> memref<1x32x1024xf32, #tpu.memory_space<vmem>>
      %dma_start3A_159 = tpu.memref_squeeze %dma_start3A_158 : memref<1x32x1024xf32, #tpu.memory_space<vmem>> -> memref<32x1024xf32, #tpu.memory_space<vmem>>
      %dma_start3A_160 = arith.constant 0 : i32
      %dma_start3A_161 = tpu.memref_slice %arg10[%dma_start3A_155, %dma_start3A_160] : memref<2x32xi32, #tpu.memory_space<vmem>> -> memref<1x32xi32, #tpu.memory_space<vmem>>
      %dma_start3A_162 = tpu.memref_squeeze %dma_start3A_161 : memref<1x32xi32, #tpu.memory_space<vmem>> -> memref<32xi32, #tpu.memory_space<vmem>>
      %dma_start3A_163 = arith.constant 0 : i32
      %dma_start3A_164 = arith.constant 0 : i32
      %dma_start3A_165 = tpu.memref_slice %arg6[%dma_start3A_163, %dma_start3A_164] : memref<65536x1024xf32, #tpu.memory_space<hbm>> -> memref<65536x1024xf32, #tpu.memory_space<hbm>>
      tpu.enqueue_indirect_dma source(%dma_start3A_159 : memref<32x1024xf32, #tpu.memory_space<vmem>>) target(%dma_start3A_165 : memref<65536x1024xf32, #tpu.memory_space<hbm>>) offsets(%dma_start3A_162 : memref<32xi32, #tpu.memory_space<vmem>>) semaphore(%arg14 : memref<!tpu.dma_semaphore, #tpu.memory_space<semaphore_mem>>)
      %dma_start3A_166 = arith.constant 0 : i32
      %dma_start3A_167 = arith.constant 0 : i32
      %dma_start3A_168 = arith.constant 0 : i32
      %dma_start3A_169 = tpu.memref_slice %arg11[%dma_start3A_166, %dma_start3A_168] : memref<2x32xi32, #tpu.memory_space<vmem>> -> memref<1x32xi32, #tpu.memory_space<vmem>>
      %dma_start3A_170 = tpu.memref_squeeze %dma_start3A_169 : memref<1x32xi32, #tpu.memory_space<vmem>> -> memref<32xi32, #tpu.memory_space<vmem>>
      %dma_start3A_171 = arith.constant 0 : i32
      %dma_start3A_172 = tpu.memref_slice %arg10[%dma_start3A_167, %dma_start3A_171] : memref<2x32xi32, #tpu.memory_space<vmem>> -> memref<1x32xi32, #tpu.memory_space<vmem>>
      %dma_start3A_173 = tpu.memref_squeeze %dma_start3A_172 : memref<1x32xi32, #tpu.memory_space<vmem>> -> memref<32xi32, #tpu.memory_space<vmem>>
      %dma_start3A_174 = arith.constant 0 : i32
      %dma_start3A_175 = tpu.memref_slice %arg7[%dma_start3A_174] : memref<65536xi32, #tpu.memory_space<hbm>> -> memref<65536xi32, #tpu.memory_space<hbm>>
      tpu.enqueue_indirect_dma source(%dma_start3A_170 : memref<32xi32, #tpu.memory_space<vmem>>) target(%dma_start3A_175 : memref<65536xi32, #tpu.memory_space<hbm>>) offsets(%dma_start3A_173 : memref<32xi32, #tpu.memory_space<vmem>>) semaphore(%arg16 : memref<!tpu.dma_semaphore, #tpu.memory_space<semaphore_mem>>)
      %add3A_176 = arith.constant 1 : i32
      %add3A_177 = arith.addi %add3A_100, %add3A_176 : i32
      %lt3A = arith.constant 64 : i32
      %lt3A_178 = arith.cmpi slt, %add3A_177, %lt3A : i32
      %convert_element_type3A = arith.extui %lt3A_178 : i1 to i32
      %cond3A = arith.constant 0 : i32
      %cond3A_179 = arith.cmpi ne, %convert_element_type3A, %cond3A : i32
      scf.if %cond3A_179 {
        %ge3A = arith.constant 1 : i32
        %ge3A_264 = arith.cmpi sge, %add3A_100, %ge3A : i32
        %convert_element_type3A_265 = arith.extui %ge3A_264 : i1 to i32
        %cond3A_266 = arith.constant 0 : i32
        %cond3A_267 = arith.cmpi ne, %convert_element_type3A_265, %cond3A_266 : i32
        scf.if %cond3A_267 {
          %dma_wait3A_317 = arith.constant 1 : i32
          %dma_wait3A_318 = arith.constant 1 : i32
          %dma_wait3A_319 = arith.constant 0 : i32
          %dma_wait3A_320 = arith.constant 0 : i32
          %dma_wait3A_321 = tpu.memref_slice %arg8[%dma_wait3A_317, %dma_wait3A_319, %dma_wait3A_320] : memref<2x32x1024xf32, #tpu.memory_space<vmem>> -> memref<1x32x1024xf32, #tpu.memory_space<vmem>>
          %dma_wait3A_322 = tpu.memref_squeeze %dma_wait3A_321 : memref<1x32x1024xf32, #tpu.memory_space<vmem>> -> memref<32x1024xf32, #tpu.memory_space<vmem>>
          %dma_wait3A_323 = arith.constant 0 : i32
          %dma_wait3A_324 = tpu.memref_slice %arg10[%dma_wait3A_318, %dma_wait3A_323] : memref<2x32xi32, #tpu.memory_space<vmem>> -> memref<1x32xi32, #tpu.memory_space<vmem>>
          %dma_wait3A_325 = tpu.memref_squeeze %dma_wait3A_324 : memref<1x32xi32, #tpu.memory_space<vmem>> -> memref<32xi32, #tpu.memory_space<vmem>>
          %dma_wait3A_326 = arith.constant 0 : i32
          %dma_wait3A_327 = arith.constant 0 : i32
          %dma_wait3A_328 = tpu.memref_slice %arg6[%dma_wait3A_326, %dma_wait3A_327] : memref<65536x1024xf32, #tpu.memory_space<hbm>> -> memref<65536x1024xf32, #tpu.memory_space<hbm>>
          tpu.wait_indirect_dma semaphore(%arg15 : memref<!tpu.dma_semaphore, #tpu.memory_space<semaphore_mem>>) src(%dma_wait3A_322 : memref<32x1024xf32, #tpu.memory_space<vmem>>) dst(%dma_wait3A_328 : memref<65536x1024xf32, #tpu.memory_space<hbm>>)
          %dma_wait3A_329 = arith.constant 1 : i32
          %dma_wait3A_330 = arith.constant 1 : i32
          %dma_wait3A_331 = arith.constant 0 : i32
          %dma_wait3A_332 = tpu.memref_slice %arg11[%dma_wait3A_329, %dma_wait3A_331] : memref<2x32xi32, #tpu.memory_space<vmem>> -> memref<1x32xi32, #tpu.memory_space<vmem>>
          %dma_wait3A_333 = tpu.memref_squeeze %dma_wait3A_332 : memref<1x32xi32, #tpu.memory_space<vmem>> -> memref<32xi32, #tpu.memory_space<vmem>>
          %dma_wait3A_334 = arith.constant 0 : i32
          %dma_wait3A_335 = tpu.memref_slice %arg10[%dma_wait3A_330, %dma_wait3A_334] : memref<2x32xi32, #tpu.memory_space<vmem>> -> memref<1x32xi32, #tpu.memory_space<vmem>>
          %dma_wait3A_336 = tpu.memref_squeeze %dma_wait3A_335 : memref<1x32xi32, #tpu.memory_space<vmem>> -> memref<32xi32, #tpu.memory_space<vmem>>
          %dma_wait3A_337 = arith.constant 0 : i32
          %dma_wait3A_338 = tpu.memref_slice %arg7[%dma_wait3A_337] : memref<65536xi32, #tpu.memory_space<hbm>> -> memref<65536xi32, #tpu.memory_space<hbm>>
          tpu.wait_indirect_dma semaphore(%arg17 : memref<!tpu.dma_semaphore, #tpu.memory_space<semaphore_mem>>) src(%dma_wait3A_333 : memref<32xi32, #tpu.memory_space<vmem>>) dst(%dma_wait3A_338 : memref<65536xi32, #tpu.memory_space<hbm>>)
        } else {
        }
        %add3A_268 = arith.constant 1 : i32
        %add3A_269 = arith.addi %add3A_100, %add3A_268 : i32
        %mul3A_270 = arith.constant 32 : i32
        %mul3A_271 = arith.muli %add3A_269, %mul3A_270 : i32
        %add3A_272 = arith.addi %mul3A_2, %mul3A_271 : i32
        %dma_start3A_273 = arith.constant 1 : i32
        %dma_start3A_274 = arith.constant 0 : i32
        %dma_start3A_275 = arith.constant 0 : i32
        %dma_start3A_276 = tpu.memref_slice %arg8[%dma_start3A_273, %dma_start3A_274, %dma_start3A_275] : memref<2x32x1024xf32, #tpu.memory_space<vmem>> -> memref<1x32x1024xf32, #tpu.memory_space<vmem>>
        %dma_start3A_277 = tpu.memref_squeeze %dma_start3A_276 : memref<1x32x1024xf32, #tpu.memory_space<vmem>> -> memref<32x1024xf32, #tpu.memory_space<vmem>>
        %dma_start3A_278 = arith.constant 0 : i32
        %dma_start3A_279 = tpu.memref_slice %arg2[%add3A_272, %dma_start3A_278] : memref<65536x1024xf32, #tpu.memory_space<hbm>> -> memref<32x1024xf32, #tpu.memory_space<hbm>>
        %dma_start3A_280 = arith.constant 0 : i32
        %dma_start3A_281 = arith.constant 0 : i32
        %dma_start3A_282 = tpu.memref_slice %arg8[%dma_start3A_273, %dma_start3A_280, %dma_start3A_281] : memref<2x32x1024xf32, #tpu.memory_space<vmem>> -> memref<1x32x1024xf32, #tpu.memory_space<vmem>>
        %dma_start3A_283 = tpu.memref_squeeze %dma_start3A_282 : memref<1x32x1024xf32, #tpu.memory_space<vmem>> -> memref<32x1024xf32, #tpu.memory_space<vmem>>
        %dma_start3A_284 = arith.constant 0 : i32
        %dma_start3A_285 = tpu.memref_slice %arg2[%add3A_272, %dma_start3A_284] : memref<65536x1024xf32, #tpu.memory_space<hbm>> -> memref<32x1024xf32, #tpu.memory_space<hbm>>
        tpu.enqueue_dma source(%dma_start3A_285 : memref<32x1024xf32, #tpu.memory_space<hbm>>) target(%dma_start3A_283 : memref<32x1024xf32, #tpu.memory_space<vmem>>) target_semaphore(%arg13 : memref<!tpu.dma_semaphore, #tpu.memory_space<semaphore_mem>>)
        %dma_start3A_286 = arith.constant 1 : i32
        %dma_start3A_287 = arith.constant 0 : i32
        %dma_start3A_288 = arith.constant 0 : i32
        %dma_start3A_289 = tpu.memref_slice %arg9[%dma_start3A_286, %dma_start3A_287, %dma_start3A_288] : memref<2x32x16xf32, #tpu.memory_space<vmem>> -> memref<1x32x16xf32, #tpu.memory_space<vmem>>
        %dma_start3A_290 = tpu.memref_squeeze %dma_start3A_289 : memref<1x32x16xf32, #tpu.memory_space<vmem>> -> memref<32x16xf32, #tpu.memory_space<vmem>>
        %dma_start3A_291 = arith.constant 0 : i32
        %dma_start3A_292 = tpu.memref_slice %arg3[%add3A_272, %dma_start3A_291] : memref<65536x16xf32, #tpu.memory_space<hbm>> -> memref<32x16xf32, #tpu.memory_space<hbm>>
        %dma_start3A_293 = arith.constant 0 : i32
        %dma_start3A_294 = arith.constant 0 : i32
        %dma_start3A_295 = tpu.memref_slice %arg9[%dma_start3A_286, %dma_start3A_293, %dma_start3A_294] : memref<2x32x16xf32, #tpu.memory_space<vmem>> -> memref<1x32x16xf32, #tpu.memory_space<vmem>>
        %dma_start3A_296 = tpu.memref_squeeze %dma_start3A_295 : memref<1x32x16xf32, #tpu.memory_space<vmem>> -> memref<32x16xf32, #tpu.memory_space<vmem>>
        %dma_start3A_297 = arith.constant 0 : i32
        %dma_start3A_298 = tpu.memref_slice %arg3[%add3A_272, %dma_start3A_297] : memref<65536x16xf32, #tpu.memory_space<hbm>> -> memref<32x16xf32, #tpu.memory_space<hbm>>
        tpu.enqueue_dma source(%dma_start3A_298 : memref<32x16xf32, #tpu.memory_space<hbm>>) target(%dma_start3A_296 : memref<32x16xf32, #tpu.memory_space<vmem>>) target_semaphore(%arg13 : memref<!tpu.dma_semaphore, #tpu.memory_space<semaphore_mem>>)
        %dma_start3A_299 = arith.constant 1 : i32
        %dma_start3A_300 = arith.constant 0 : i32
        %dma_start3A_301 = tpu.memref_slice %arg10[%dma_start3A_299, %dma_start3A_300] : memref<2x32xi32, #tpu.memory_space<vmem>> -> memref<1x32xi32, #tpu.memory_space<vmem>>
        %dma_start3A_302 = tpu.memref_squeeze %dma_start3A_301 : memref<1x32xi32, #tpu.memory_space<vmem>> -> memref<32xi32, #tpu.memory_space<vmem>>
        %dma_start3A_303 = tpu.memref_slice %arg4[%add3A_272] : memref<65536xi32, #tpu.memory_space<hbm>> -> memref<32xi32, #tpu.memory_space<hbm>>
        %dma_start3A_304 = arith.constant 0 : i32
        %dma_start3A_305 = tpu.memref_slice %arg10[%dma_start3A_299, %dma_start3A_304] : memref<2x32xi32, #tpu.memory_space<vmem>> -> memref<1x32xi32, #tpu.memory_space<vmem>>
        %dma_start3A_306 = tpu.memref_squeeze %dma_start3A_305 : memref<1x32xi32, #tpu.memory_space<vmem>> -> memref<32xi32, #tpu.memory_space<vmem>>
        %dma_start3A_307 = tpu.memref_slice %arg4[%add3A_272] : memref<65536xi32, #tpu.memory_space<hbm>> -> memref<32xi32, #tpu.memory_space<hbm>>
        tpu.enqueue_dma source(%dma_start3A_307 : memref<32xi32, #tpu.memory_space<hbm>>) target(%dma_start3A_306 : memref<32xi32, #tpu.memory_space<vmem>>) target_semaphore(%arg13 : memref<!tpu.dma_semaphore, #tpu.memory_space<semaphore_mem>>)
        %dma_start3A_308 = arith.constant 1 : i32
        %dma_start3A_309 = arith.constant 0 : i32
        %dma_start3A_310 = tpu.memref_slice %arg11[%dma_start3A_308, %dma_start3A_309] : memref<2x32xi32, #tpu.memory_space<vmem>> -> memref<1x32xi32, #tpu.memory_space<vmem>>
        %dma_start3A_311 = tpu.memref_squeeze %dma_start3A_310 : memref<1x32xi32, #tpu.memory_space<vmem>> -> memref<32xi32, #tpu.memory_space<vmem>>
        %dma_start3A_312 = tpu.memref_slice %arg5[%add3A_272] : memref<65536xi32, #tpu.memory_space<hbm>> -> memref<32xi32, #tpu.memory_space<hbm>>
        %dma_start3A_313 = arith.constant 0 : i32
        %dma_start3A_314 = tpu.memref_slice %arg11[%dma_start3A_308, %dma_start3A_313] : memref<2x32xi32, #tpu.memory_space<vmem>> -> memref<1x32xi32, #tpu.memory_space<vmem>>
        %dma_start3A_315 = tpu.memref_squeeze %dma_start3A_314 : memref<1x32xi32, #tpu.memory_space<vmem>> -> memref<32xi32, #tpu.memory_space<vmem>>
        %dma_start3A_316 = tpu.memref_slice %arg5[%add3A_272] : memref<65536xi32, #tpu.memory_space<hbm>> -> memref<32xi32, #tpu.memory_space<hbm>>
        tpu.enqueue_dma source(%dma_start3A_316 : memref<32xi32, #tpu.memory_space<hbm>>) target(%dma_start3A_315 : memref<32xi32, #tpu.memory_space<vmem>>) target_semaphore(%arg13 : memref<!tpu.dma_semaphore, #tpu.memory_space<semaphore_mem>>)
      } else {
      }
      %add3A_180 = arith.constant 1 : i32
      %add3A_181 = arith.addi %mul3A_98, %add3A_180 : i32
      %mul3A_182 = arith.constant 32 : i32
      %mul3A_183 = arith.muli %add3A_181, %mul3A_182 : i32
      %add3A_184 = arith.addi %mul3A_2, %mul3A_183 : i32
      %dma_wait3A_185 = arith.constant 1 : i32
      %dma_wait3A_186 = arith.constant 0 : i32
      %dma_wait3A_187 = arith.constant 0 : i32
      %dma_wait3A_188 = tpu.memref_slice %arg8[%dma_wait3A_185, %dma_wait3A_186, %dma_wait3A_187] : memref<2x32x1024xf32, #tpu.memory_space<vmem>> -> memref<1x32x1024xf32, #tpu.memory_space<vmem>>
      %dma_wait3A_189 = tpu.memref_squeeze %dma_wait3A_188 : memref<1x32x1024xf32, #tpu.memory_space<vmem>> -> memref<32x1024xf32, #tpu.memory_space<vmem>>
      %dma_wait3A_190 = arith.constant 0 : i32
      %dma_wait3A_191 = tpu.memref_slice %arg2[%add3A_184, %dma_wait3A_190] : memref<65536x1024xf32, #tpu.memory_space<hbm>> -> memref<32x1024xf32, #tpu.memory_space<hbm>>
      %dma_wait3A_192 = arith.constant 0 : i32
      %dma_wait3A_193 = arith.constant 0 : i32
      %dma_wait3A_194 = tpu.memref_slice %arg8[%dma_wait3A_185, %dma_wait3A_192, %dma_wait3A_193] : memref<2x32x1024xf32, #tpu.memory_space<vmem>> -> memref<1x32x1024xf32, #tpu.memory_space<vmem>>
      %dma_wait3A_195 = tpu.memref_squeeze %dma_wait3A_194 : memref<1x32x1024xf32, #tpu.memory_space<vmem>> -> memref<32x1024xf32, #tpu.memory_space<vmem>>
      %dma_wait3A_196 = arith.constant 0 : i32
      %dma_wait3A_197 = tpu.memref_slice %arg2[%add3A_184, %dma_wait3A_196] : memref<65536x1024xf32, #tpu.memory_space<hbm>> -> memref<32x1024xf32, #tpu.memory_space<hbm>>
      tpu.wait_dma2 semaphore(%arg13 : memref<!tpu.dma_semaphore, #tpu.memory_space<semaphore_mem>>) src(%dma_wait3A_197 : memref<32x1024xf32, #tpu.memory_space<hbm>>) dst(%dma_wait3A_195 : memref<32x1024xf32, #tpu.memory_space<vmem>>)
      %dma_wait3A_198 = arith.constant 1 : i32
      %dma_wait3A_199 = arith.constant 0 : i32
      %dma_wait3A_200 = arith.constant 0 : i32
      %dma_wait3A_201 = tpu.memref_slice %arg9[%dma_wait3A_198, %dma_wait3A_199, %dma_wait3A_200] : memref<2x32x16xf32, #tpu.memory_space<vmem>> -> memref<1x32x16xf32, #tpu.memory_space<vmem>>
      %dma_wait3A_202 = tpu.memref_squeeze %dma_wait3A_201 : memref<1x32x16xf32, #tpu.memory_space<vmem>> -> memref<32x16xf32, #tpu.memory_space<vmem>>
      %dma_wait3A_203 = arith.constant 0 : i32
      %dma_wait3A_204 = tpu.memref_slice %arg3[%add3A_184, %dma_wait3A_203] : memref<65536x16xf32, #tpu.memory_space<hbm>> -> memref<32x16xf32, #tpu.memory_space<hbm>>
      %dma_wait3A_205 = arith.constant 0 : i32
      %dma_wait3A_206 = arith.constant 0 : i32
      %dma_wait3A_207 = tpu.memref_slice %arg9[%dma_wait3A_198, %dma_wait3A_205, %dma_wait3A_206] : memref<2x32x16xf32, #tpu.memory_space<vmem>> -> memref<1x32x16xf32, #tpu.memory_space<vmem>>
      %dma_wait3A_208 = tpu.memref_squeeze %dma_wait3A_207 : memref<1x32x16xf32, #tpu.memory_space<vmem>> -> memref<32x16xf32, #tpu.memory_space<vmem>>
      %dma_wait3A_209 = arith.constant 0 : i32
      %dma_wait3A_210 = tpu.memref_slice %arg3[%add3A_184, %dma_wait3A_209] : memref<65536x16xf32, #tpu.memory_space<hbm>> -> memref<32x16xf32, #tpu.memory_space<hbm>>
      tpu.wait_dma2 semaphore(%arg13 : memref<!tpu.dma_semaphore, #tpu.memory_space<semaphore_mem>>) src(%dma_wait3A_210 : memref<32x16xf32, #tpu.memory_space<hbm>>) dst(%dma_wait3A_208 : memref<32x16xf32, #tpu.memory_space<vmem>>)
      %dma_wait3A_211 = arith.constant 1 : i32
      %dma_wait3A_212 = arith.constant 0 : i32
      %dma_wait3A_213 = tpu.memref_slice %arg10[%dma_wait3A_211, %dma_wait3A_212] : memref<2x32xi32, #tpu.memory_space<vmem>> -> memref<1x32xi32, #tpu.memory_space<vmem>>
      %dma_wait3A_214 = tpu.memref_squeeze %dma_wait3A_213 : memref<1x32xi32, #tpu.memory_space<vmem>> -> memref<32xi32, #tpu.memory_space<vmem>>
      %dma_wait3A_215 = tpu.memref_slice %arg4[%add3A_184] : memref<65536xi32, #tpu.memory_space<hbm>> -> memref<32xi32, #tpu.memory_space<hbm>>
      %dma_wait3A_216 = arith.constant 0 : i32
      %dma_wait3A_217 = tpu.memref_slice %arg10[%dma_wait3A_211, %dma_wait3A_216] : memref<2x32xi32, #tpu.memory_space<vmem>> -> memref<1x32xi32, #tpu.memory_space<vmem>>
      %dma_wait3A_218 = tpu.memref_squeeze %dma_wait3A_217 : memref<1x32xi32, #tpu.memory_space<vmem>> -> memref<32xi32, #tpu.memory_space<vmem>>
      %dma_wait3A_219 = tpu.memref_slice %arg4[%add3A_184] : memref<65536xi32, #tpu.memory_space<hbm>> -> memref<32xi32, #tpu.memory_space<hbm>>
      tpu.wait_dma2 semaphore(%arg13 : memref<!tpu.dma_semaphore, #tpu.memory_space<semaphore_mem>>) src(%dma_wait3A_219 : memref<32xi32, #tpu.memory_space<hbm>>) dst(%dma_wait3A_218 : memref<32xi32, #tpu.memory_space<vmem>>)
      %dma_wait3A_220 = arith.constant 1 : i32
      %dma_wait3A_221 = arith.constant 0 : i32
      %dma_wait3A_222 = tpu.memref_slice %arg11[%dma_wait3A_220, %dma_wait3A_221] : memref<2x32xi32, #tpu.memory_space<vmem>> -> memref<1x32xi32, #tpu.memory_space<vmem>>
      %dma_wait3A_223 = tpu.memref_squeeze %dma_wait3A_222 : memref<1x32xi32, #tpu.memory_space<vmem>> -> memref<32xi32, #tpu.memory_space<vmem>>
      %dma_wait3A_224 = tpu.memref_slice %arg5[%add3A_184] : memref<65536xi32, #tpu.memory_space<hbm>> -> memref<32xi32, #tpu.memory_space<hbm>>
      %dma_wait3A_225 = arith.constant 0 : i32
      %dma_wait3A_226 = tpu.memref_slice %arg11[%dma_wait3A_220, %dma_wait3A_225] : memref<2x32xi32, #tpu.memory_space<vmem>> -> memref<1x32xi32, #tpu.memory_space<vmem>>
      %dma_wait3A_227 = tpu.memref_squeeze %dma_wait3A_226 : memref<1x32xi32, #tpu.memory_space<vmem>> -> memref<32xi32, #tpu.memory_space<vmem>>
      %dma_wait3A_228 = tpu.memref_slice %arg5[%add3A_184] : memref<65536xi32, #tpu.memory_space<hbm>> -> memref<32xi32, #tpu.memory_space<hbm>>
      tpu.wait_dma2 semaphore(%arg13 : memref<!tpu.dma_semaphore, #tpu.memory_space<semaphore_mem>>) src(%dma_wait3A_228 : memref<32xi32, #tpu.memory_space<hbm>>) dst(%dma_wait3A_227 : memref<32xi32, #tpu.memory_space<vmem>>)
      %scan3A_229 = arith.constant 0 : i32
      %scan3A_230 = arith.constant 0 : i32
      %scan3A_231 = arith.constant 32 : i32
      %scan3A_232 = arith.addi %scan3A_230, %scan3A_231 : i32
      %scan3A_233 = arith.constant 1 : i32
      scf.for %scan3A_264 = %scan3A_230 to %scan3A_232 step %scan3A_233  : i32 {
        %get3A = arith.constant 1 : i32
        %get3A_265 = arith.index_cast %get3A : i32 to index
        %get3A_266 = arith.index_cast %scan3A_264 : i32 to index
        %get3A_267 = arith.constant 0 : index
        %get3A_268 = tpu.vector_load %arg9[%get3A_265, %get3A_266, %get3A_267] {strides = array<i32>} : memref<2x32x16xf32, #tpu.memory_space<vmem>>, vector<1x1x16xf32>,
        %get3A_269 = vector.shape_cast %get3A_268 : vector<1x1x16xf32> to vector<16xf32>
        %get3A_270 = arith.constant 1 : i32
        %get3A_271 = arith.index_cast %get3A_270 : i32 to index
        %get3A_272 = arith.index_cast %scan3A_264 : i32 to index
        %get3A_273 = arith.constant 0 : index
        %get3A_274 = tpu.vector_load %arg8[%get3A_271, %get3A_272, %get3A_273] {strides = array<i32>} : memref<2x32x1024xf32, #tpu.memory_space<vmem>>, vector<1x1x16xf32>,
        %get3A_275 = vector.shape_cast %get3A_274 : vector<1x1x16xf32> to vector<16xf32>
        %div3A = arith.divf %get3A_275, %get3A_269 : vector<16xf32>
        %swap3A = arith.constant 1 : i32
        %swap3A_276 = arith.index_cast %swap3A : i32 to index
        %swap3A_277 = arith.index_cast %scan3A_264 : i32 to index
        %swap3A_278 = arith.constant 0 : index
        %swap3A_279 = tpu.vector_load %arg8[%swap3A_276, %swap3A_277, %swap3A_278] {strides = array<i32>} : memref<2x32x1024xf32, #tpu.memory_space<vmem>>, vector<1x1x16xf32>,
        %swap3A_280 = vector.shape_cast %swap3A_279 : vector<1x1x16xf32> to vector<16xf32>
        %swap3A_281 = vector.shape_cast %div3A : vector<16xf32> to vector<1x1x16xf32>
        tpu.vector_store %arg8[%swap3A_276, %swap3A_277, %swap3A_278], %swap3A_281 {strides = array<i32>} : memref<2x32x1024xf32, #tpu.memory_space<vmem>>, vector<1x1x16xf32>,
        %get3A_282 = arith.constant 1 : i32
        %get3A_283 = arith.index_cast %get3A_282 : i32 to index
        %get3A_284 = arith.index_cast %scan3A_264 : i32 to index
        %get3A_285 = arith.constant 16 : index
        %get3A_286 = tpu.vector_load %arg8[%get3A_283, %get3A_284, %get3A_285] {strides = array<i32>} : memref<2x32x1024xf32, #tpu.memory_space<vmem>>, vector<1x1x16xf32>,
        %get3A_287 = vector.shape_cast %get3A_286 : vector<1x1x16xf32> to vector<16xf32>
        %div3A_288 = arith.divf %get3A_287, %get3A_269 : vector<16xf32>
        %swap3A_289 = arith.constant 1 : i32
        %swap3A_290 = arith.index_cast %swap3A_289 : i32 to index
        %swap3A_291 = arith.index_cast %scan3A_264 : i32 to index
        %swap3A_292 = arith.constant 16 : index
        %swap3A_293 = tpu.vector_load %arg8[%swap3A_290, %swap3A_291, %swap3A_292] {strides = array<i32>} : memref<2x32x1024xf32, #tpu.memory_space<vmem>>, vector<1x1x16xf32>,
        %swap3A_294 = vector.shape_cast %swap3A_293 : vector<1x1x16xf32> to vector<16xf32>
        %swap3A_295 = vector.shape_cast %div3A_288 : vector<16xf32> to vector<1x1x16xf32>
        tpu.vector_store %arg8[%swap3A_290, %swap3A_291, %swap3A_292], %swap3A_295 {strides = array<i32>} : memref<2x32x1024xf32, #tpu.memory_space<vmem>>, vector<1x1x16xf32>,
        %get3A_296 = arith.constant 1 : i32
        %get3A_297 = arith.index_cast %get3A_296 : i32 to index
        %get3A_298 = arith.index_cast %scan3A_264 : i32 to index
        %get3A_299 = arith.constant 32 : index
        %get3A_300 = tpu.vector_load %arg8[%get3A_297, %get3A_298, %get3A_299] {strides = array<i32>} : memref<2x32x1024xf32, #tpu.memory_space<vmem>>, vector<1x1x16xf32>,
        %get3A_301 = vector.shape_cast %get3A_300 : vector<1x1x16xf32> to vector<16xf32>
        %div3A_302 = arith.divf %get3A_301, %get3A_269 : vector<16xf32>
        %swap3A_303 = arith.constant 1 : i32
        %swap3A_304 = arith.index_cast %swap3A_303 : i32 to index
        %swap3A_305 = arith.index_cast %scan3A_264 : i32 to index
        %swap3A_306 = arith.constant 32 : index
        %swap3A_307 = tpu.vector_load %arg8[%swap3A_304, %swap3A_305, %swap3A_306] {strides = array<i32>} : memref<2x32x1024xf32, #tpu.memory_space<vmem>>, vector<1x1x16xf32>,
        %swap3A_308 = vector.shape_cast %swap3A_307 : vector<1x1x16xf32> to vector<16xf32>
        %swap3A_309 = vector.shape_cast %div3A_302 : vector<16xf32> to vector<1x1x16xf32>
        tpu.vector_store %arg8[%swap3A_304, %swap3A_305, %swap3A_306], %swap3A_309 {strides = array<i32>} : memref<2x32x1024xf32, #tpu.memory_space<vmem>>, vector<1x1x16xf32>,
        %get3A_310 = arith.constant 1 : i32
        %get3A_311 = arith.index_cast %get3A_310 : i32 to index
        %get3A_312 = arith.index_cast %scan3A_264 : i32 to index
        %get3A_313 = arith.constant 48 : index
        %get3A_314 = tpu.vector_load %arg8[%get3A_311, %get3A_312, %get3A_313] {strides = array<i32>} : memref<2x32x1024xf32, #tpu.memory_space<vmem>>, vector<1x1x16xf32>,
        %get3A_315 = vector.shape_cast %get3A_314 : vector<1x1x16xf32> to vector<16xf32>
        %div3A_316 = arith.divf %get3A_315, %get3A_269 : vector<16xf32>
        %swap3A_317 = arith.constant 1 : i32
        %swap3A_318 = arith.index_cast %swap3A_317 : i32 to index
        %swap3A_319 = arith.index_cast %scan3A_264 : i32 to index
        %swap3A_320 = arith.constant 48 : index
        %swap3A_321 = tpu.vector_load %arg8[%swap3A_318, %swap3A_319, %swap3A_320] {strides = array<i32>} : memref<2x32x1024xf32, #tpu.memory_space<vmem>>, vector<1x1x16xf32>,
        %swap3A_322 = vector.shape_cast %swap3A_321 : vector<1x1x16xf32> to vector<16xf32>
        %swap3A_323 = vector.shape_cast %div3A_316 : vector<16xf32> to vector<1x1x16xf32>
        tpu.vector_store %arg8[%swap3A_318, %swap3A_319, %swap3A_320], %swap3A_323 {strides = array<i32>} : memref<2x32x1024xf32, #tpu.memory_space<vmem>>, vector<1x1x16xf32>,
        %get3A_324 = arith.constant 1 : i32
        %get3A_325 = arith.index_cast %get3A_324 : i32 to index
        %get3A_326 = arith.index_cast %scan3A_264 : i32 to index
        %get3A_327 = arith.constant 64 : index
        %get3A_328 = tpu.vector_load %arg8[%get3A_325, %get3A_326, %get3A_327] {strides = array<i32>} : memref<2x32x1024xf32, #tpu.memory_space<vmem>>, vector<1x1x16xf32>,
        %get3A_329 = vector.shape_cast %get3A_328 : vector<1x1x16xf32> to vector<16xf32>
        %div3A_330 = arith.divf %get3A_329, %get3A_269 : vector<16xf32>
        %swap3A_331 = arith.constant 1 : i32
        %swap3A_332 = arith.index_cast %swap3A_331 : i32 to index
        %swap3A_333 = arith.index_cast %scan3A_264 : i32 to index
        %swap3A_334 = arith.constant 64 : index
        %swap3A_335 = tpu.vector_load %arg8[%swap3A_332, %swap3A_333, %swap3A_334] {strides = array<i32>} : memref<2x32x1024xf32, #tpu.memory_space<vmem>>, vector<1x1x16xf32>,
        %swap3A_336 = vector.shape_cast %swap3A_335 : vector<1x1x16xf32> to vector<16xf32>
        %swap3A_337 = vector.shape_cast %div3A_330 : vector<16xf32> to vector<1x1x16xf32>
        tpu.vector_store %arg8[%swap3A_332, %swap3A_333, %swap3A_334], %swap3A_337 {strides = array<i32>} : memref<2x32x1024xf32, #tpu.memory_space<vmem>>, vector<1x1x16xf32>,
        %get3A_338 = arith.constant 1 : i32
        %get3A_339 = arith.index_cast %get3A_338 : i32 to index
        %get3A_340 = arith.index_cast %scan3A_264 : i32 to index
        %get3A_341 = arith.constant 80 : index
        %get3A_342 = tpu.vector_load %arg8[%get3A_339, %get3A_340, %get3A_341] {strides = array<i32>} : memref<2x32x1024xf32, #tpu.memory_space<vmem>>, vector<1x1x16xf32>,
        %get3A_343 = vector.shape_cast %get3A_342 : vector<1x1x16xf32> to vector<16xf32>
        %div3A_344 = arith.divf %get3A_343, %get3A_269 : vector<16xf32>
        %swap3A_345 = arith.constant 1 : i32
        %swap3A_346 = arith.index_cast %swap3A_345 : i32 to index
        %swap3A_347 = arith.index_cast %scan3A_264 : i32 to index
        %swap3A_348 = arith.constant 80 : index
        %swap3A_349 = tpu.vector_load %arg8[%swap3A_346, %swap3A_347, %swap3A_348] {strides = array<i32>} : memref<2x32x1024xf32, #tpu.memory_space<vmem>>, vector<1x1x16xf32>,
        %swap3A_350 = vector.shape_cast %swap3A_349 : vector<1x1x16xf32> to vector<16xf32>
        %swap3A_351 = vector.shape_cast %div3A_344 : vector<16xf32> to vector<1x1x16xf32>
        tpu.vector_store %arg8[%swap3A_346, %swap3A_347, %swap3A_348], %swap3A_351 {strides = array<i32>} : memref<2x32x1024xf32, #tpu.memory_space<vmem>>, vector<1x1x16xf32>,
        %get3A_352 = arith.constant 1 : i32
        %get3A_353 = arith.index_cast %get3A_352 : i32 to index
        %get3A_354 = arith.index_cast %scan3A_264 : i32 to index
        %get3A_355 = arith.constant 96 : index
        %get3A_356 = tpu.vector_load %arg8[%get3A_353, %get3A_354, %get3A_355] {strides = array<i32>} : memref<2x32x1024xf32, #tpu.memory_space<vmem>>, vector<1x1x16xf32>,
        %get3A_357 = vector.shape_cast %get3A_356 : vector<1x1x16xf32> to vector<16xf32>
        %div3A_358 = arith.divf %get3A_357, %get3A_269 : vector<16xf32>
        %swap3A_359 = arith.constant 1 : i32
        %swap3A_360 = arith.index_cast %swap3A_359 : i32 to index
        %swap3A_361 = arith.index_cast %scan3A_264 : i32 to index
        %swap3A_362 = arith.constant 96 : index
        %swap3A_363 = tpu.vector_load %arg8[%swap3A_360, %swap3A_361, %swap3A_362] {strides = array<i32>} : memref<2x32x1024xf32, #tpu.memory_space<vmem>>, vector<1x1x16xf32>,
        %swap3A_364 = vector.shape_cast %swap3A_363 : vector<1x1x16xf32> to vector<16xf32>
        %swap3A_365 = vector.shape_cast %div3A_358 : vector<16xf32> to vector<1x1x16xf32>
        tpu.vector_store %arg8[%swap3A_360, %swap3A_361, %swap3A_362], %swap3A_365 {strides = array<i32>} : memref<2x32x1024xf32, #tpu.memory_space<vmem>>, vector<1x1x16xf32>,
        %get3A_366 = arith.constant 1 : i32
        %get3A_367 = arith.index_cast %get3A_366 : i32 to index
        %get3A_368 = arith.index_cast %scan3A_264 : i32 to index
        %get3A_369 = arith.constant 112 : index
        %get3A_370 = tpu.vector_load %arg8[%get3A_367, %get3A_368, %get3A_369] {strides = array<i32>} : memref<2x32x1024xf32, #tpu.memory_space<vmem>>, vector<1x1x16xf32>,
        %get3A_371 = vector.shape_cast %get3A_370 : vector<1x1x16xf32> to vector<16xf32>
        %div3A_372 = arith.divf %get3A_371, %get3A_269 : vector<16xf32>
        %swap3A_373 = arith.constant 1 : i32
        %swap3A_374 = arith.index_cast %swap3A_373 : i32 to index
        %swap3A_375 = arith.index_cast %scan3A_264 : i32 to index
        %swap3A_376 = arith.constant 112 : index
        %swap3A_377 = tpu.vector_load %arg8[%swap3A_374, %swap3A_375, %swap3A_376] {strides = array<i32>} : memref<2x32x1024xf32, #tpu.memory_space<vmem>>, vector<1x1x16xf32>,
        %swap3A_378 = vector.shape_cast %swap3A_377 : vector<1x1x16xf32> to vector<16xf32>
        %swap3A_379 = vector.shape_cast %div3A_372 : vector<16xf32> to vector<1x1x16xf32>
        tpu.vector_store %arg8[%swap3A_374, %swap3A_375, %swap3A_376], %swap3A_379 {strides = array<i32>} : memref<2x32x1024xf32, #tpu.memory_space<vmem>>, vector<1x1x16xf32>,
        %get3A_380 = arith.constant 1 : i32
        %get3A_381 = arith.index_cast %get3A_380 : i32 to index
        %get3A_382 = arith.index_cast %scan3A_264 : i32 to index
        %get3A_383 = arith.constant 128 : index
        %get3A_384 = tpu.vector_load %arg8[%get3A_381, %get3A_382, %get3A_383] {strides = array<i32>} : memref<2x32x1024xf32, #tpu.memory_space<vmem>>, vector<1x1x16xf32>,
        %get3A_385 = vector.shape_cast %get3A_384 : vector<1x1x16xf32> to vector<16xf32>
        %div3A_386 = arith.divf %get3A_385, %get3A_269 : vector<16xf32>
        %swap3A_387 = arith.constant 1 : i32
        %swap3A_388 = arith.index_cast %swap3A_387 : i32 to index
        %swap3A_389 = arith.index_cast %scan3A_264 : i32 to index
        %swap3A_390 = arith.constant 128 : index
        %swap3A_391 = tpu.vector_load %arg8[%swap3A_388, %swap3A_389, %swap3A_390] {strides = array<i32>} : memref<2x32x1024xf32, #tpu.memory_space<vmem>>, vector<1x1x16xf32>,
        %swap3A_392 = vector.shape_cast %swap3A_391 : vector<1x1x16xf32> to vector<16xf32>
        %swap3A_393 = vector.shape_cast %div3A_386 : vector<16xf32> to vector<1x1x16xf32>
        tpu.vector_store %arg8[%swap3A_388, %swap3A_389, %swap3A_390], %swap3A_393 {strides = array<i32>} : memref<2x32x1024xf32, #tpu.memory_space<vmem>>, vector<1x1x16xf32>,
        %get3A_394 = arith.constant 1 : i32
        %get3A_395 = arith.index_cast %get3A_394 : i32 to index
        %get3A_396 = arith.index_cast %scan3A_264 : i32 to index
        %get3A_397 = arith.constant 144 : index
        %get3A_398 = tpu.vector_load %arg8[%get3A_395, %get3A_396, %get3A_397] {strides = array<i32>} : memref<2x32x1024xf32, #tpu.memory_space<vmem>>, vector<1x1x16xf32>,
        %get3A_399 = vector.shape_cast %get3A_398 : vector<1x1x16xf32> to vector<16xf32>
        %div3A_400 = arith.divf %get3A_399, %get3A_269 : vector<16xf32>
        %swap3A_401 = arith.constant 1 : i32
        %swap3A_402 = arith.index_cast %swap3A_401 : i32 to index
        %swap3A_403 = arith.index_cast %scan3A_264 : i32 to index
        %swap3A_404 = arith.constant 144 : index
        %swap3A_405 = tpu.vector_load %arg8[%swap3A_402, %swap3A_403, %swap3A_404] {strides = array<i32>} : memref<2x32x1024xf32, #tpu.memory_space<vmem>>, vector<1x1x16xf32>,
        %swap3A_406 = vector.shape_cast %swap3A_405 : vector<1x1x16xf32> to vector<16xf32>
        %swap3A_407 = vector.shape_cast %div3A_400 : vector<16xf32> to vector<1x1x16xf32>
        tpu.vector_store %arg8[%swap3A_402, %swap3A_403, %swap3A_404], %swap3A_407 {strides = array<i32>} : memref<2x32x1024xf32, #tpu.memory_space<vmem>>, vector<1x1x16xf32>,
        %get3A_408 = arith.constant 1 : i32
        %get3A_409 = arith.index_cast %get3A_408 : i32 to index
        %get3A_410 = arith.index_cast %scan3A_264 : i32 to index
        %get3A_411 = arith.constant 160 : index
        %get3A_412 = tpu.vector_load %arg8[%get3A_409, %get3A_410, %get3A_411] {strides = array<i32>} : memref<2x32x1024xf32, #tpu.memory_space<vmem>>, vector<1x1x16xf32>,
        %get3A_413 = vector.shape_cast %get3A_412 : vector<1x1x16xf32> to vector<16xf32>
        %div3A_414 = arith.divf %get3A_413, %get3A_269 : vector<16xf32>
        %swap3A_415 = arith.constant 1 : i32
        %swap3A_416 = arith.index_cast %swap3A_415 : i32 to index
        %swap3A_417 = arith.index_cast %scan3A_264 : i32 to index
        %swap3A_418 = arith.constant 160 : index
        %swap3A_419 = tpu.vector_load %arg8[%swap3A_416, %swap3A_417, %swap3A_418] {strides = array<i32>} : memref<2x32x1024xf32, #tpu.memory_space<vmem>>, vector<1x1x16xf32>,
        %swap3A_420 = vector.shape_cast %swap3A_419 : vector<1x1x16xf32> to vector<16xf32>
        %swap3A_421 = vector.shape_cast %div3A_414 : vector<16xf32> to vector<1x1x16xf32>
        tpu.vector_store %arg8[%swap3A_416, %swap3A_417, %swap3A_418], %swap3A_421 {strides = array<i32>} : memref<2x32x1024xf32, #tpu.memory_space<vmem>>, vector<1x1x16xf32>,
        %get3A_422 = arith.constant 1 : i32
        %get3A_423 = arith.index_cast %get3A_422 : i32 to index
        %get3A_424 = arith.index_cast %scan3A_264 : i32 to index
        %get3A_425 = arith.constant 176 : index
        %get3A_426 = tpu.vector_load %arg8[%get3A_423, %get3A_424, %get3A_425] {strides = array<i32>} : memref<2x32x1024xf32, #tpu.memory_space<vmem>>, vector<1x1x16xf32>,
        %get3A_427 = vector.shape_cast %get3A_426 : vector<1x1x16xf32> to vector<16xf32>
        %div3A_428 = arith.divf %get3A_427, %get3A_269 : vector<16xf32>
        %swap3A_429 = arith.constant 1 : i32
        %swap3A_430 = arith.index_cast %swap3A_429 : i32 to index
        %swap3A_431 = arith.index_cast %scan3A_264 : i32 to index
        %swap3A_432 = arith.constant 176 : index
        %swap3A_433 = tpu.vector_load %arg8[%swap3A_430, %swap3A_431, %swap3A_432] {strides = array<i32>} : memref<2x32x1024xf32, #tpu.memory_space<vmem>>, vector<1x1x16xf32>,
        %swap3A_434 = vector.shape_cast %swap3A_433 : vector<1x1x16xf32> to vector<16xf32>
        %swap3A_435 = vector.shape_cast %div3A_428 : vector<16xf32> to vector<1x1x16xf32>
        tpu.vector_store %arg8[%swap3A_430, %swap3A_431, %swap3A_432], %swap3A_435 {strides = array<i32>} : memref<2x32x1024xf32, #tpu.memory_space<vmem>>, vector<1x1x16xf32>,
        %get3A_436 = arith.constant 1 : i32
        %get3A_437 = arith.index_cast %get3A_436 : i32 to index
        %get3A_438 = arith.index_cast %scan3A_264 : i32 to index
        %get3A_439 = arith.constant 192 : index
        %get3A_440 = tpu.vector_load %arg8[%get3A_437, %get3A_438, %get3A_439] {strides = array<i32>} : memref<2x32x1024xf32, #tpu.memory_space<vmem>>, vector<1x1x16xf32>,
        %get3A_441 = vector.shape_cast %get3A_440 : vector<1x1x16xf32> to vector<16xf32>
        %div3A_442 = arith.divf %get3A_441, %get3A_269 : vector<16xf32>
        %swap3A_443 = arith.constant 1 : i32
        %swap3A_444 = arith.index_cast %swap3A_443 : i32 to index
        %swap3A_445 = arith.index_cast %scan3A_264 : i32 to index
        %swap3A_446 = arith.constant 192 : index
        %swap3A_447 = tpu.vector_load %arg8[%swap3A_444, %swap3A_445, %swap3A_446] {strides = array<i32>} : memref<2x32x1024xf32, #tpu.memory_space<vmem>>, vector<1x1x16xf32>,
        %swap3A_448 = vector.shape_cast %swap3A_447 : vector<1x1x16xf32> to vector<16xf32>
        %swap3A_449 = vector.shape_cast %div3A_442 : vector<16xf32> to vector<1x1x16xf32>
        tpu.vector_store %arg8[%swap3A_444, %swap3A_445, %swap3A_446], %swap3A_449 {strides = array<i32>} : memref<2x32x1024xf32, #tpu.memory_space<vmem>>, vector<1x1x16xf32>,
        %get3A_450 = arith.constant 1 : i32
        %get3A_451 = arith.index_cast %get3A_450 : i32 to index
        %get3A_452 = arith.index_cast %scan3A_264 : i32 to index
        %get3A_453 = arith.constant 208 : index
        %get3A_454 = tpu.vector_load %arg8[%get3A_451, %get3A_452, %get3A_453] {strides = array<i32>} : memref<2x32x1024xf32, #tpu.memory_space<vmem>>, vector<1x1x16xf32>,
        %get3A_455 = vector.shape_cast %get3A_454 : vector<1x1x16xf32> to vector<16xf32>
        %div3A_456 = arith.divf %get3A_455, %get3A_269 : vector<16xf32>
        %swap3A_457 = arith.constant 1 : i32
        %swap3A_458 = arith.index_cast %swap3A_457 : i32 to index
        %swap3A_459 = arith.index_cast %scan3A_264 : i32 to index
        %swap3A_460 = arith.constant 208 : index
        %swap3A_461 = tpu.vector_load %arg8[%swap3A_458, %swap3A_459, %swap3A_460] {strides = array<i32>} : memref<2x32x1024xf32, #tpu.memory_space<vmem>>, vector<1x1x16xf32>,
        %swap3A_462 = vector.shape_cast %swap3A_461 : vector<1x1x16xf32> to vector<16xf32>
        %swap3A_463 = vector.shape_cast %div3A_456 : vector<16xf32> to vector<1x1x16xf32>
        tpu.vector_store %arg8[%swap3A_458, %swap3A_459, %swap3A_460], %swap3A_463 {strides = array<i32>} : memref<2x32x1024xf32, #tpu.memory_space<vmem>>, vector<1x1x16xf32>,
        %get3A_464 = arith.constant 1 : i32
        %get3A_465 = arith.index_cast %get3A_464 : i32 to index
        %get3A_466 = arith.index_cast %scan3A_264 : i32 to index
        %get3A_467 = arith.constant 224 : index
        %get3A_468 = tpu.vector_load %arg8[%get3A_465, %get3A_466, %get3A_467] {strides = array<i32>} : memref<2x32x1024xf32, #tpu.memory_space<vmem>>, vector<1x1x16xf32>,
        %get3A_469 = vector.shape_cast %get3A_468 : vector<1x1x16xf32> to vector<16xf32>
        %div3A_470 = arith.divf %get3A_469, %get3A_269 : vector<16xf32>
        %swap3A_471 = arith.constant 1 : i32
        %swap3A_472 = arith.index_cast %swap3A_471 : i32 to index
        %swap3A_473 = arith.index_cast %scan3A_264 : i32 to index
        %swap3A_474 = arith.constant 224 : index
        %swap3A_475 = tpu.vector_load %arg8[%swap3A_472, %swap3A_473, %swap3A_474] {strides = array<i32>} : memref<2x32x1024xf32, #tpu.memory_space<vmem>>, vector<1x1x16xf32>,
        %swap3A_476 = vector.shape_cast %swap3A_475 : vector<1x1x16xf32> to vector<16xf32>
        %swap3A_477 = vector.shape_cast %div3A_470 : vector<16xf32> to vector<1x1x16xf32>
        tpu.vector_store %arg8[%swap3A_472, %swap3A_473, %swap3A_474], %swap3A_477 {strides = array<i32>} : memref<2x32x1024xf32, #tpu.memory_space<vmem>>, vector<1x1x16xf32>,
        %get3A_478 = arith.constant 1 : i32
        %get3A_479 = arith.index_cast %get3A_478 : i32 to index
        %get3A_480 = arith.index_cast %scan3A_264 : i32 to index
        %get3A_481 = arith.constant 240 : index
        %get3A_482 = tpu.vector_load %arg8[%get3A_479, %get3A_480, %get3A_481] {strides = array<i32>} : memref<2x32x1024xf32, #tpu.memory_space<vmem>>, vector<1x1x16xf32>,
        %get3A_483 = vector.shape_cast %get3A_482 : vector<1x1x16xf32> to vector<16xf32>
        %div3A_484 = arith.divf %get3A_483, %get3A_269 : vector<16xf32>
        %swap3A_485 = arith.constant 1 : i32
        %swap3A_486 = arith.index_cast %swap3A_485 : i32 to index
        %swap3A_487 = arith.index_cast %scan3A_264 : i32 to index
        %swap3A_488 = arith.constant 240 : index
        %swap3A_489 = tpu.vector_load %arg8[%swap3A_486, %swap3A_487, %swap3A_488] {strides = array<i32>} : memref<2x32x1024xf32, #tpu.memory_space<vmem>>, vector<1x1x16xf32>,
        %swap3A_490 = vector.shape_cast %swap3A_489 : vector<1x1x16xf32> to vector<16xf32>
        %swap3A_491 = vector.shape_cast %div3A_484 : vector<16xf32> to vector<1x1x16xf32>
        tpu.vector_store %arg8[%swap3A_486, %swap3A_487, %swap3A_488], %swap3A_491 {strides = array<i32>} : memref<2x32x1024xf32, #tpu.memory_space<vmem>>, vector<1x1x16xf32>,
        %get3A_492 = arith.constant 1 : i32
        %get3A_493 = arith.index_cast %get3A_492 : i32 to index
        %get3A_494 = arith.index_cast %scan3A_264 : i32 to index
        %get3A_495 = arith.constant 256 : index
        %get3A_496 = tpu.vector_load %arg8[%get3A_493, %get3A_494, %get3A_495] {strides = array<i32>} : memref<2x32x1024xf32, #tpu.memory_space<vmem>>, vector<1x1x16xf32>,
        %get3A_497 = vector.shape_cast %get3A_496 : vector<1x1x16xf32> to vector<16xf32>
        %div3A_498 = arith.divf %get3A_497, %get3A_269 : vector<16xf32>
        %swap3A_499 = arith.constant 1 : i32
        %swap3A_500 = arith.index_cast %swap3A_499 : i32 to index
        %swap3A_501 = arith.index_cast %scan3A_264 : i32 to index
        %swap3A_502 = arith.constant 256 : index
        %swap3A_503 = tpu.vector_load %arg8[%swap3A_500, %swap3A_501, %swap3A_502] {strides = array<i32>} : memref<2x32x1024xf32, #tpu.memory_space<vmem>>, vector<1x1x16xf32>,
        %swap3A_504 = vector.shape_cast %swap3A_503 : vector<1x1x16xf32> to vector<16xf32>
        %swap3A_505 = vector.shape_cast %div3A_498 : vector<16xf32> to vector<1x1x16xf32>
        tpu.vector_store %arg8[%swap3A_500, %swap3A_501, %swap3A_502], %swap3A_505 {strides = array<i32>} : memref<2x32x1024xf32, #tpu.memory_space<vmem>>, vector<1x1x16xf32>,
        %get3A_506 = arith.constant 1 : i32
        %get3A_507 = arith.index_cast %get3A_506 : i32 to index
        %get3A_508 = arith.index_cast %scan3A_264 : i32 to index
        %get3A_509 = arith.constant 272 : index
        %get3A_510 = tpu.vector_load %arg8[%get3A_507, %get3A_508, %get3A_509] {strides = array<i32>} : memref<2x32x1024xf32, #tpu.memory_space<vmem>>, vector<1x1x16xf32>,
        %get3A_511 = vector.shape_cast %get3A_510 : vector<1x1x16xf32> to vector<16xf32>
        %div3A_512 = arith.divf %get3A_511, %get3A_269 : vector<16xf32>
        %swap3A_513 = arith.constant 1 : i32
        %swap3A_514 = arith.index_cast %swap3A_513 : i32 to index
        %swap3A_515 = arith.index_cast %scan3A_264 : i32 to index
        %swap3A_516 = arith.constant 272 : index
        %swap3A_517 = tpu.vector_load %arg8[%swap3A_514, %swap3A_515, %swap3A_516] {strides = array<i32>} : memref<2x32x1024xf32, #tpu.memory_space<vmem>>, vector<1x1x16xf32>,
        %swap3A_518 = vector.shape_cast %swap3A_517 : vector<1x1x16xf32> to vector<16xf32>
        %swap3A_519 = vector.shape_cast %div3A_512 : vector<16xf32> to vector<1x1x16xf32>
        tpu.vector_store %arg8[%swap3A_514, %swap3A_515, %swap3A_516], %swap3A_519 {strides = array<i32>} : memref<2x32x1024xf32, #tpu.memory_space<vmem>>, vector<1x1x16xf32>,
        %get3A_520 = arith.constant 1 : i32
        %get3A_521 = arith.index_cast %get3A_520 : i32 to index
        %get3A_522 = arith.index_cast %scan3A_264 : i32 to index
        %get3A_523 = arith.constant 288 : index
        %get3A_524 = tpu.vector_load %arg8[%get3A_521, %get3A_522, %get3A_523] {strides = array<i32>} : memref<2x32x1024xf32, #tpu.memory_space<vmem>>, vector<1x1x16xf32>,
        %get3A_525 = vector.shape_cast %get3A_524 : vector<1x1x16xf32> to vector<16xf32>
        %div3A_526 = arith.divf %get3A_525, %get3A_269 : vector<16xf32>
        %swap3A_527 = arith.constant 1 : i32
        %swap3A_528 = arith.index_cast %swap3A_527 : i32 to index
        %swap3A_529 = arith.index_cast %scan3A_264 : i32 to index
        %swap3A_530 = arith.constant 288 : index
        %swap3A_531 = tpu.vector_load %arg8[%swap3A_528, %swap3A_529, %swap3A_530] {strides = array<i32>} : memref<2x32x1024xf32, #tpu.memory_space<vmem>>, vector<1x1x16xf32>,
        %swap3A_532 = vector.shape_cast %swap3A_531 : vector<1x1x16xf32> to vector<16xf32>
        %swap3A_533 = vector.shape_cast %div3A_526 : vector<16xf32> to vector<1x1x16xf32>
        tpu.vector_store %arg8[%swap3A_528, %swap3A_529, %swap3A_530], %swap3A_533 {strides = array<i32>} : memref<2x32x1024xf32, #tpu.memory_space<vmem>>, vector<1x1x16xf32>,
        %get3A_534 = arith.constant 1 : i32
        %get3A_535 = arith.index_cast %get3A_534 : i32 to index
        %get3A_536 = arith.index_cast %scan3A_264 : i32 to index
        %get3A_537 = arith.constant 304 : index
        %get3A_538 = tpu.vector_load %arg8[%get3A_535, %get3A_536, %get3A_537] {strides = array<i32>} : memref<2x32x1024xf32, #tpu.memory_space<vmem>>, vector<1x1x16xf32>,
        %get3A_539 = vector.shape_cast %get3A_538 : vector<1x1x16xf32> to vector<16xf32>
        %div3A_540 = arith.divf %get3A_539, %get3A_269 : vector<16xf32>
        %swap3A_541 = arith.constant 1 : i32
        %swap3A_542 = arith.index_cast %swap3A_541 : i32 to index
        %swap3A_543 = arith.index_cast %scan3A_264 : i32 to index
        %swap3A_544 = arith.constant 304 : index
        %swap3A_545 = tpu.vector_load %arg8[%swap3A_542, %swap3A_543, %swap3A_544] {strides = array<i32>} : memref<2x32x1024xf32, #tpu.memory_space<vmem>>, vector<1x1x16xf32>,
        %swap3A_546 = vector.shape_cast %swap3A_545 : vector<1x1x16xf32> to vector<16xf32>
        %swap3A_547 = vector.shape_cast %div3A_540 : vector<16xf32> to vector<1x1x16xf32>
        tpu.vector_store %arg8[%swap3A_542, %swap3A_543, %swap3A_544], %swap3A_547 {strides = array<i32>} : memref<2x32x1024xf32, #tpu.memory_space<vmem>>, vector<1x1x16xf32>,
        %get3A_548 = arith.constant 1 : i32
        %get3A_549 = arith.index_cast %get3A_548 : i32 to index
        %get3A_550 = arith.index_cast %scan3A_264 : i32 to index
        %get3A_551 = arith.constant 320 : index
        %get3A_552 = tpu.vector_load %arg8[%get3A_549, %get3A_550, %get3A_551] {strides = array<i32>} : memref<2x32x1024xf32, #tpu.memory_space<vmem>>, vector<1x1x16xf32>,
        %get3A_553 = vector.shape_cast %get3A_552 : vector<1x1x16xf32> to vector<16xf32>
        %div3A_554 = arith.divf %get3A_553, %get3A_269 : vector<16xf32>
        %swap3A_555 = arith.constant 1 : i32
        %swap3A_556 = arith.index_cast %swap3A_555 : i32 to index
        %swap3A_557 = arith.index_cast %scan3A_264 : i32 to index
        %swap3A_558 = arith.constant 320 : index
        %swap3A_559 = tpu.vector_load %arg8[%swap3A_556, %swap3A_557, %swap3A_558] {strides = array<i32>} : memref<2x32x1024xf32, #tpu.memory_space<vmem>>, vector<1x1x16xf32>,
        %swap3A_560 = vector.shape_cast %swap3A_559 : vector<1x1x16xf32> to vector<16xf32>
        %swap3A_561 = vector.shape_cast %div3A_554 : vector<16xf32> to vector<1x1x16xf32>
        tpu.vector_store %arg8[%swap3A_556, %swap3A_557, %swap3A_558], %swap3A_561 {strides = array<i32>} : memref<2x32x1024xf32, #tpu.memory_space<vmem>>, vector<1x1x16xf32>,
        %get3A_562 = arith.constant 1 : i32
        %get3A_563 = arith.index_cast %get3A_562 : i32 to index
        %get3A_564 = arith.index_cast %scan3A_264 : i32 to index
        %get3A_565 = arith.constant 336 : index
        %get3A_566 = tpu.vector_load %arg8[%get3A_563, %get3A_564, %get3A_565] {strides = array<i32>} : memref<2x32x1024xf32, #tpu.memory_space<vmem>>, vector<1x1x16xf32>,
        %get3A_567 = vector.shape_cast %get3A_566 : vector<1x1x16xf32> to vector<16xf32>
        %div3A_568 = arith.divf %get3A_567, %get3A_269 : vector<16xf32>
        %swap3A_569 = arith.constant 1 : i32
        %swap3A_570 = arith.index_cast %swap3A_569 : i32 to index
        %swap3A_571 = arith.index_cast %scan3A_264 : i32 to index
        %swap3A_572 = arith.constant 336 : index
        %swap3A_573 = tpu.vector_load %arg8[%swap3A_570, %swap3A_571, %swap3A_572] {strides = array<i32>} : memref<2x32x1024xf32, #tpu.memory_space<vmem>>, vector<1x1x16xf32>,
        %swap3A_574 = vector.shape_cast %swap3A_573 : vector<1x1x16xf32> to vector<16xf32>
        %swap3A_575 = vector.shape_cast %div3A_568 : vector<16xf32> to vector<1x1x16xf32>
        tpu.vector_store %arg8[%swap3A_570, %swap3A_571, %swap3A_572], %swap3A_575 {strides = array<i32>} : memref<2x32x1024xf32, #tpu.memory_space<vmem>>, vector<1x1x16xf32>,
        %get3A_576 = arith.constant 1 : i32
        %get3A_577 = arith.index_cast %get3A_576 : i32 to index
        %get3A_578 = arith.index_cast %scan3A_264 : i32 to index
        %get3A_579 = arith.constant 352 : index
        %get3A_580 = tpu.vector_load %arg8[%get3A_577, %get3A_578, %get3A_579] {strides = array<i32>} : memref<2x32x1024xf32, #tpu.memory_space<vmem>>, vector<1x1x16xf32>,
        %get3A_581 = vector.shape_cast %get3A_580 : vector<1x1x16xf32> to vector<16xf32>
        %div3A_582 = arith.divf %get3A_581, %get3A_269 : vector<16xf32>
        %swap3A_583 = arith.constant 1 : i32
        %swap3A_584 = arith.index_cast %swap3A_583 : i32 to index
        %swap3A_585 = arith.index_cast %scan3A_264 : i32 to index
        %swap3A_586 = arith.constant 352 : index
        %swap3A_587 = tpu.vector_load %arg8[%swap3A_584, %swap3A_585, %swap3A_586] {strides = array<i32>} : memref<2x32x1024xf32, #tpu.memory_space<vmem>>, vector<1x1x16xf32>,
        %swap3A_588 = vector.shape_cast %swap3A_587 : vector<1x1x16xf32> to vector<16xf32>
        %swap3A_589 = vector.shape_cast %div3A_582 : vector<16xf32> to vector<1x1x16xf32>
        tpu.vector_store %arg8[%swap3A_584, %swap3A_585, %swap3A_586], %swap3A_589 {strides = array<i32>} : memref<2x32x1024xf32, #tpu.memory_space<vmem>>, vector<1x1x16xf32>,
        %get3A_590 = arith.constant 1 : i32
        %get3A_591 = arith.index_cast %get3A_590 : i32 to index
        %get3A_592 = arith.index_cast %scan3A_264 : i32 to index
        %get3A_593 = arith.constant 368 : index
        %get3A_594 = tpu.vector_load %arg8[%get3A_591, %get3A_592, %get3A_593] {strides = array<i32>} : memref<2x32x1024xf32, #tpu.memory_space<vmem>>, vector<1x1x16xf32>,
        %get3A_595 = vector.shape_cast %get3A_594 : vector<1x1x16xf32> to vector<16xf32>
        %div3A_596 = arith.divf %get3A_595, %get3A_269 : vector<16xf32>
        %swap3A_597 = arith.constant 1 : i32
        %swap3A_598 = arith.index_cast %swap3A_597 : i32 to index
        %swap3A_599 = arith.index_cast %scan3A_264 : i32 to index
        %swap3A_600 = arith.constant 368 : index
        %swap3A_601 = tpu.vector_load %arg8[%swap3A_598, %swap3A_599, %swap3A_600] {strides = array<i32>} : memref<2x32x1024xf32, #tpu.memory_space<vmem>>, vector<1x1x16xf32>,
        %swap3A_602 = vector.shape_cast %swap3A_601 : vector<1x1x16xf32> to vector<16xf32>
        %swap3A_603 = vector.shape_cast %div3A_596 : vector<16xf32> to vector<1x1x16xf32>
        tpu.vector_store %arg8[%swap3A_598, %swap3A_599, %swap3A_600], %swap3A_603 {strides = array<i32>} : memref<2x32x1024xf32, #tpu.memory_space<vmem>>, vector<1x1x16xf32>,
        %get3A_604 = arith.constant 1 : i32
        %get3A_605 = arith.index_cast %get3A_604 : i32 to index
        %get3A_606 = arith.index_cast %scan3A_264 : i32 to index
        %get3A_607 = arith.constant 384 : index
        %get3A_608 = tpu.vector_load %arg8[%get3A_605, %get3A_606, %get3A_607] {strides = array<i32>} : memref<2x32x1024xf32, #tpu.memory_space<vmem>>, vector<1x1x16xf32>,
        %get3A_609 = vector.shape_cast %get3A_608 : vector<1x1x16xf32> to vector<16xf32>
        %div3A_610 = arith.divf %get3A_609, %get3A_269 : vector<16xf32>
        %swap3A_611 = arith.constant 1 : i32
        %swap3A_612 = arith.index_cast %swap3A_611 : i32 to index
        %swap3A_613 = arith.index_cast %scan3A_264 : i32 to index
        %swap3A_614 = arith.constant 384 : index
        %swap3A_615 = tpu.vector_load %arg8[%swap3A_612, %swap3A_613, %swap3A_614] {strides = array<i32>} : memref<2x32x1024xf32, #tpu.memory_space<vmem>>, vector<1x1x16xf32>,
        %swap3A_616 = vector.shape_cast %swap3A_615 : vector<1x1x16xf32> to vector<16xf32>
        %swap3A_617 = vector.shape_cast %div3A_610 : vector<16xf32> to vector<1x1x16xf32>
        tpu.vector_store %arg8[%swap3A_612, %swap3A_613, %swap3A_614], %swap3A_617 {strides = array<i32>} : memref<2x32x1024xf32, #tpu.memory_space<vmem>>, vector<1x1x16xf32>,
        %get3A_618 = arith.constant 1 : i32
        %get3A_619 = arith.index_cast %get3A_618 : i32 to index
        %get3A_620 = arith.index_cast %scan3A_264 : i32 to index
        %get3A_621 = arith.constant 400 : index
        %get3A_622 = tpu.vector_load %arg8[%get3A_619, %get3A_620, %get3A_621] {strides = array<i32>} : memref<2x32x1024xf32, #tpu.memory_space<vmem>>, vector<1x1x16xf32>,
        %get3A_623 = vector.shape_cast %get3A_622 : vector<1x1x16xf32> to vector<16xf32>
        %div3A_624 = arith.divf %get3A_623, %get3A_269 : vector<16xf32>
        %swap3A_625 = arith.constant 1 : i32
        %swap3A_626 = arith.index_cast %swap3A_625 : i32 to index
        %swap3A_627 = arith.index_cast %scan3A_264 : i32 to index
        %swap3A_628 = arith.constant 400 : index
        %swap3A_629 = tpu.vector_load %arg8[%swap3A_626, %swap3A_627, %swap3A_628] {strides = array<i32>} : memref<2x32x1024xf32, #tpu.memory_space<vmem>>, vector<1x1x16xf32>,
        %swap3A_630 = vector.shape_cast %swap3A_629 : vector<1x1x16xf32> to vector<16xf32>
        %swap3A_631 = vector.shape_cast %div3A_624 : vector<16xf32> to vector<1x1x16xf32>
        tpu.vector_store %arg8[%swap3A_626, %swap3A_627, %swap3A_628], %swap3A_631 {strides = array<i32>} : memref<2x32x1024xf32, #tpu.memory_space<vmem>>, vector<1x1x16xf32>,
        %get3A_632 = arith.constant 1 : i32
        %get3A_633 = arith.index_cast %get3A_632 : i32 to index
        %get3A_634 = arith.index_cast %scan3A_264 : i32 to index
        %get3A_635 = arith.constant 416 : index
        %get3A_636 = tpu.vector_load %arg8[%get3A_633, %get3A_634, %get3A_635] {strides = array<i32>} : memref<2x32x1024xf32, #tpu.memory_space<vmem>>, vector<1x1x16xf32>,
        %get3A_637 = vector.shape_cast %get3A_636 : vector<1x1x16xf32> to vector<16xf32>
        %div3A_638 = arith.divf %get3A_637, %get3A_269 : vector<16xf32>
        %swap3A_639 = arith.constant 1 : i32
        %swap3A_640 = arith.index_cast %swap3A_639 : i32 to index
        %swap3A_641 = arith.index_cast %scan3A_264 : i32 to index
        %swap3A_642 = arith.constant 416 : index
        %swap3A_643 = tpu.vector_load %arg8[%swap3A_640, %swap3A_641, %swap3A_642] {strides = array<i32>} : memref<2x32x1024xf32, #tpu.memory_space<vmem>>, vector<1x1x16xf32>,
        %swap3A_644 = vector.shape_cast %swap3A_643 : vector<1x1x16xf32> to vector<16xf32>
        %swap3A_645 = vector.shape_cast %div3A_638 : vector<16xf32> to vector<1x1x16xf32>
        tpu.vector_store %arg8[%swap3A_640, %swap3A_641, %swap3A_642], %swap3A_645 {strides = array<i32>} : memref<2x32x1024xf32, #tpu.memory_space<vmem>>, vector<1x1x16xf32>,
        %get3A_646 = arith.constant 1 : i32
        %get3A_647 = arith.index_cast %get3A_646 : i32 to index
        %get3A_648 = arith.index_cast %scan3A_264 : i32 to index
        %get3A_649 = arith.constant 432 : index
        %get3A_650 = tpu.vector_load %arg8[%get3A_647, %get3A_648, %get3A_649] {strides = array<i32>} : memref<2x32x1024xf32, #tpu.memory_space<vmem>>, vector<1x1x16xf32>,
        %get3A_651 = vector.shape_cast %get3A_650 : vector<1x1x16xf32> to vector<16xf32>
        %div3A_652 = arith.divf %get3A_651, %get3A_269 : vector<16xf32>
        %swap3A_653 = arith.constant 1 : i32
        %swap3A_654 = arith.index_cast %swap3A_653 : i32 to index
        %swap3A_655 = arith.index_cast %scan3A_264 : i32 to index
        %swap3A_656 = arith.constant 432 : index
        %swap3A_657 = tpu.vector_load %arg8[%swap3A_654, %swap3A_655, %swap3A_656] {strides = array<i32>} : memref<2x32x1024xf32, #tpu.memory_space<vmem>>, vector<1x1x16xf32>,
        %swap3A_658 = vector.shape_cast %swap3A_657 : vector<1x1x16xf32> to vector<16xf32>
        %swap3A_659 = vector.shape_cast %div3A_652 : vector<16xf32> to vector<1x1x16xf32>
        tpu.vector_store %arg8[%swap3A_654, %swap3A_655, %swap3A_656], %swap3A_659 {strides = array<i32>} : memref<2x32x1024xf32, #tpu.memory_space<vmem>>, vector<1x1x16xf32>,
        %get3A_660 = arith.constant 1 : i32
        %get3A_661 = arith.index_cast %get3A_660 : i32 to index
        %get3A_662 = arith.index_cast %scan3A_264 : i32 to index
        %get3A_663 = arith.constant 448 : index
        %get3A_664 = tpu.vector_load %arg8[%get3A_661, %get3A_662, %get3A_663] {strides = array<i32>} : memref<2x32x1024xf32, #tpu.memory_space<vmem>>, vector<1x1x16xf32>,
        %get3A_665 = vector.shape_cast %get3A_664 : vector<1x1x16xf32> to vector<16xf32>
        %div3A_666 = arith.divf %get3A_665, %get3A_269 : vector<16xf32>
        %swap3A_667 = arith.constant 1 : i32
        %swap3A_668 = arith.index_cast %swap3A_667 : i32 to index
        %swap3A_669 = arith.index_cast %scan3A_264 : i32 to index
        %swap3A_670 = arith.constant 448 : index
        %swap3A_671 = tpu.vector_load %arg8[%swap3A_668, %swap3A_669, %swap3A_670] {strides = array<i32>} : memref<2x32x1024xf32, #tpu.memory_space<vmem>>, vector<1x1x16xf32>,
        %swap3A_672 = vector.shape_cast %swap3A_671 : vector<1x1x16xf32> to vector<16xf32>
        %swap3A_673 = vector.shape_cast %div3A_666 : vector<16xf32> to vector<1x1x16xf32>
        tpu.vector_store %arg8[%swap3A_668, %swap3A_669, %swap3A_670], %swap3A_673 {strides = array<i32>} : memref<2x32x1024xf32, #tpu.memory_space<vmem>>, vector<1x1x16xf32>,
        %get3A_674 = arith.constant 1 : i32
        %get3A_675 = arith.index_cast %get3A_674 : i32 to index
        %get3A_676 = arith.index_cast %scan3A_264 : i32 to index
        %get3A_677 = arith.constant 464 : index
        %get3A_678 = tpu.vector_load %arg8[%get3A_675, %get3A_676, %get3A_677] {strides = array<i32>} : memref<2x32x1024xf32, #tpu.memory_space<vmem>>, vector<1x1x16xf32>,
        %get3A_679 = vector.shape_cast %get3A_678 : vector<1x1x16xf32> to vector<16xf32>
        %div3A_680 = arith.divf %get3A_679, %get3A_269 : vector<16xf32>
        %swap3A_681 = arith.constant 1 : i32
        %swap3A_682 = arith.index_cast %swap3A_681 : i32 to index
        %swap3A_683 = arith.index_cast %scan3A_264 : i32 to index
        %swap3A_684 = arith.constant 464 : index
        %swap3A_685 = tpu.vector_load %arg8[%swap3A_682, %swap3A_683, %swap3A_684] {strides = array<i32>} : memref<2x32x1024xf32, #tpu.memory_space<vmem>>, vector<1x1x16xf32>,
        %swap3A_686 = vector.shape_cast %swap3A_685 : vector<1x1x16xf32> to vector<16xf32>
        %swap3A_687 = vector.shape_cast %div3A_680 : vector<16xf32> to vector<1x1x16xf32>
        tpu.vector_store %arg8[%swap3A_682, %swap3A_683, %swap3A_684], %swap3A_687 {strides = array<i32>} : memref<2x32x1024xf32, #tpu.memory_space<vmem>>, vector<1x1x16xf32>,
        %get3A_688 = arith.constant 1 : i32
        %get3A_689 = arith.index_cast %get3A_688 : i32 to index
        %get3A_690 = arith.index_cast %scan3A_264 : i32 to index
        %get3A_691 = arith.constant 480 : index
        %get3A_692 = tpu.vector_load %arg8[%get3A_689, %get3A_690, %get3A_691] {strides = array<i32>} : memref<2x32x1024xf32, #tpu.memory_space<vmem>>, vector<1x1x16xf32>,
        %get3A_693 = vector.shape_cast %get3A_692 : vector<1x1x16xf32> to vector<16xf32>
        %div3A_694 = arith.divf %get3A_693, %get3A_269 : vector<16xf32>
        %swap3A_695 = arith.constant 1 : i32
        %swap3A_696 = arith.index_cast %swap3A_695 : i32 to index
        %swap3A_697 = arith.index_cast %scan3A_264 : i32 to index
        %swap3A_698 = arith.constant 480 : index
        %swap3A_699 = tpu.vector_load %arg8[%swap3A_696, %swap3A_697, %swap3A_698] {strides = array<i32>} : memref<2x32x1024xf32, #tpu.memory_space<vmem>>, vector<1x1x16xf32>,
        %swap3A_700 = vector.shape_cast %swap3A_699 : vector<1x1x16xf32> to vector<16xf32>
        %swap3A_701 = vector.shape_cast %div3A_694 : vector<16xf32> to vector<1x1x16xf32>
        tpu.vector_store %arg8[%swap3A_696, %swap3A_697, %swap3A_698], %swap3A_701 {strides = array<i32>} : memref<2x32x1024xf32, #tpu.memory_space<vmem>>, vector<1x1x16xf32>,
        %get3A_702 = arith.constant 1 : i32
        %get3A_703 = arith.index_cast %get3A_702 : i32 to index
        %get3A_704 = arith.index_cast %scan3A_264 : i32 to index
        %get3A_705 = arith.constant 496 : index
        %get3A_706 = tpu.vector_load %arg8[%get3A_703, %get3A_704, %get3A_705] {strides = array<i32>} : memref<2x32x1024xf32, #tpu.memory_space<vmem>>, vector<1x1x16xf32>,
        %get3A_707 = vector.shape_cast %get3A_706 : vector<1x1x16xf32> to vector<16xf32>
        %div3A_708 = arith.divf %get3A_707, %get3A_269 : vector<16xf32>
        %swap3A_709 = arith.constant 1 : i32
        %swap3A_710 = arith.index_cast %swap3A_709 : i32 to index
        %swap3A_711 = arith.index_cast %scan3A_264 : i32 to index
        %swap3A_712 = arith.constant 496 : index
        %swap3A_713 = tpu.vector_load %arg8[%swap3A_710, %swap3A_711, %swap3A_712] {strides = array<i32>} : memref<2x32x1024xf32, #tpu.memory_space<vmem>>, vector<1x1x16xf32>,
        %swap3A_714 = vector.shape_cast %swap3A_713 : vector<1x1x16xf32> to vector<16xf32>
        %swap3A_715 = vector.shape_cast %div3A_708 : vector<16xf32> to vector<1x1x16xf32>
        tpu.vector_store %arg8[%swap3A_710, %swap3A_711, %swap3A_712], %swap3A_715 {strides = array<i32>} : memref<2x32x1024xf32, #tpu.memory_space<vmem>>, vector<1x1x16xf32>,
        %get3A_716 = arith.constant 1 : i32
        %get3A_717 = arith.index_cast %get3A_716 : i32 to index
        %get3A_718 = arith.index_cast %scan3A_264 : i32 to index
        %get3A_719 = arith.constant 512 : index
        %get3A_720 = tpu.vector_load %arg8[%get3A_717, %get3A_718, %get3A_719] {strides = array<i32>} : memref<2x32x1024xf32, #tpu.memory_space<vmem>>, vector<1x1x16xf32>,
        %get3A_721 = vector.shape_cast %get3A_720 : vector<1x1x16xf32> to vector<16xf32>
        %div3A_722 = arith.divf %get3A_721, %get3A_269 : vector<16xf32>
        %swap3A_723 = arith.constant 1 : i32
        %swap3A_724 = arith.index_cast %swap3A_723 : i32 to index
        %swap3A_725 = arith.index_cast %scan3A_264 : i32 to index
        %swap3A_726 = arith.constant 512 : index
        %swap3A_727 = tpu.vector_load %arg8[%swap3A_724, %swap3A_725, %swap3A_726] {strides = array<i32>} : memref<2x32x1024xf32, #tpu.memory_space<vmem>>, vector<1x1x16xf32>,
        %swap3A_728 = vector.shape_cast %swap3A_727 : vector<1x1x16xf32> to vector<16xf32>
        %swap3A_729 = vector.shape_cast %div3A_722 : vector<16xf32> to vector<1x1x16xf32>
        tpu.vector_store %arg8[%swap3A_724, %swap3A_725, %swap3A_726], %swap3A_729 {strides = array<i32>} : memref<2x32x1024xf32, #tpu.memory_space<vmem>>, vector<1x1x16xf32>,
        %get3A_730 = arith.constant 1 : i32
        %get3A_731 = arith.index_cast %get3A_730 : i32 to index
        %get3A_732 = arith.index_cast %scan3A_264 : i32 to index
        %get3A_733 = arith.constant 528 : index
        %get3A_734 = tpu.vector_load %arg8[%get3A_731, %get3A_732, %get3A_733] {strides = array<i32>} : memref<2x32x1024xf32, #tpu.memory_space<vmem>>, vector<1x1x16xf32>,
        %get3A_735 = vector.shape_cast %get3A_734 : vector<1x1x16xf32> to vector<16xf32>
        %div3A_736 = arith.divf %get3A_735, %get3A_269 : vector<16xf32>
        %swap3A_737 = arith.constant 1 : i32
        %swap3A_738 = arith.index_cast %swap3A_737 : i32 to index
        %swap3A_739 = arith.index_cast %scan3A_264 : i32 to index
        %swap3A_740 = arith.constant 528 : index
        %swap3A_741 = tpu.vector_load %arg8[%swap3A_738, %swap3A_739, %swap3A_740] {strides = array<i32>} : memref<2x32x1024xf32, #tpu.memory_space<vmem>>, vector<1x1x16xf32>,
        %swap3A_742 = vector.shape_cast %swap3A_741 : vector<1x1x16xf32> to vector<16xf32>
        %swap3A_743 = vector.shape_cast %div3A_736 : vector<16xf32> to vector<1x1x16xf32>
        tpu.vector_store %arg8[%swap3A_738, %swap3A_739, %swap3A_740], %swap3A_743 {strides = array<i32>} : memref<2x32x1024xf32, #tpu.memory_space<vmem>>, vector<1x1x16xf32>,
        %get3A_744 = arith.constant 1 : i32
        %get3A_745 = arith.index_cast %get3A_744 : i32 to index
        %get3A_746 = arith.index_cast %scan3A_264 : i32 to index
        %get3A_747 = arith.constant 544 : index
        %get3A_748 = tpu.vector_load %arg8[%get3A_745, %get3A_746, %get3A_747] {strides = array<i32>} : memref<2x32x1024xf32, #tpu.memory_space<vmem>>, vector<1x1x16xf32>,
        %get3A_749 = vector.shape_cast %get3A_748 : vector<1x1x16xf32> to vector<16xf32>
        %div3A_750 = arith.divf %get3A_749, %get3A_269 : vector<16xf32>
        %swap3A_751 = arith.constant 1 : i32
        %swap3A_752 = arith.index_cast %swap3A_751 : i32 to index
        %swap3A_753 = arith.index_cast %scan3A_264 : i32 to index
        %swap3A_754 = arith.constant 544 : index
        %swap3A_755 = tpu.vector_load %arg8[%swap3A_752, %swap3A_753, %swap3A_754] {strides = array<i32>} : memref<2x32x1024xf32, #tpu.memory_space<vmem>>, vector<1x1x16xf32>,
        %swap3A_756 = vector.shape_cast %swap3A_755 : vector<1x1x16xf32> to vector<16xf32>
        %swap3A_757 = vector.shape_cast %div3A_750 : vector<16xf32> to vector<1x1x16xf32>
        tpu.vector_store %arg8[%swap3A_752, %swap3A_753, %swap3A_754], %swap3A_757 {strides = array<i32>} : memref<2x32x1024xf32, #tpu.memory_space<vmem>>, vector<1x1x16xf32>,
        %get3A_758 = arith.constant 1 : i32
        %get3A_759 = arith.index_cast %get3A_758 : i32 to index
        %get3A_760 = arith.index_cast %scan3A_264 : i32 to index
        %get3A_761 = arith.constant 560 : index
        %get3A_762 = tpu.vector_load %arg8[%get3A_759, %get3A_760, %get3A_761] {strides = array<i32>} : memref<2x32x1024xf32, #tpu.memory_space<vmem>>, vector<1x1x16xf32>,
        %get3A_763 = vector.shape_cast %get3A_762 : vector<1x1x16xf32> to vector<16xf32>
        %div3A_764 = arith.divf %get3A_763, %get3A_269 : vector<16xf32>
        %swap3A_765 = arith.constant 1 : i32
        %swap3A_766 = arith.index_cast %swap3A_765 : i32 to index
        %swap3A_767 = arith.index_cast %scan3A_264 : i32 to index
        %swap3A_768 = arith.constant 560 : index
        %swap3A_769 = tpu.vector_load %arg8[%swap3A_766, %swap3A_767, %swap3A_768] {strides = array<i32>} : memref<2x32x1024xf32, #tpu.memory_space<vmem>>, vector<1x1x16xf32>,
        %swap3A_770 = vector.shape_cast %swap3A_769 : vector<1x1x16xf32> to vector<16xf32>
        %swap3A_771 = vector.shape_cast %div3A_764 : vector<16xf32> to vector<1x1x16xf32>
        tpu.vector_store %arg8[%swap3A_766, %swap3A_767, %swap3A_768], %swap3A_771 {strides = array<i32>} : memref<2x32x1024xf32, #tpu.memory_space<vmem>>, vector<1x1x16xf32>,
        %get3A_772 = arith.constant 1 : i32
        %get3A_773 = arith.index_cast %get3A_772 : i32 to index
        %get3A_774 = arith.index_cast %scan3A_264 : i32 to index
        %get3A_775 = arith.constant 576 : index
        %get3A_776 = tpu.vector_load %arg8[%get3A_773, %get3A_774, %get3A_775] {strides = array<i32>} : memref<2x32x1024xf32, #tpu.memory_space<vmem>>, vector<1x1x16xf32>,
        %get3A_777 = vector.shape_cast %get3A_776 : vector<1x1x16xf32> to vector<16xf32>
        %div3A_778 = arith.divf %get3A_777, %get3A_269 : vector<16xf32>
        %swap3A_779 = arith.constant 1 : i32
        %swap3A_780 = arith.index_cast %swap3A_779 : i32 to index
        %swap3A_781 = arith.index_cast %scan3A_264 : i32 to index
        %swap3A_782 = arith.constant 576 : index
        %swap3A_783 = tpu.vector_load %arg8[%swap3A_780, %swap3A_781, %swap3A_782] {strides = array<i32>} : memref<2x32x1024xf32, #tpu.memory_space<vmem>>, vector<1x1x16xf32>,
        %swap3A_784 = vector.shape_cast %swap3A_783 : vector<1x1x16xf32> to vector<16xf32>
        %swap3A_785 = vector.shape_cast %div3A_778 : vector<16xf32> to vector<1x1x16xf32>
        tpu.vector_store %arg8[%swap3A_780, %swap3A_781, %swap3A_782], %swap3A_785 {strides = array<i32>} : memref<2x32x1024xf32, #tpu.memory_space<vmem>>, vector<1x1x16xf32>,
        %get3A_786 = arith.constant 1 : i32
        %get3A_787 = arith.index_cast %get3A_786 : i32 to index
        %get3A_788 = arith.index_cast %scan3A_264 : i32 to index
        %get3A_789 = arith.constant 592 : index
        %get3A_790 = tpu.vector_load %arg8[%get3A_787, %get3A_788, %get3A_789] {strides = array<i32>} : memref<2x32x1024xf32, #tpu.memory_space<vmem>>, vector<1x1x16xf32>,
        %get3A_791 = vector.shape_cast %get3A_790 : vector<1x1x16xf32> to vector<16xf32>
        %div3A_792 = arith.divf %get3A_791, %get3A_269 : vector<16xf32>
        %swap3A_793 = arith.constant 1 : i32
        %swap3A_794 = arith.index_cast %swap3A_793 : i32 to index
        %swap3A_795 = arith.index_cast %scan3A_264 : i32 to index
        %swap3A_796 = arith.constant 592 : index
        %swap3A_797 = tpu.vector_load %arg8[%swap3A_794, %swap3A_795, %swap3A_796] {strides = array<i32>} : memref<2x32x1024xf32, #tpu.memory_space<vmem>>, vector<1x1x16xf32>,
        %swap3A_798 = vector.shape_cast %swap3A_797 : vector<1x1x16xf32> to vector<16xf32>
        %swap3A_799 = vector.shape_cast %div3A_792 : vector<16xf32> to vector<1x1x16xf32>
        tpu.vector_store %arg8[%swap3A_794, %swap3A_795, %swap3A_796], %swap3A_799 {strides = array<i32>} : memref<2x32x1024xf32, #tpu.memory_space<vmem>>, vector<1x1x16xf32>,
        %get3A_800 = arith.constant 1 : i32
        %get3A_801 = arith.index_cast %get3A_800 : i32 to index
        %get3A_802 = arith.index_cast %scan3A_264 : i32 to index
        %get3A_803 = arith.constant 608 : index
        %get3A_804 = tpu.vector_load %arg8[%get3A_801, %get3A_802, %get3A_803] {strides = array<i32>} : memref<2x32x1024xf32, #tpu.memory_space<vmem>>, vector<1x1x16xf32>,
        %get3A_805 = vector.shape_cast %get3A_804 : vector<1x1x16xf32> to vector<16xf32>
        %div3A_806 = arith.divf %get3A_805, %get3A_269 : vector<16xf32>
        %swap3A_807 = arith.constant 1 : i32
        %swap3A_808 = arith.index_cast %swap3A_807 : i32 to index
        %swap3A_809 = arith.index_cast %scan3A_264 : i32 to index
        %swap3A_810 = arith.constant 608 : index
        %swap3A_811 = tpu.vector_load %arg8[%swap3A_808, %swap3A_809, %swap3A_810] {strides = array<i32>} : memref<2x32x1024xf32, #tpu.memory_space<vmem>>, vector<1x1x16xf32>,
        %swap3A_812 = vector.shape_cast %swap3A_811 : vector<1x1x16xf32> to vector<16xf32>
        %swap3A_813 = vector.shape_cast %div3A_806 : vector<16xf32> to vector<1x1x16xf32>
        tpu.vector_store %arg8[%swap3A_808, %swap3A_809, %swap3A_810], %swap3A_813 {strides = array<i32>} : memref<2x32x1024xf32, #tpu.memory_space<vmem>>, vector<1x1x16xf32>,
        %get3A_814 = arith.constant 1 : i32
        %get3A_815 = arith.index_cast %get3A_814 : i32 to index
        %get3A_816 = arith.index_cast %scan3A_264 : i32 to index
        %get3A_817 = arith.constant 624 : index
        %get3A_818 = tpu.vector_load %arg8[%get3A_815, %get3A_816, %get3A_817] {strides = array<i32>} : memref<2x32x1024xf32, #tpu.memory_space<vmem>>, vector<1x1x16xf32>,
        %get3A_819 = vector.shape_cast %get3A_818 : vector<1x1x16xf32> to vector<16xf32>
        %div3A_820 = arith.divf %get3A_819, %get3A_269 : vector<16xf32>
        %swap3A_821 = arith.constant 1 : i32
        %swap3A_822 = arith.index_cast %swap3A_821 : i32 to index
        %swap3A_823 = arith.index_cast %scan3A_264 : i32 to index
        %swap3A_824 = arith.constant 624 : index
        %swap3A_825 = tpu.vector_load %arg8[%swap3A_822, %swap3A_823, %swap3A_824] {strides = array<i32>} : memref<2x32x1024xf32, #tpu.memory_space<vmem>>, vector<1x1x16xf32>,
        %swap3A_826 = vector.shape_cast %swap3A_825 : vector<1x1x16xf32> to vector<16xf32>
        %swap3A_827 = vector.shape_cast %div3A_820 : vector<16xf32> to vector<1x1x16xf32>
        tpu.vector_store %arg8[%swap3A_822, %swap3A_823, %swap3A_824], %swap3A_827 {strides = array<i32>} : memref<2x32x1024xf32, #tpu.memory_space<vmem>>, vector<1x1x16xf32>,
        %get3A_828 = arith.constant 1 : i32
        %get3A_829 = arith.index_cast %get3A_828 : i32 to index
        %get3A_830 = arith.index_cast %scan3A_264 : i32 to index
        %get3A_831 = arith.constant 640 : index
        %get3A_832 = tpu.vector_load %arg8[%get3A_829, %get3A_830, %get3A_831] {strides = array<i32>} : memref<2x32x1024xf32, #tpu.memory_space<vmem>>, vector<1x1x16xf32>,
        %get3A_833 = vector.shape_cast %get3A_832 : vector<1x1x16xf32> to vector<16xf32>
        %div3A_834 = arith.divf %get3A_833, %get3A_269 : vector<16xf32>
        %swap3A_835 = arith.constant 1 : i32
        %swap3A_836 = arith.index_cast %swap3A_835 : i32 to index
        %swap3A_837 = arith.index_cast %scan3A_264 : i32 to index
        %swap3A_838 = arith.constant 640 : index
        %swap3A_839 = tpu.vector_load %arg8[%swap3A_836, %swap3A_837, %swap3A_838] {strides = array<i32>} : memref<2x32x1024xf32, #tpu.memory_space<vmem>>, vector<1x1x16xf32>,
        %swap3A_840 = vector.shape_cast %swap3A_839 : vector<1x1x16xf32> to vector<16xf32>
        %swap3A_841 = vector.shape_cast %div3A_834 : vector<16xf32> to vector<1x1x16xf32>
        tpu.vector_store %arg8[%swap3A_836, %swap3A_837, %swap3A_838], %swap3A_841 {strides = array<i32>} : memref<2x32x1024xf32, #tpu.memory_space<vmem>>, vector<1x1x16xf32>,
        %get3A_842 = arith.constant 1 : i32
        %get3A_843 = arith.index_cast %get3A_842 : i32 to index
        %get3A_844 = arith.index_cast %scan3A_264 : i32 to index
        %get3A_845 = arith.constant 656 : index
        %get3A_846 = tpu.vector_load %arg8[%get3A_843, %get3A_844, %get3A_845] {strides = array<i32>} : memref<2x32x1024xf32, #tpu.memory_space<vmem>>, vector<1x1x16xf32>,
        %get3A_847 = vector.shape_cast %get3A_846 : vector<1x1x16xf32> to vector<16xf32>
        %div3A_848 = arith.divf %get3A_847, %get3A_269 : vector<16xf32>
        %swap3A_849 = arith.constant 1 : i32
        %swap3A_850 = arith.index_cast %swap3A_849 : i32 to index
        %swap3A_851 = arith.index_cast %scan3A_264 : i32 to index
        %swap3A_852 = arith.constant 656 : index
        %swap3A_853 = tpu.vector_load %arg8[%swap3A_850, %swap3A_851, %swap3A_852] {strides = array<i32>} : memref<2x32x1024xf32, #tpu.memory_space<vmem>>, vector<1x1x16xf32>,
        %swap3A_854 = vector.shape_cast %swap3A_853 : vector<1x1x16xf32> to vector<16xf32>
        %swap3A_855 = vector.shape_cast %div3A_848 : vector<16xf32> to vector<1x1x16xf32>
        tpu.vector_store %arg8[%swap3A_850, %swap3A_851, %swap3A_852], %swap3A_855 {strides = array<i32>} : memref<2x32x1024xf32, #tpu.memory_space<vmem>>, vector<1x1x16xf32>,
        %get3A_856 = arith.constant 1 : i32
        %get3A_857 = arith.index_cast %get3A_856 : i32 to index
        %get3A_858 = arith.index_cast %scan3A_264 : i32 to index
        %get3A_859 = arith.constant 672 : index
        %get3A_860 = tpu.vector_load %arg8[%get3A_857, %get3A_858, %get3A_859] {strides = array<i32>} : memref<2x32x1024xf32, #tpu.memory_space<vmem>>, vector<1x1x16xf32>,
        %get3A_861 = vector.shape_cast %get3A_860 : vector<1x1x16xf32> to vector<16xf32>
        %div3A_862 = arith.divf %get3A_861, %get3A_269 : vector<16xf32>
        %swap3A_863 = arith.constant 1 : i32
        %swap3A_864 = arith.index_cast %swap3A_863 : i32 to index
        %swap3A_865 = arith.index_cast %scan3A_264 : i32 to index
        %swap3A_866 = arith.constant 672 : index
        %swap3A_867 = tpu.vector_load %arg8[%swap3A_864, %swap3A_865, %swap3A_866] {strides = array<i32>} : memref<2x32x1024xf32, #tpu.memory_space<vmem>>, vector<1x1x16xf32>,
        %swap3A_868 = vector.shape_cast %swap3A_867 : vector<1x1x16xf32> to vector<16xf32>
        %swap3A_869 = vector.shape_cast %div3A_862 : vector<16xf32> to vector<1x1x16xf32>
        tpu.vector_store %arg8[%swap3A_864, %swap3A_865, %swap3A_866], %swap3A_869 {strides = array<i32>} : memref<2x32x1024xf32, #tpu.memory_space<vmem>>, vector<1x1x16xf32>,
        %get3A_870 = arith.constant 1 : i32
        %get3A_871 = arith.index_cast %get3A_870 : i32 to index
        %get3A_872 = arith.index_cast %scan3A_264 : i32 to index
        %get3A_873 = arith.constant 688 : index
        %get3A_874 = tpu.vector_load %arg8[%get3A_871, %get3A_872, %get3A_873] {strides = array<i32>} : memref<2x32x1024xf32, #tpu.memory_space<vmem>>, vector<1x1x16xf32>,
        %get3A_875 = vector.shape_cast %get3A_874 : vector<1x1x16xf32> to vector<16xf32>
        %div3A_876 = arith.divf %get3A_875, %get3A_269 : vector<16xf32>
        %swap3A_877 = arith.constant 1 : i32
        %swap3A_878 = arith.index_cast %swap3A_877 : i32 to index
        %swap3A_879 = arith.index_cast %scan3A_264 : i32 to index
        %swap3A_880 = arith.constant 688 : index
        %swap3A_881 = tpu.vector_load %arg8[%swap3A_878, %swap3A_879, %swap3A_880] {strides = array<i32>} : memref<2x32x1024xf32, #tpu.memory_space<vmem>>, vector<1x1x16xf32>,
        %swap3A_882 = vector.shape_cast %swap3A_881 : vector<1x1x16xf32> to vector<16xf32>
        %swap3A_883 = vector.shape_cast %div3A_876 : vector<16xf32> to vector<1x1x16xf32>
        tpu.vector_store %arg8[%swap3A_878, %swap3A_879, %swap3A_880], %swap3A_883 {strides = array<i32>} : memref<2x32x1024xf32, #tpu.memory_space<vmem>>, vector<1x1x16xf32>,
        %get3A_884 = arith.constant 1 : i32
        %get3A_885 = arith.index_cast %get3A_884 : i32 to index
        %get3A_886 = arith.index_cast %scan3A_264 : i32 to index
        %get3A_887 = arith.constant 704 : index
        %get3A_888 = tpu.vector_load %arg8[%get3A_885, %get3A_886, %get3A_887] {strides = array<i32>} : memref<2x32x1024xf32, #tpu.memory_space<vmem>>, vector<1x1x16xf32>,
        %get3A_889 = vector.shape_cast %get3A_888 : vector<1x1x16xf32> to vector<16xf32>
        %div3A_890 = arith.divf %get3A_889, %get3A_269 : vector<16xf32>
        %swap3A_891 = arith.constant 1 : i32
        %swap3A_892 = arith.index_cast %swap3A_891 : i32 to index
        %swap3A_893 = arith.index_cast %scan3A_264 : i32 to index
        %swap3A_894 = arith.constant 704 : index
        %swap3A_895 = tpu.vector_load %arg8[%swap3A_892, %swap3A_893, %swap3A_894] {strides = array<i32>} : memref<2x32x1024xf32, #tpu.memory_space<vmem>>, vector<1x1x16xf32>,
        %swap3A_896 = vector.shape_cast %swap3A_895 : vector<1x1x16xf32> to vector<16xf32>
        %swap3A_897 = vector.shape_cast %div3A_890 : vector<16xf32> to vector<1x1x16xf32>
        tpu.vector_store %arg8[%swap3A_892, %swap3A_893, %swap3A_894], %swap3A_897 {strides = array<i32>} : memref<2x32x1024xf32, #tpu.memory_space<vmem>>, vector<1x1x16xf32>,
        %get3A_898 = arith.constant 1 : i32
        %get3A_899 = arith.index_cast %get3A_898 : i32 to index
        %get3A_900 = arith.index_cast %scan3A_264 : i32 to index
        %get3A_901 = arith.constant 720 : index
        %get3A_902 = tpu.vector_load %arg8[%get3A_899, %get3A_900, %get3A_901] {strides = array<i32>} : memref<2x32x1024xf32, #tpu.memory_space<vmem>>, vector<1x1x16xf32>,
        %get3A_903 = vector.shape_cast %get3A_902 : vector<1x1x16xf32> to vector<16xf32>
        %div3A_904 = arith.divf %get3A_903, %get3A_269 : vector<16xf32>
        %swap3A_905 = arith.constant 1 : i32
        %swap3A_906 = arith.index_cast %swap3A_905 : i32 to index
        %swap3A_907 = arith.index_cast %scan3A_264 : i32 to index
        %swap3A_908 = arith.constant 720 : index
        %swap3A_909 = tpu.vector_load %arg8[%swap3A_906, %swap3A_907, %swap3A_908] {strides = array<i32>} : memref<2x32x1024xf32, #tpu.memory_space<vmem>>, vector<1x1x16xf32>,
        %swap3A_910 = vector.shape_cast %swap3A_909 : vector<1x1x16xf32> to vector<16xf32>
        %swap3A_911 = vector.shape_cast %div3A_904 : vector<16xf32> to vector<1x1x16xf32>
        tpu.vector_store %arg8[%swap3A_906, %swap3A_907, %swap3A_908], %swap3A_911 {strides = array<i32>} : memref<2x32x1024xf32, #tpu.memory_space<vmem>>, vector<1x1x16xf32>,
        %get3A_912 = arith.constant 1 : i32
        %get3A_913 = arith.index_cast %get3A_912 : i32 to index
        %get3A_914 = arith.index_cast %scan3A_264 : i32 to index
        %get3A_915 = arith.constant 736 : index
        %get3A_916 = tpu.vector_load %arg8[%get3A_913, %get3A_914, %get3A_915] {strides = array<i32>} : memref<2x32x1024xf32, #tpu.memory_space<vmem>>, vector<1x1x16xf32>,
        %get3A_917 = vector.shape_cast %get3A_916 : vector<1x1x16xf32> to vector<16xf32>
        %div3A_918 = arith.divf %get3A_917, %get3A_269 : vector<16xf32>
        %swap3A_919 = arith.constant 1 : i32
        %swap3A_920 = arith.index_cast %swap3A_919 : i32 to index
        %swap3A_921 = arith.index_cast %scan3A_264 : i32 to index
        %swap3A_922 = arith.constant 736 : index
        %swap3A_923 = tpu.vector_load %arg8[%swap3A_920, %swap3A_921, %swap3A_922] {strides = array<i32>} : memref<2x32x1024xf32, #tpu.memory_space<vmem>>, vector<1x1x16xf32>,
        %swap3A_924 = vector.shape_cast %swap3A_923 : vector<1x1x16xf32> to vector<16xf32>
        %swap3A_925 = vector.shape_cast %div3A_918 : vector<16xf32> to vector<1x1x16xf32>
        tpu.vector_store %arg8[%swap3A_920, %swap3A_921, %swap3A_922], %swap3A_925 {strides = array<i32>} : memref<2x32x1024xf32, #tpu.memory_space<vmem>>, vector<1x1x16xf32>,
        %get3A_926 = arith.constant 1 : i32
        %get3A_927 = arith.index_cast %get3A_926 : i32 to index
        %get3A_928 = arith.index_cast %scan3A_264 : i32 to index
        %get3A_929 = arith.constant 752 : index
        %get3A_930 = tpu.vector_load %arg8[%get3A_927, %get3A_928, %get3A_929] {strides = array<i32>} : memref<2x32x1024xf32, #tpu.memory_space<vmem>>, vector<1x1x16xf32>,
        %get3A_931 = vector.shape_cast %get3A_930 : vector<1x1x16xf32> to vector<16xf32>
        %div3A_932 = arith.divf %get3A_931, %get3A_269 : vector<16xf32>
        %swap3A_933 = arith.constant 1 : i32
        %swap3A_934 = arith.index_cast %swap3A_933 : i32 to index
        %swap3A_935 = arith.index_cast %scan3A_264 : i32 to index
        %swap3A_936 = arith.constant 752 : index
        %swap3A_937 = tpu.vector_load %arg8[%swap3A_934, %swap3A_935, %swap3A_936] {strides = array<i32>} : memref<2x32x1024xf32, #tpu.memory_space<vmem>>, vector<1x1x16xf32>,
        %swap3A_938 = vector.shape_cast %swap3A_937 : vector<1x1x16xf32> to vector<16xf32>
        %swap3A_939 = vector.shape_cast %div3A_932 : vector<16xf32> to vector<1x1x16xf32>
        tpu.vector_store %arg8[%swap3A_934, %swap3A_935, %swap3A_936], %swap3A_939 {strides = array<i32>} : memref<2x32x1024xf32, #tpu.memory_space<vmem>>, vector<1x1x16xf32>,
        %get3A_940 = arith.constant 1 : i32
        %get3A_941 = arith.index_cast %get3A_940 : i32 to index
        %get3A_942 = arith.index_cast %scan3A_264 : i32 to index
        %get3A_943 = arith.constant 768 : index
        %get3A_944 = tpu.vector_load %arg8[%get3A_941, %get3A_942, %get3A_943] {strides = array<i32>} : memref<2x32x1024xf32, #tpu.memory_space<vmem>>, vector<1x1x16xf32>,
        %get3A_945 = vector.shape_cast %get3A_944 : vector<1x1x16xf32> to vector<16xf32>
        %div3A_946 = arith.divf %get3A_945, %get3A_269 : vector<16xf32>
        %swap3A_947 = arith.constant 1 : i32
        %swap3A_948 = arith.index_cast %swap3A_947 : i32 to index
        %swap3A_949 = arith.index_cast %scan3A_264 : i32 to index
        %swap3A_950 = arith.constant 768 : index
        %swap3A_951 = tpu.vector_load %arg8[%swap3A_948, %swap3A_949, %swap3A_950] {strides = array<i32>} : memref<2x32x1024xf32, #tpu.memory_space<vmem>>, vector<1x1x16xf32>,
        %swap3A_952 = vector.shape_cast %swap3A_951 : vector<1x1x16xf32> to vector<16xf32>
        %swap3A_953 = vector.shape_cast %div3A_946 : vector<16xf32> to vector<1x1x16xf32>
        tpu.vector_store %arg8[%swap3A_948, %swap3A_949, %swap3A_950], %swap3A_953 {strides = array<i32>} : memref<2x32x1024xf32, #tpu.memory_space<vmem>>, vector<1x1x16xf32>,
        %get3A_954 = arith.constant 1 : i32
        %get3A_955 = arith.index_cast %get3A_954 : i32 to index
        %get3A_956 = arith.index_cast %scan3A_264 : i32 to index
        %get3A_957 = arith.constant 784 : index
        %get3A_958 = tpu.vector_load %arg8[%get3A_955, %get3A_956, %get3A_957] {strides = array<i32>} : memref<2x32x1024xf32, #tpu.memory_space<vmem>>, vector<1x1x16xf32>,
        %get3A_959 = vector.shape_cast %get3A_958 : vector<1x1x16xf32> to vector<16xf32>
        %div3A_960 = arith.divf %get3A_959, %get3A_269 : vector<16xf32>
        %swap3A_961 = arith.constant 1 : i32
        %swap3A_962 = arith.index_cast %swap3A_961 : i32 to index
        %swap3A_963 = arith.index_cast %scan3A_264 : i32 to index
        %swap3A_964 = arith.constant 784 : index
        %swap3A_965 = tpu.vector_load %arg8[%swap3A_962, %swap3A_963, %swap3A_964] {strides = array<i32>} : memref<2x32x1024xf32, #tpu.memory_space<vmem>>, vector<1x1x16xf32>,
        %swap3A_966 = vector.shape_cast %swap3A_965 : vector<1x1x16xf32> to vector<16xf32>
        %swap3A_967 = vector.shape_cast %div3A_960 : vector<16xf32> to vector<1x1x16xf32>
        tpu.vector_store %arg8[%swap3A_962, %swap3A_963, %swap3A_964], %swap3A_967 {strides = array<i32>} : memref<2x32x1024xf32, #tpu.memory_space<vmem>>, vector<1x1x16xf32>,
        %get3A_968 = arith.constant 1 : i32
        %get3A_969 = arith.index_cast %get3A_968 : i32 to index
        %get3A_970 = arith.index_cast %scan3A_264 : i32 to index
        %get3A_971 = arith.constant 800 : index
        %get3A_972 = tpu.vector_load %arg8[%get3A_969, %get3A_970, %get3A_971] {strides = array<i32>} : memref<2x32x1024xf32, #tpu.memory_space<vmem>>, vector<1x1x16xf32>,
        %get3A_973 = vector.shape_cast %get3A_972 : vector<1x1x16xf32> to vector<16xf32>
        %div3A_974 = arith.divf %get3A_973, %get3A_269 : vector<16xf32>
        %swap3A_975 = arith.constant 1 : i32
        %swap3A_976 = arith.index_cast %swap3A_975 : i32 to index
        %swap3A_977 = arith.index_cast %scan3A_264 : i32 to index
        %swap3A_978 = arith.constant 800 : index
        %swap3A_979 = tpu.vector_load %arg8[%swap3A_976, %swap3A_977, %swap3A_978] {strides = array<i32>} : memref<2x32x1024xf32, #tpu.memory_space<vmem>>, vector<1x1x16xf32>,
        %swap3A_980 = vector.shape_cast %swap3A_979 : vector<1x1x16xf32> to vector<16xf32>
        %swap3A_981 = vector.shape_cast %div3A_974 : vector<16xf32> to vector<1x1x16xf32>
        tpu.vector_store %arg8[%swap3A_976, %swap3A_977, %swap3A_978], %swap3A_981 {strides = array<i32>} : memref<2x32x1024xf32, #tpu.memory_space<vmem>>, vector<1x1x16xf32>,
        %get3A_982 = arith.constant 1 : i32
        %get3A_983 = arith.index_cast %get3A_982 : i32 to index
        %get3A_984 = arith.index_cast %scan3A_264 : i32 to index
        %get3A_985 = arith.constant 816 : index
        %get3A_986 = tpu.vector_load %arg8[%get3A_983, %get3A_984, %get3A_985] {strides = array<i32>} : memref<2x32x1024xf32, #tpu.memory_space<vmem>>, vector<1x1x16xf32>,
        %get3A_987 = vector.shape_cast %get3A_986 : vector<1x1x16xf32> to vector<16xf32>
        %div3A_988 = arith.divf %get3A_987, %get3A_269 : vector<16xf32>
        %swap3A_989 = arith.constant 1 : i32
        %swap3A_990 = arith.index_cast %swap3A_989 : i32 to index
        %swap3A_991 = arith.index_cast %scan3A_264 : i32 to index
        %swap3A_992 = arith.constant 816 : index
        %swap3A_993 = tpu.vector_load %arg8[%swap3A_990, %swap3A_991, %swap3A_992] {strides = array<i32>} : memref<2x32x1024xf32, #tpu.memory_space<vmem>>, vector<1x1x16xf32>,
        %swap3A_994 = vector.shape_cast %swap3A_993 : vector<1x1x16xf32> to vector<16xf32>
        %swap3A_995 = vector.shape_cast %div3A_988 : vector<16xf32> to vector<1x1x16xf32>
        tpu.vector_store %arg8[%swap3A_990, %swap3A_991, %swap3A_992], %swap3A_995 {strides = array<i32>} : memref<2x32x1024xf32, #tpu.memory_space<vmem>>, vector<1x1x16xf32>,
        %get3A_996 = arith.constant 1 : i32
        %get3A_997 = arith.index_cast %get3A_996 : i32 to index
        %get3A_998 = arith.index_cast %scan3A_264 : i32 to index
        %get3A_999 = arith.constant 832 : index
        %get3A_1000 = tpu.vector_load %arg8[%get3A_997, %get3A_998, %get3A_999] {strides = array<i32>} : memref<2x32x1024xf32, #tpu.memory_space<vmem>>, vector<1x1x16xf32>,
        %get3A_1001 = vector.shape_cast %get3A_1000 : vector<1x1x16xf32> to vector<16xf32>
        %div3A_1002 = arith.divf %get3A_1001, %get3A_269 : vector<16xf32>
        %swap3A_1003 = arith.constant 1 : i32
        %swap3A_1004 = arith.index_cast %swap3A_1003 : i32 to index
        %swap3A_1005 = arith.index_cast %scan3A_264 : i32 to index
        %swap3A_1006 = arith.constant 832 : index
        %swap3A_1007 = tpu.vector_load %arg8[%swap3A_1004, %swap3A_1005, %swap3A_1006] {strides = array<i32>} : memref<2x32x1024xf32, #tpu.memory_space<vmem>>, vector<1x1x16xf32>,
        %swap3A_1008 = vector.shape_cast %swap3A_1007 : vector<1x1x16xf32> to vector<16xf32>
        %swap3A_1009 = vector.shape_cast %div3A_1002 : vector<16xf32> to vector<1x1x16xf32>
        tpu.vector_store %arg8[%swap3A_1004, %swap3A_1005, %swap3A_1006], %swap3A_1009 {strides = array<i32>} : memref<2x32x1024xf32, #tpu.memory_space<vmem>>, vector<1x1x16xf32>,
        %get3A_1010 = arith.constant 1 : i32
        %get3A_1011 = arith.index_cast %get3A_1010 : i32 to index
        %get3A_1012 = arith.index_cast %scan3A_264 : i32 to index
        %get3A_1013 = arith.constant 848 : index
        %get3A_1014 = tpu.vector_load %arg8[%get3A_1011, %get3A_1012, %get3A_1013] {strides = array<i32>} : memref<2x32x1024xf32, #tpu.memory_space<vmem>>, vector<1x1x16xf32>,
        %get3A_1015 = vector.shape_cast %get3A_1014 : vector<1x1x16xf32> to vector<16xf32>
        %div3A_1016 = arith.divf %get3A_1015, %get3A_269 : vector<16xf32>
        %swap3A_1017 = arith.constant 1 : i32
        %swap3A_1018 = arith.index_cast %swap3A_1017 : i32 to index
        %swap3A_1019 = arith.index_cast %scan3A_264 : i32 to index
        %swap3A_1020 = arith.constant 848 : index
        %swap3A_1021 = tpu.vector_load %arg8[%swap3A_1018, %swap3A_1019, %swap3A_1020] {strides = array<i32>} : memref<2x32x1024xf32, #tpu.memory_space<vmem>>, vector<1x1x16xf32>,
        %swap3A_1022 = vector.shape_cast %swap3A_1021 : vector<1x1x16xf32> to vector<16xf32>
        %swap3A_1023 = vector.shape_cast %div3A_1016 : vector<16xf32> to vector<1x1x16xf32>
        tpu.vector_store %arg8[%swap3A_1018, %swap3A_1019, %swap3A_1020], %swap3A_1023 {strides = array<i32>} : memref<2x32x1024xf32, #tpu.memory_space<vmem>>, vector<1x1x16xf32>,
        %get3A_1024 = arith.constant 1 : i32
        %get3A_1025 = arith.index_cast %get3A_1024 : i32 to index
        %get3A_1026 = arith.index_cast %scan3A_264 : i32 to index
        %get3A_1027 = arith.constant 864 : index
        %get3A_1028 = tpu.vector_load %arg8[%get3A_1025, %get3A_1026, %get3A_1027] {strides = array<i32>} : memref<2x32x1024xf32, #tpu.memory_space<vmem>>, vector<1x1x16xf32>,
        %get3A_1029 = vector.shape_cast %get3A_1028 : vector<1x1x16xf32> to vector<16xf32>
        %div3A_1030 = arith.divf %get3A_1029, %get3A_269 : vector<16xf32>
        %swap3A_1031 = arith.constant 1 : i32
        %swap3A_1032 = arith.index_cast %swap3A_1031 : i32 to index
        %swap3A_1033 = arith.index_cast %scan3A_264 : i32 to index
        %swap3A_1034 = arith.constant 864 : index
        %swap3A_1035 = tpu.vector_load %arg8[%swap3A_1032, %swap3A_1033, %swap3A_1034] {strides = array<i32>} : memref<2x32x1024xf32, #tpu.memory_space<vmem>>, vector<1x1x16xf32>,
        %swap3A_1036 = vector.shape_cast %swap3A_1035 : vector<1x1x16xf32> to vector<16xf32>
        %swap3A_1037 = vector.shape_cast %div3A_1030 : vector<16xf32> to vector<1x1x16xf32>
        tpu.vector_store %arg8[%swap3A_1032, %swap3A_1033, %swap3A_1034], %swap3A_1037 {strides = array<i32>} : memref<2x32x1024xf32, #tpu.memory_space<vmem>>, vector<1x1x16xf32>,
        %get3A_1038 = arith.constant 1 : i32
        %get3A_1039 = arith.index_cast %get3A_1038 : i32 to index
        %get3A_1040 = arith.index_cast %scan3A_264 : i32 to index
        %get3A_1041 = arith.constant 880 : index
        %get3A_1042 = tpu.vector_load %arg8[%get3A_1039, %get3A_1040, %get3A_1041] {strides = array<i32>} : memref<2x32x1024xf32, #tpu.memory_space<vmem>>, vector<1x1x16xf32>,
        %get3A_1043 = vector.shape_cast %get3A_1042 : vector<1x1x16xf32> to vector<16xf32>
        %div3A_1044 = arith.divf %get3A_1043, %get3A_269 : vector<16xf32>
        %swap3A_1045 = arith.constant 1 : i32
        %swap3A_1046 = arith.index_cast %swap3A_1045 : i32 to index
        %swap3A_1047 = arith.index_cast %scan3A_264 : i32 to index
        %swap3A_1048 = arith.constant 880 : index
        %swap3A_1049 = tpu.vector_load %arg8[%swap3A_1046, %swap3A_1047, %swap3A_1048] {strides = array<i32>} : memref<2x32x1024xf32, #tpu.memory_space<vmem>>, vector<1x1x16xf32>,
        %swap3A_1050 = vector.shape_cast %swap3A_1049 : vector<1x1x16xf32> to vector<16xf32>
        %swap3A_1051 = vector.shape_cast %div3A_1044 : vector<16xf32> to vector<1x1x16xf32>
        tpu.vector_store %arg8[%swap3A_1046, %swap3A_1047, %swap3A_1048], %swap3A_1051 {strides = array<i32>} : memref<2x32x1024xf32, #tpu.memory_space<vmem>>, vector<1x1x16xf32>,
        %get3A_1052 = arith.constant 1 : i32
        %get3A_1053 = arith.index_cast %get3A_1052 : i32 to index
        %get3A_1054 = arith.index_cast %scan3A_264 : i32 to index
        %get3A_1055 = arith.constant 896 : index
        %get3A_1056 = tpu.vector_load %arg8[%get3A_1053, %get3A_1054, %get3A_1055] {strides = array<i32>} : memref<2x32x1024xf32, #tpu.memory_space<vmem>>, vector<1x1x16xf32>,
        %get3A_1057 = vector.shape_cast %get3A_1056 : vector<1x1x16xf32> to vector<16xf32>
        %div3A_1058 = arith.divf %get3A_1057, %get3A_269 : vector<16xf32>
        %swap3A_1059 = arith.constant 1 : i32
        %swap3A_1060 = arith.index_cast %swap3A_1059 : i32 to index
        %swap3A_1061 = arith.index_cast %scan3A_264 : i32 to index
        %swap3A_1062 = arith.constant 896 : index
        %swap3A_1063 = tpu.vector_load %arg8[%swap3A_1060, %swap3A_1061, %swap3A_1062] {strides = array<i32>} : memref<2x32x1024xf32, #tpu.memory_space<vmem>>, vector<1x1x16xf32>,
        %swap3A_1064 = vector.shape_cast %swap3A_1063 : vector<1x1x16xf32> to vector<16xf32>
        %swap3A_1065 = vector.shape_cast %div3A_1058 : vector<16xf32> to vector<1x1x16xf32>
        tpu.vector_store %arg8[%swap3A_1060, %swap3A_1061, %swap3A_1062], %swap3A_1065 {strides = array<i32>} : memref<2x32x1024xf32, #tpu.memory_space<vmem>>, vector<1x1x16xf32>,
        %get3A_1066 = arith.constant 1 : i32
        %get3A_1067 = arith.index_cast %get3A_1066 : i32 to index
        %get3A_1068 = arith.index_cast %scan3A_264 : i32 to index
        %get3A_1069 = arith.constant 912 : index
        %get3A_1070 = tpu.vector_load %arg8[%get3A_1067, %get3A_1068, %get3A_1069] {strides = array<i32>} : memref<2x32x1024xf32, #tpu.memory_space<vmem>>, vector<1x1x16xf32>,
        %get3A_1071 = vector.shape_cast %get3A_1070 : vector<1x1x16xf32> to vector<16xf32>
        %div3A_1072 = arith.divf %get3A_1071, %get3A_269 : vector<16xf32>
        %swap3A_1073 = arith.constant 1 : i32
        %swap3A_1074 = arith.index_cast %swap3A_1073 : i32 to index
        %swap3A_1075 = arith.index_cast %scan3A_264 : i32 to index
        %swap3A_1076 = arith.constant 912 : index
        %swap3A_1077 = tpu.vector_load %arg8[%swap3A_1074, %swap3A_1075, %swap3A_1076] {strides = array<i32>} : memref<2x32x1024xf32, #tpu.memory_space<vmem>>, vector<1x1x16xf32>,
        %swap3A_1078 = vector.shape_cast %swap3A_1077 : vector<1x1x16xf32> to vector<16xf32>
        %swap3A_1079 = vector.shape_cast %div3A_1072 : vector<16xf32> to vector<1x1x16xf32>
        tpu.vector_store %arg8[%swap3A_1074, %swap3A_1075, %swap3A_1076], %swap3A_1079 {strides = array<i32>} : memref<2x32x1024xf32, #tpu.memory_space<vmem>>, vector<1x1x16xf32>,
        %get3A_1080 = arith.constant 1 : i32
        %get3A_1081 = arith.index_cast %get3A_1080 : i32 to index
        %get3A_1082 = arith.index_cast %scan3A_264 : i32 to index
        %get3A_1083 = arith.constant 928 : index
        %get3A_1084 = tpu.vector_load %arg8[%get3A_1081, %get3A_1082, %get3A_1083] {strides = array<i32>} : memref<2x32x1024xf32, #tpu.memory_space<vmem>>, vector<1x1x16xf32>,
        %get3A_1085 = vector.shape_cast %get3A_1084 : vector<1x1x16xf32> to vector<16xf32>
        %div3A_1086 = arith.divf %get3A_1085, %get3A_269 : vector<16xf32>
        %swap3A_1087 = arith.constant 1 : i32
        %swap3A_1088 = arith.index_cast %swap3A_1087 : i32 to index
        %swap3A_1089 = arith.index_cast %scan3A_264 : i32 to index
        %swap3A_1090 = arith.constant 928 : index
        %swap3A_1091 = tpu.vector_load %arg8[%swap3A_1088, %swap3A_1089, %swap3A_1090] {strides = array<i32>} : memref<2x32x1024xf32, #tpu.memory_space<vmem>>, vector<1x1x16xf32>,
        %swap3A_1092 = vector.shape_cast %swap3A_1091 : vector<1x1x16xf32> to vector<16xf32>
        %swap3A_1093 = vector.shape_cast %div3A_1086 : vector<16xf32> to vector<1x1x16xf32>
        tpu.vector_store %arg8[%swap3A_1088, %swap3A_1089, %swap3A_1090], %swap3A_1093 {strides = array<i32>} : memref<2x32x1024xf32, #tpu.memory_space<vmem>>, vector<1x1x16xf32>,
        %get3A_1094 = arith.constant 1 : i32
        %get3A_1095 = arith.index_cast %get3A_1094 : i32 to index
        %get3A_1096 = arith.index_cast %scan3A_264 : i32 to index
        %get3A_1097 = arith.constant 944 : index
        %get3A_1098 = tpu.vector_load %arg8[%get3A_1095, %get3A_1096, %get3A_1097] {strides = array<i32>} : memref<2x32x1024xf32, #tpu.memory_space<vmem>>, vector<1x1x16xf32>,
        %get3A_1099 = vector.shape_cast %get3A_1098 : vector<1x1x16xf32> to vector<16xf32>
        %div3A_1100 = arith.divf %get3A_1099, %get3A_269 : vector<16xf32>
        %swap3A_1101 = arith.constant 1 : i32
        %swap3A_1102 = arith.index_cast %swap3A_1101 : i32 to index
        %swap3A_1103 = arith.index_cast %scan3A_264 : i32 to index
        %swap3A_1104 = arith.constant 944 : index
        %swap3A_1105 = tpu.vector_load %arg8[%swap3A_1102, %swap3A_1103, %swap3A_1104] {strides = array<i32>} : memref<2x32x1024xf32, #tpu.memory_space<vmem>>, vector<1x1x16xf32>,
        %swap3A_1106 = vector.shape_cast %swap3A_1105 : vector<1x1x16xf32> to vector<16xf32>
        %swap3A_1107 = vector.shape_cast %div3A_1100 : vector<16xf32> to vector<1x1x16xf32>
        tpu.vector_store %arg8[%swap3A_1102, %swap3A_1103, %swap3A_1104], %swap3A_1107 {strides = array<i32>} : memref<2x32x1024xf32, #tpu.memory_space<vmem>>, vector<1x1x16xf32>,
        %get3A_1108 = arith.constant 1 : i32
        %get3A_1109 = arith.index_cast %get3A_1108 : i32 to index
        %get3A_1110 = arith.index_cast %scan3A_264 : i32 to index
        %get3A_1111 = arith.constant 960 : index
        %get3A_1112 = tpu.vector_load %arg8[%get3A_1109, %get3A_1110, %get3A_1111] {strides = array<i32>} : memref<2x32x1024xf32, #tpu.memory_space<vmem>>, vector<1x1x16xf32>,
        %get3A_1113 = vector.shape_cast %get3A_1112 : vector<1x1x16xf32> to vector<16xf32>
        %div3A_1114 = arith.divf %get3A_1113, %get3A_269 : vector<16xf32>
        %swap3A_1115 = arith.constant 1 : i32
        %swap3A_1116 = arith.index_cast %swap3A_1115 : i32 to index
        %swap3A_1117 = arith.index_cast %scan3A_264 : i32 to index
        %swap3A_1118 = arith.constant 960 : index
        %swap3A_1119 = tpu.vector_load %arg8[%swap3A_1116, %swap3A_1117, %swap3A_1118] {strides = array<i32>} : memref<2x32x1024xf32, #tpu.memory_space<vmem>>, vector<1x1x16xf32>,
        %swap3A_1120 = vector.shape_cast %swap3A_1119 : vector<1x1x16xf32> to vector<16xf32>
        %swap3A_1121 = vector.shape_cast %div3A_1114 : vector<16xf32> to vector<1x1x16xf32>
        tpu.vector_store %arg8[%swap3A_1116, %swap3A_1117, %swap3A_1118], %swap3A_1121 {strides = array<i32>} : memref<2x32x1024xf32, #tpu.memory_space<vmem>>, vector<1x1x16xf32>,
        %get3A_1122 = arith.constant 1 : i32
        %get3A_1123 = arith.index_cast %get3A_1122 : i32 to index
        %get3A_1124 = arith.index_cast %scan3A_264 : i32 to index
        %get3A_1125 = arith.constant 976 : index
        %get3A_1126 = tpu.vector_load %arg8[%get3A_1123, %get3A_1124, %get3A_1125] {strides = array<i32>} : memref<2x32x1024xf32, #tpu.memory_space<vmem>>, vector<1x1x16xf32>,
        %get3A_1127 = vector.shape_cast %get3A_1126 : vector<1x1x16xf32> to vector<16xf32>
        %div3A_1128 = arith.divf %get3A_1127, %get3A_269 : vector<16xf32>
        %swap3A_1129 = arith.constant 1 : i32
        %swap3A_1130 = arith.index_cast %swap3A_1129 : i32 to index
        %swap3A_1131 = arith.index_cast %scan3A_264 : i32 to index
        %swap3A_1132 = arith.constant 976 : index
        %swap3A_1133 = tpu.vector_load %arg8[%swap3A_1130, %swap3A_1131, %swap3A_1132] {strides = array<i32>} : memref<2x32x1024xf32, #tpu.memory_space<vmem>>, vector<1x1x16xf32>,
        %swap3A_1134 = vector.shape_cast %swap3A_1133 : vector<1x1x16xf32> to vector<16xf32>
        %swap3A_1135 = vector.shape_cast %div3A_1128 : vector<16xf32> to vector<1x1x16xf32>
        tpu.vector_store %arg8[%swap3A_1130, %swap3A_1131, %swap3A_1132], %swap3A_1135 {strides = array<i32>} : memref<2x32x1024xf32, #tpu.memory_space<vmem>>, vector<1x1x16xf32>,
        %get3A_1136 = arith.constant 1 : i32
        %get3A_1137 = arith.index_cast %get3A_1136 : i32 to index
        %get3A_1138 = arith.index_cast %scan3A_264 : i32 to index
        %get3A_1139 = arith.constant 992 : index
        %get3A_1140 = tpu.vector_load %arg8[%get3A_1137, %get3A_1138, %get3A_1139] {strides = array<i32>} : memref<2x32x1024xf32, #tpu.memory_space<vmem>>, vector<1x1x16xf32>,
        %get3A_1141 = vector.shape_cast %get3A_1140 : vector<1x1x16xf32> to vector<16xf32>
        %div3A_1142 = arith.divf %get3A_1141, %get3A_269 : vector<16xf32>
        %swap3A_1143 = arith.constant 1 : i32
        %swap3A_1144 = arith.index_cast %swap3A_1143 : i32 to index
        %swap3A_1145 = arith.index_cast %scan3A_264 : i32 to index
        %swap3A_1146 = arith.constant 992 : index
        %swap3A_1147 = tpu.vector_load %arg8[%swap3A_1144, %swap3A_1145, %swap3A_1146] {strides = array<i32>} : memref<2x32x1024xf32, #tpu.memory_space<vmem>>, vector<1x1x16xf32>,
        %swap3A_1148 = vector.shape_cast %swap3A_1147 : vector<1x1x16xf32> to vector<16xf32>
        %swap3A_1149 = vector.shape_cast %div3A_1142 : vector<16xf32> to vector<1x1x16xf32>
        tpu.vector_store %arg8[%swap3A_1144, %swap3A_1145, %swap3A_1146], %swap3A_1149 {strides = array<i32>} : memref<2x32x1024xf32, #tpu.memory_space<vmem>>, vector<1x1x16xf32>,
        %get3A_1150 = arith.constant 1 : i32
        %get3A_1151 = arith.index_cast %get3A_1150 : i32 to index
        %get3A_1152 = arith.index_cast %scan3A_264 : i32 to index
        %get3A_1153 = arith.constant 1008 : index
        %get3A_1154 = tpu.vector_load %arg8[%get3A_1151, %get3A_1152, %get3A_1153] {strides = array<i32>} : memref<2x32x1024xf32, #tpu.memory_space<vmem>>, vector<1x1x16xf32>,
        %get3A_1155 = vector.shape_cast %get3A_1154 : vector<1x1x16xf32> to vector<16xf32>
        %div3A_1156 = arith.divf %get3A_1155, %get3A_269 : vector<16xf32>
        %swap3A_1157 = arith.constant 1 : i32
        %swap3A_1158 = arith.index_cast %swap3A_1157 : i32 to index
        %swap3A_1159 = arith.index_cast %scan3A_264 : i32 to index
        %swap3A_1160 = arith.constant 1008 : index
        %swap3A_1161 = tpu.vector_load %arg8[%swap3A_1158, %swap3A_1159, %swap3A_1160] {strides = array<i32>} : memref<2x32x1024xf32, #tpu.memory_space<vmem>>, vector<1x1x16xf32>,
        %swap3A_1162 = vector.shape_cast %swap3A_1161 : vector<1x1x16xf32> to vector<16xf32>
        %swap3A_1163 = vector.shape_cast %div3A_1156 : vector<16xf32> to vector<1x1x16xf32>
        tpu.vector_store %arg8[%swap3A_1158, %swap3A_1159, %swap3A_1160], %swap3A_1163 {strides = array<i32>} : memref<2x32x1024xf32, #tpu.memory_space<vmem>>, vector<1x1x16xf32>,
      }
      %scan3A_234 = arith.constant 32 : i32
      %dma_start3A_235 = arith.constant 1 : i32
      %dma_start3A_236 = arith.constant 1 : i32
      %dma_start3A_237 = arith.constant 0 : i32
      %dma_start3A_238 = arith.constant 0 : i32
      %dma_start3A_239 = tpu.memref_slice %arg8[%dma_start3A_235, %dma_start3A_237, %dma_start3A_238] : memref<2x32x1024xf32, #tpu.memory_space<vmem>> -> memref<1x32x1024xf32, #tpu.memory_space<vmem>>
      %dma_start3A_240 = tpu.memref_squeeze %dma_start3A_239 : memref<1x32x1024xf32, #tpu.memory_space<vmem>> -> memref<32x1024xf32, #tpu.memory_space<vmem>>
      %dma_start3A_241 = arith.constant 0 : i32
      %dma_start3A_242 = tpu.memref_slice %arg10[%dma_start3A_236, %dma_start3A_241] : memref<2x32xi32, #tpu.memory_space<vmem>> -> memref<1x32xi32, #tpu.memory_space<vmem>>
      %dma_start3A_243 = tpu.memref_squeeze %dma_start3A_242 : memref<1x32xi32, #tpu.memory_space<vmem>> -> memref<32xi32, #tpu.memory_space<vmem>>
      %dma_start3A_244 = arith.constant 0 : i32
      %dma_start3A_245 = arith.constant 0 : i32
      %dma_start3A_246 = tpu.memref_slice %arg6[%dma_start3A_244, %dma_start3A_245] : memref<65536x1024xf32, #tpu.memory_space<hbm>> -> memref<65536x1024xf32, #tpu.memory_space<hbm>>
      tpu.enqueue_indirect_dma source(%dma_start3A_240 : memref<32x1024xf32, #tpu.memory_space<vmem>>) target(%dma_start3A_246 : memref<65536x1024xf32, #tpu.memory_space<hbm>>) offsets(%dma_start3A_243 : memref<32xi32, #tpu.memory_space<vmem>>) semaphore(%arg15 : memref<!tpu.dma_semaphore, #tpu.memory_space<semaphore_mem>>)
      %dma_start3A_247 = arith.constant 1 : i32
      %dma_start3A_248 = arith.constant 1 : i32
      %dma_start3A_249 = arith.constant 0 : i32
      %dma_start3A_250 = tpu.memref_slice %arg11[%dma_start3A_247, %dma_start3A_249] : memref<2x32xi32, #tpu.memory_space<vmem>> -> memref<1x32xi32, #tpu.memory_space<vmem>>
      %dma_start3A_251 = tpu.memref_squeeze %dma_start3A_250 : memref<1x32xi32, #tpu.memory_space<vmem>> -> memref<32xi32, #tpu.memory_space<vmem>>
      %dma_start3A_252 = arith.constant 0 : i32
      %dma_start3A_253 = tpu.memref_slice %arg10[%dma_start3A_248, %dma_start3A_252] : memref<2x32xi32, #tpu.memory_space<vmem>> -> memref<1x32xi32, #tpu.memory_space<vmem>>
      %dma_start3A_254 = tpu.memref_squeeze %dma_start3A_253 : memref<1x32xi32, #tpu.memory_space<vmem>> -> memref<32xi32, #tpu.memory_space<vmem>>
      %dma_start3A_255 = arith.constant 0 : i32
      %dma_start3A_256 = tpu.memref_slice %arg7[%dma_start3A_255] : memref<65536xi32, #tpu.memory_space<hbm>> -> memref<65536xi32, #tpu.memory_space<hbm>>
      tpu.enqueue_indirect_dma source(%dma_start3A_251 : memref<32xi32, #tpu.memory_space<vmem>>) target(%dma_start3A_256 : memref<65536xi32, #tpu.memory_space<hbm>>) offsets(%dma_start3A_254 : memref<32xi32, #tpu.memory_space<vmem>>) semaphore(%arg17 : memref<!tpu.dma_semaphore, #tpu.memory_space<semaphore_mem>>)
      %add3A_257 = arith.constant 1 : i32
      %add3A_258 = arith.addi %add3A_181, %add3A_257 : i32
      %lt3A_259 = arith.constant 64 : i32
      %lt3A_260 = arith.cmpi slt, %add3A_258, %lt3A_259 : i32
      %convert_element_type3A_261 = arith.extui %lt3A_260 : i1 to i32
      %cond3A_262 = arith.constant 0 : i32
      %cond3A_263 = arith.cmpi ne, %convert_element_type3A_261, %cond3A_262 : i32
      scf.if %cond3A_263 {
        %ge3A = arith.constant 1 : i32
        %ge3A_264 = arith.cmpi sge, %add3A_181, %ge3A : i32
        %convert_element_type3A_265 = arith.extui %ge3A_264 : i1 to i32
        %cond3A_266 = arith.constant 0 : i32
        %cond3A_267 = arith.cmpi ne, %convert_element_type3A_265, %cond3A_266 : i32
        scf.if %cond3A_267 {
          %dma_wait3A_317 = arith.constant 0 : i32
          %dma_wait3A_318 = arith.constant 0 : i32
          %dma_wait3A_319 = arith.constant 0 : i32
          %dma_wait3A_320 = arith.constant 0 : i32
          %dma_wait3A_321 = tpu.memref_slice %arg8[%dma_wait3A_317, %dma_wait3A_319, %dma_wait3A_320] : memref<2x32x1024xf32, #tpu.memory_space<vmem>> -> memref<1x32x1024xf32, #tpu.memory_space<vmem>>
          %dma_wait3A_322 = tpu.memref_squeeze %dma_wait3A_321 : memref<1x32x1024xf32, #tpu.memory_space<vmem>> -> memref<32x1024xf32, #tpu.memory_space<vmem>>
          %dma_wait3A_323 = arith.constant 0 : i32
          %dma_wait3A_324 = tpu.memref_slice %arg10[%dma_wait3A_318, %dma_wait3A_323] : memref<2x32xi32, #tpu.memory_space<vmem>> -> memref<1x32xi32, #tpu.memory_space<vmem>>
          %dma_wait3A_325 = tpu.memref_squeeze %dma_wait3A_324 : memref<1x32xi32, #tpu.memory_space<vmem>> -> memref<32xi32, #tpu.memory_space<vmem>>
          %dma_wait3A_326 = arith.constant 0 : i32
          %dma_wait3A_327 = arith.constant 0 : i32
          %dma_wait3A_328 = tpu.memref_slice %arg6[%dma_wait3A_326, %dma_wait3A_327] : memref<65536x1024xf32, #tpu.memory_space<hbm>> -> memref<65536x1024xf32, #tpu.memory_space<hbm>>
          tpu.wait_indirect_dma semaphore(%arg14 : memref<!tpu.dma_semaphore, #tpu.memory_space<semaphore_mem>>) src(%dma_wait3A_322 : memref<32x1024xf32, #tpu.memory_space<vmem>>) dst(%dma_wait3A_328 : memref<65536x1024xf32, #tpu.memory_space<hbm>>)
          %dma_wait3A_329 = arith.constant 0 : i32
          %dma_wait3A_330 = arith.constant 0 : i32
          %dma_wait3A_331 = arith.constant 0 : i32
          %dma_wait3A_332 = tpu.memref_slice %arg11[%dma_wait3A_329, %dma_wait3A_331] : memref<2x32xi32, #tpu.memory_space<vmem>> -> memref<1x32xi32, #tpu.memory_space<vmem>>
          %dma_wait3A_333 = tpu.memref_squeeze %dma_wait3A_332 : memref<1x32xi32, #tpu.memory_space<vmem>> -> memref<32xi32, #tpu.memory_space<vmem>>
          %dma_wait3A_334 = arith.constant 0 : i32
          %dma_wait3A_335 = tpu.memref_slice %arg10[%dma_wait3A_330, %dma_wait3A_334] : memref<2x32xi32, #tpu.memory_space<vmem>> -> memref<1x32xi32, #tpu.memory_space<vmem>>
          %dma_wait3A_336 = tpu.memref_squeeze %dma_wait3A_335 : memref<1x32xi32, #tpu.memory_space<vmem>> -> memref<32xi32, #tpu.memory_space<vmem>>
          %dma_wait3A_337 = arith.constant 0 : i32
          %dma_wait3A_338 = tpu.memref_slice %arg7[%dma_wait3A_337] : memref<65536xi32, #tpu.memory_space<hbm>> -> memref<65536xi32, #tpu.memory_space<hbm>>
          tpu.wait_indirect_dma semaphore(%arg16 : memref<!tpu.dma_semaphore, #tpu.memory_space<semaphore_mem>>) src(%dma_wait3A_333 : memref<32xi32, #tpu.memory_space<vmem>>) dst(%dma_wait3A_338 : memref<65536xi32, #tpu.memory_space<hbm>>)
        } else {
        }
        %add3A_268 = arith.constant 1 : i32
        %add3A_269 = arith.addi %add3A_181, %add3A_268 : i32
        %mul3A_270 = arith.constant 32 : i32
        %mul3A_271 = arith.muli %add3A_269, %mul3A_270 : i32
        %add3A_272 = arith.addi %mul3A_2, %mul3A_271 : i32
        %dma_start3A_273 = arith.constant 0 : i32
        %dma_start3A_274 = arith.constant 0 : i32
        %dma_start3A_275 = arith.constant 0 : i32
        %dma_start3A_276 = tpu.memref_slice %arg8[%dma_start3A_273, %dma_start3A_274, %dma_start3A_275] : memref<2x32x1024xf32, #tpu.memory_space<vmem>> -> memref<1x32x1024xf32, #tpu.memory_space<vmem>>
        %dma_start3A_277 = tpu.memref_squeeze %dma_start3A_276 : memref<1x32x1024xf32, #tpu.memory_space<vmem>> -> memref<32x1024xf32, #tpu.memory_space<vmem>>
        %dma_start3A_278 = arith.constant 0 : i32
        %dma_start3A_279 = tpu.memref_slice %arg2[%add3A_272, %dma_start3A_278] : memref<65536x1024xf32, #tpu.memory_space<hbm>> -> memref<32x1024xf32, #tpu.memory_space<hbm>>
        %dma_start3A_280 = arith.constant 0 : i32
        %dma_start3A_281 = arith.constant 0 : i32
        %dma_start3A_282 = tpu.memref_slice %arg8[%dma_start3A_273, %dma_start3A_280, %dma_start3A_281] : memref<2x32x1024xf32, #tpu.memory_space<vmem>> -> memref<1x32x1024xf32, #tpu.memory_space<vmem>>
        %dma_start3A_283 = tpu.memref_squeeze %dma_start3A_282 : memref<1x32x1024xf32, #tpu.memory_space<vmem>> -> memref<32x1024xf32, #tpu.memory_space<vmem>>
        %dma_start3A_284 = arith.constant 0 : i32
        %dma_start3A_285 = tpu.memref_slice %arg2[%add3A_272, %dma_start3A_284] : memref<65536x1024xf32, #tpu.memory_space<hbm>> -> memref<32x1024xf32, #tpu.memory_space<hbm>>
        tpu.enqueue_dma source(%dma_start3A_285 : memref<32x1024xf32, #tpu.memory_space<hbm>>) target(%dma_start3A_283 : memref<32x1024xf32, #tpu.memory_space<vmem>>) target_semaphore(%arg12 : memref<!tpu.dma_semaphore, #tpu.memory_space<semaphore_mem>>)
        %dma_start3A_286 = arith.constant 0 : i32
        %dma_start3A_287 = arith.constant 0 : i32
        %dma_start3A_288 = arith.constant 0 : i32
        %dma_start3A_289 = tpu.memref_slice %arg9[%dma_start3A_286, %dma_start3A_287, %dma_start3A_288] : memref<2x32x16xf32, #tpu.memory_space<vmem>> -> memref<1x32x16xf32, #tpu.memory_space<vmem>>
        %dma_start3A_290 = tpu.memref_squeeze %dma_start3A_289 : memref<1x32x16xf32, #tpu.memory_space<vmem>> -> memref<32x16xf32, #tpu.memory_space<vmem>>
        %dma_start3A_291 = arith.constant 0 : i32
        %dma_start3A_292 = tpu.memref_slice %arg3[%add3A_272, %dma_start3A_291] : memref<65536x16xf32, #tpu.memory_space<hbm>> -> memref<32x16xf32, #tpu.memory_space<hbm>>
        %dma_start3A_293 = arith.constant 0 : i32
        %dma_start3A_294 = arith.constant 0 : i32
        %dma_start3A_295 = tpu.memref_slice %arg9[%dma_start3A_286, %dma_start3A_293, %dma_start3A_294] : memref<2x32x16xf32, #tpu.memory_space<vmem>> -> memref<1x32x16xf32, #tpu.memory_space<vmem>>
        %dma_start3A_296 = tpu.memref_squeeze %dma_start3A_295 : memref<1x32x16xf32, #tpu.memory_space<vmem>> -> memref<32x16xf32, #tpu.memory_space<vmem>>
        %dma_start3A_297 = arith.constant 0 : i32
        %dma_start3A_298 = tpu.memref_slice %arg3[%add3A_272, %dma_start3A_297] : memref<65536x16xf32, #tpu.memory_space<hbm>> -> memref<32x16xf32, #tpu.memory_space<hbm>>
        tpu.enqueue_dma source(%dma_start3A_298 : memref<32x16xf32, #tpu.memory_space<hbm>>) target(%dma_start3A_296 : memref<32x16xf32, #tpu.memory_space<vmem>>) target_semaphore(%arg12 : memref<!tpu.dma_semaphore, #tpu.memory_space<semaphore_mem>>)
        %dma_start3A_299 = arith.constant 0 : i32
        %dma_start3A_300 = arith.constant 0 : i32
        %dma_start3A_301 = tpu.memref_slice %arg10[%dma_start3A_299, %dma_start3A_300] : memref<2x32xi32, #tpu.memory_space<vmem>> -> memref<1x32xi32, #tpu.memory_space<vmem>>
        %dma_start3A_302 = tpu.memref_squeeze %dma_start3A_301 : memref<1x32xi32, #tpu.memory_space<vmem>> -> memref<32xi32, #tpu.memory_space<vmem>>
        %dma_start3A_303 = tpu.memref_slice %arg4[%add3A_272] : memref<65536xi32, #tpu.memory_space<hbm>> -> memref<32xi32, #tpu.memory_space<hbm>>
        %dma_start3A_304 = arith.constant 0 : i32
        %dma_start3A_305 = tpu.memref_slice %arg10[%dma_start3A_299, %dma_start3A_304] : memref<2x32xi32, #tpu.memory_space<vmem>> -> memref<1x32xi32, #tpu.memory_space<vmem>>
        %dma_start3A_306 = tpu.memref_squeeze %dma_start3A_305 : memref<1x32xi32, #tpu.memory_space<vmem>> -> memref<32xi32, #tpu.memory_space<vmem>>
        %dma_start3A_307 = tpu.memref_slice %arg4[%add3A_272] : memref<65536xi32, #tpu.memory_space<hbm>> -> memref<32xi32, #tpu.memory_space<hbm>>
        tpu.enqueue_dma source(%dma_start3A_307 : memref<32xi32, #tpu.memory_space<hbm>>) target(%dma_start3A_306 : memref<32xi32, #tpu.memory_space<vmem>>) target_semaphore(%arg12 : memref<!tpu.dma_semaphore, #tpu.memory_space<semaphore_mem>>)
        %dma_start3A_308 = arith.constant 0 : i32
        %dma_start3A_309 = arith.constant 0 : i32
        %dma_start3A_310 = tpu.memref_slice %arg11[%dma_start3A_308, %dma_start3A_309] : memref<2x32xi32, #tpu.memory_space<vmem>> -> memref<1x32xi32, #tpu.memory_space<vmem>>
        %dma_start3A_311 = tpu.memref_squeeze %dma_start3A_310 : memref<1x32xi32, #tpu.memory_space<vmem>> -> memref<32xi32, #tpu.memory_space<vmem>>
        %dma_start3A_312 = tpu.memref_slice %arg5[%add3A_272] : memref<65536xi32, #tpu.memory_space<hbm>> -> memref<32xi32, #tpu.memory_space<hbm>>
        %dma_start3A_313 = arith.constant 0 : i32
        %dma_start3A_314 = tpu.memref_slice %arg11[%dma_start3A_308, %dma_start3A_313] : memref<2x32xi32, #tpu.memory_space<vmem>> -> memref<1x32xi32, #tpu.memory_space<vmem>>
        %dma_start3A_315 = tpu.memref_squeeze %dma_start3A_314 : memref<1x32xi32, #tpu.memory_space<vmem>> -> memref<32xi32, #tpu.memory_space<vmem>>
        %dma_start3A_316 = tpu.memref_slice %arg5[%add3A_272] : memref<65536xi32, #tpu.memory_space<hbm>> -> memref<32xi32, #tpu.memory_space<hbm>>
        tpu.enqueue_dma source(%dma_start3A_316 : memref<32xi32, #tpu.memory_space<hbm>>) target(%dma_start3A_315 : memref<32xi32, #tpu.memory_space<vmem>>) target_semaphore(%arg12 : memref<!tpu.dma_semaphore, #tpu.memory_space<semaphore_mem>>)
      } else {
      }
    }
    %scan3A_52 = arith.constant 32 : i32
    %dma_wait3A = arith.constant 0 : i32
    %dma_wait3A_53 = arith.constant 0 : i32
    %dma_wait3A_54 = arith.constant 0 : i32
    %dma_wait3A_55 = arith.constant 0 : i32
    %dma_wait3A_56 = tpu.memref_slice %arg8[%dma_wait3A, %dma_wait3A_54, %dma_wait3A_55] : memref<2x32x1024xf32, #tpu.memory_space<vmem>> -> memref<1x32x1024xf32, #tpu.memory_space<vmem>>
    %dma_wait3A_57 = tpu.memref_squeeze %dma_wait3A_56 : memref<1x32x1024xf32, #tpu.memory_space<vmem>> -> memref<32x1024xf32, #tpu.memory_space<vmem>>
    %dma_wait3A_58 = arith.constant 0 : i32
    %dma_wait3A_59 = tpu.memref_slice %arg10[%dma_wait3A_53, %dma_wait3A_58] : memref<2x32xi32, #tpu.memory_space<vmem>> -> memref<1x32xi32, #tpu.memory_space<vmem>>
    %dma_wait3A_60 = tpu.memref_squeeze %dma_wait3A_59 : memref<1x32xi32, #tpu.memory_space<vmem>> -> memref<32xi32, #tpu.memory_space<vmem>>
    %dma_wait3A_61 = arith.constant 0 : i32
    %dma_wait3A_62 = arith.constant 0 : i32
    %dma_wait3A_63 = tpu.memref_slice %arg6[%dma_wait3A_61, %dma_wait3A_62] : memref<65536x1024xf32, #tpu.memory_space<hbm>> -> memref<65536x1024xf32, #tpu.memory_space<hbm>>
    tpu.wait_indirect_dma semaphore(%arg14 : memref<!tpu.dma_semaphore, #tpu.memory_space<semaphore_mem>>) src(%dma_wait3A_57 : memref<32x1024xf32, #tpu.memory_space<vmem>>) dst(%dma_wait3A_63 : memref<65536x1024xf32, #tpu.memory_space<hbm>>)
    %dma_wait3A_64 = arith.constant 0 : i32
    %dma_wait3A_65 = arith.constant 0 : i32
    %dma_wait3A_66 = arith.constant 0 : i32
    %dma_wait3A_67 = tpu.memref_slice %arg11[%dma_wait3A_64, %dma_wait3A_66] : memref<2x32xi32, #tpu.memory_space<vmem>> -> memref<1x32xi32, #tpu.memory_space<vmem>>
    %dma_wait3A_68 = tpu.memref_squeeze %dma_wait3A_67 : memref<1x32xi32, #tpu.memory_space<vmem>> -> memref<32xi32, #tpu.memory_space<vmem>>
    %dma_wait3A_69 = arith.constant 0 : i32
    %dma_wait3A_70 = tpu.memref_slice %arg10[%dma_wait3A_65, %dma_wait3A_69] : memref<2x32xi32, #tpu.memory_space<vmem>> -> memref<1x32xi32, #tpu.memory_space<vmem>>
    %dma_wait3A_71 = tpu.memref_squeeze %dma_wait3A_70 : memref<1x32xi32, #tpu.memory_space<vmem>> -> memref<32xi32, #tpu.memory_space<vmem>>
    %dma_wait3A_72 = arith.constant 0 : i32
    %dma_wait3A_73 = tpu.memref_slice %arg7[%dma_wait3A_72] : memref<65536xi32, #tpu.memory_space<hbm>> -> memref<65536xi32, #tpu.memory_space<hbm>>
    tpu.wait_indirect_dma semaphore(%arg16 : memref<!tpu.dma_semaphore, #tpu.memory_space<semaphore_mem>>) src(%dma_wait3A_68 : memref<32xi32, #tpu.memory_space<vmem>>) dst(%dma_wait3A_73 : memref<65536xi32, #tpu.memory_space<hbm>>)
    %dma_wait3A_74 = arith.constant 1 : i32
    %dma_wait3A_75 = arith.constant 1 : i32
    %dma_wait3A_76 = arith.constant 0 : i32
    %dma_wait3A_77 = arith.constant 0 : i32
    %dma_wait3A_78 = tpu.memref_slice %arg8[%dma_wait3A_74, %dma_wait3A_76, %dma_wait3A_77] : memref<2x32x1024xf32, #tpu.memory_space<vmem>> -> memref<1x32x1024xf32, #tpu.memory_space<vmem>>
    %dma_wait3A_79 = tpu.memref_squeeze %dma_wait3A_78 : memref<1x32x1024xf32, #tpu.memory_space<vmem>> -> memref<32x1024xf32, #tpu.memory_space<vmem>>
    %dma_wait3A_80 = arith.constant 0 : i32
    %dma_wait3A_81 = tpu.memref_slice %arg10[%dma_wait3A_75, %dma_wait3A_80] : memref<2x32xi32, #tpu.memory_space<vmem>> -> memref<1x32xi32, #tpu.memory_space<vmem>>
    %dma_wait3A_82 = tpu.memref_squeeze %dma_wait3A_81 : memref<1x32xi32, #tpu.memory_space<vmem>> -> memref<32xi32, #tpu.memory_space<vmem>>
    %dma_wait3A_83 = arith.constant 0 : i32
    %dma_wait3A_84 = arith.constant 0 : i32
    %dma_wait3A_85 = tpu.memref_slice %arg6[%dma_wait3A_83, %dma_wait3A_84] : memref<65536x1024xf32, #tpu.memory_space<hbm>> -> memref<65536x1024xf32, #tpu.memory_space<hbm>>
    tpu.wait_indirect_dma semaphore(%arg15 : memref<!tpu.dma_semaphore, #tpu.memory_space<semaphore_mem>>) src(%dma_wait3A_79 : memref<32x1024xf32, #tpu.memory_space<vmem>>) dst(%dma_wait3A_85 : memref<65536x1024xf32, #tpu.memory_space<hbm>>)
    %dma_wait3A_86 = arith.constant 1 : i32
    %dma_wait3A_87 = arith.constant 1 : i32
    %dma_wait3A_88 = arith.constant 0 : i32
    %dma_wait3A_89 = tpu.memref_slice %arg11[%dma_wait3A_86, %dma_wait3A_88] : memref<2x32xi32, #tpu.memory_space<vmem>> -> memref<1x32xi32, #tpu.memory_space<vmem>>
    %dma_wait3A_90 = tpu.memref_squeeze %dma_wait3A_89 : memref<1x32xi32, #tpu.memory_space<vmem>> -> memref<32xi32, #tpu.memory_space<vmem>>
    %dma_wait3A_91 = arith.constant 0 : i32
    %dma_wait3A_92 = tpu.memref_slice %arg10[%dma_wait3A_87, %dma_wait3A_91] : memref<2x32xi32, #tpu.memory_space<vmem>> -> memref<1x32xi32, #tpu.memory_space<vmem>>
    %dma_wait3A_93 = tpu.memref_squeeze %dma_wait3A_92 : memref<1x32xi32, #tpu.memory_space<vmem>> -> memref<32xi32, #tpu.memory_space<vmem>>
    %dma_wait3A_94 = arith.constant 0 : i32
    %dma_wait3A_95 = tpu.memref_slice %arg7[%dma_wait3A_94] : memref<65536xi32, #tpu.memory_space<hbm>> -> memref<65536xi32, #tpu.memory_space<hbm>>
    tpu.wait_indirect_dma semaphore(%arg17 : memref<!tpu.dma_semaphore, #tpu.memory_space<semaphore_mem>>) src(%dma_wait3A_90 : memref<32xi32, #tpu.memory_space<vmem>>) dst(%dma_wait3A_95 : memref<65536xi32, #tpu.memory_space<hbm>>)
    return
  }
}

module attributes {stable_mosaic.version = 14 : i64} {
  func.func @_entropy_temp_body(%arg0: i32, %arg1: memref<1x1xf32, #tpu.memory_space<smem>>, %arg2: memref<1x1xf32, #tpu.memory_space<smem>>, %arg3: memref<1x1xf32, #tpu.memory_space<smem>>, %arg4: memref<1x1xf32, #tpu.memory_space<smem>>, %arg5: memref<256x1024xf32, #tpu.memory_space<vmem>>, %arg6: memref<256x3xf32, #tpu.memory_space<vmem>>, %arg7: memref<256x16xf32, #tpu.memory_space<vmem>>, %arg8: memref<1x1x256xf32, #tpu.memory_space<vmem>>) attributes {dimension_semantics = [#tpu.dimension_semantics<arbitrary>], iteration_bounds = array<i64: 256>, scalar_prefetch = 0 : i64, scratch_operands = 0 : i64, tpu.core_type = #tpu.core_type<tc>, window_params = [{transform_indices = @transform_0, window_bounds = array<i64: 1, 1>}, {transform_indices = @transform_1, window_bounds = array<i64: 1, 1>}, {transform_indices = @transform_2, window_bounds = array<i64: 1, 1>}, {transform_indices = @transform_3, window_bounds = array<i64: 1, 1>}, {transform_indices = @transform_4, window_bounds = array<i64: 256, 1024>}, {transform_indices = @transform_5, window_bounds = array<i64: 256, 3>}, {transform_indices = @transform_6, window_bounds = array<i64: 256, 16>}, {transform_indices = @transform_7, window_bounds = array<i64: 1, 1, 256>}]} {
    %get3A = arith.constant 0 : index
    %get3A_0 = arith.constant 0 : index
    %get3A_1 = vector.load %arg5[%get3A, %get3A_0] : memref<256x1024xf32, #tpu.memory_space<vmem>>, vector<256x1024xf32>
    %reduce_max3A = arith.constant dense<0xFF800000> : vector<256xf32>
    %reduce_max3A_2 = vector.multi_reduction <maximumf>, %get3A_1, %reduce_max3A [1] : vector<256x1024xf32> to vector<256xf32>
    %broadcast_in_dim3A = vector.shape_cast %reduce_max3A_2 : vector<256xf32> to vector<256x1xf32>
    %sub3A = vector.broadcast %broadcast_in_dim3A : vector<256x1xf32> to vector<256x1024xf32>
    %sub3A_3 = arith.subf %get3A_1, %sub3A : vector<256x1024xf32>
    %exp3A = math.exp %sub3A_3 : vector<256x1024xf32>
    %reduce_sum3A = arith.constant dense<0.000000e+00> : vector<256xf32>
    %reduce_sum3A_4 = vector.multi_reduction <add>, %exp3A, %reduce_sum3A [1] : vector<256x1024xf32> to vector<256xf32>
    %broadcast_in_dim3A_5 = vector.shape_cast %reduce_sum3A_4 : vector<256xf32> to vector<256x1xf32>
    %div3A = vector.broadcast %broadcast_in_dim3A_5 : vector<256x1xf32> to vector<256x1024xf32>
    %div3A_6 = arith.divf %exp3A, %div3A : vector<256x1024xf32>
    %neg3A = arith.constant 0.000000e+00 : f32
    %neg3A_7 = vector.broadcast %neg3A : f32 to vector<256x1024xf32>
    %neg3A_8 = arith.subf %neg3A_7, %div3A_6 : vector<256x1024xf32>
    %log3A = math.log %div3A_6 : vector<256x1024xf32>
    %mul3A = arith.mulf %neg3A_8, %log3A : vector<256x1024xf32>
    %reduce_sum3A_9 = arith.constant dense<0.000000e+00> : vector<256xf32>
    %reduce_sum3A_10 = vector.multi_reduction <add>, %mul3A, %reduce_sum3A_9 [1] : vector<256x1024xf32> to vector<256xf32>
    %lt3A = arith.constant 6.430000e+00 : f32
    %lt3A_11 = vector.broadcast %lt3A : f32 to vector<256xf32>
    %lt3A_12 = arith.cmpf olt, %reduce_sum3A_10, %lt3A_11 : vector<256xf32>
    %get3A_13 = arith.constant 0 : index
    %get3A_14 = arith.constant 0 : index
    %get3A_15 = vector.load %arg6[%get3A_13, %get3A_14] : memref<256x3xf32, #tpu.memory_space<vmem>>, vector<256x3xf32>
    %abs3A = math.absf %get3A_15 : vector<256x3xf32>
    %integer_pow3A = arith.mulf %abs3A, %abs3A : vector<256x3xf32>
    %reduce_sum3A_16 = arith.constant dense<0.000000e+00> : vector<256xf32>
    %reduce_sum3A_17 = vector.multi_reduction <add>, %integer_pow3A, %reduce_sum3A_16 [1] : vector<256x3xf32> to vector<256xf32>
    %sqrt3A = math.sqrt %reduce_sum3A_17 : vector<256xf32>
    %get3A_18 = arith.constant 0 : index
    %get3A_19 = arith.constant 0 : index
    %get3A_20 = memref.load %arg3[%get3A_18, %get3A_19] : memref<1x1xf32, #tpu.memory_space<smem>>
    %mul3A_21 = vector.broadcast %get3A_20 : f32 to vector<256xf32>
    %mul3A_22 = arith.mulf %mul3A_21, %sqrt3A : vector<256xf32>
    %get3A_23 = arith.constant 0 : index
    %get3A_24 = arith.constant 0 : index
    %get3A_25 = memref.load %arg4[%get3A_23, %get3A_24] : memref<1x1xf32, #tpu.memory_space<smem>>
    %add3A = vector.broadcast %get3A_25 : f32 to vector<256xf32>
    %add3A_26 = arith.addf %mul3A_22, %add3A : vector<256xf32>
    %get3A_27 = arith.constant 0 : index
    %get3A_28 = arith.constant 0 : index
    %get3A_29 = memref.load %arg1[%get3A_27, %get3A_28] : memref<1x1xf32, #tpu.memory_space<smem>>
    %mul3A_30 = vector.broadcast %get3A_29 : f32 to vector<256xf32>
    %mul3A_31 = arith.mulf %mul3A_30, %add3A_26 : vector<256xf32>
    %get3A_32 = arith.constant 0 : index
    %get3A_33 = arith.constant 0 : index
    %get3A_34 = memref.load %arg2[%get3A_32, %get3A_33] : memref<1x1xf32, #tpu.memory_space<smem>>
    %mul3A_35 = vector.broadcast %get3A_34 : f32 to vector<256xf32>
    %mul3A_36 = arith.mulf %mul3A_35, %add3A_26 : vector<256xf32>
    %select_n3A = arith.select %lt3A_12, %mul3A_31, %mul3A_36 : vector<256xi1>, vector<256xf32>
    %broadcast_in_dim3A_37 = vector.shape_cast %select_n3A : vector<256xf32> to vector<256x1xf32>
    %broadcast_in_dim3A_38 = vector.shape_cast %broadcast_in_dim3A_37 : vector<256x1xf32> to vector<256x1xf32>
    %broadcast_in_dim3A_39 = vector.broadcast %broadcast_in_dim3A_38 : vector<256x1xf32> to vector<256x16xf32>
    %swap3A = arith.constant 0 : index
    %swap3A_40 = arith.constant 0 : index
    %swap3A_41 = vector.load %arg7[%swap3A, %swap3A_40] : memref<256x16xf32, #tpu.memory_space<vmem>>, vector<256x16xf32>
    tpu.vector_store %arg7[%swap3A, %swap3A_40], %broadcast_in_dim3A_39 {strides = array<i32>} : memref<256x16xf32, #tpu.memory_space<vmem>>, vector<256x16xf32>,
    %convert_element_type3A = arith.extui %lt3A_12 : vector<256xi1> to vector<256xi32>
    %convert_element_type3A_42 = arith.sitofp %convert_element_type3A : vector<256xi32> to vector<256xf32>
    %reshape3A = vector.shape_cast %convert_element_type3A_42 : vector<256xf32> to vector<1x1x256xf32>
    %swap3A_43 = arith.constant 0 : index
    %swap3A_44 = arith.constant 0 : index
    %swap3A_45 = arith.constant 0 : index
    %swap3A_46 = vector.load %arg8[%swap3A_43, %swap3A_44, %swap3A_45] : memref<1x1x256xf32, #tpu.memory_space<vmem>>, vector<1x1x256xf32>
    tpu.vector_store %arg8[%swap3A_43, %swap3A_44, %swap3A_45], %reshape3A {strides = array<i32>} : memref<1x1x256xf32, #tpu.memory_space<vmem>>, vector<1x1x256xf32>,
    return
  }
  func.func @transform_0(%arg0: i32) -> (i32, i32) {
    %c0_i32 = arith.constant 0 : i32
    %c0_i32_0 = arith.constant 0 : i32
    %c0_i32_1 = arith.constant 0 : i32
    return %c0_i32, %c0_i32_0 : i32, i32
  }
  func.func @transform_1(%arg0: i32) -> (i32, i32) {
    %c0_i32 = arith.constant 0 : i32
    %c0_i32_0 = arith.constant 0 : i32
    %c0_i32_1 = arith.constant 0 : i32
    return %c0_i32, %c0_i32_0 : i32, i32
  }
  func.func @transform_2(%arg0: i32) -> (i32, i32) {
    %c0_i32 = arith.constant 0 : i32
    %c0_i32_0 = arith.constant 0 : i32
    %c0_i32_1 = arith.constant 0 : i32
    return %c0_i32, %c0_i32_0 : i32, i32
  }
  func.func @transform_3(%arg0: i32) -> (i32, i32) {
    %c0_i32 = arith.constant 0 : i32
    %c0_i32_0 = arith.constant 0 : i32
    %c0_i32_1 = arith.constant 0 : i32
    return %c0_i32, %c0_i32_0 : i32, i32
  }
  func.func @transform_4(%arg0: i32) -> (i32, i32) {
    %c0_i32 = arith.constant 0 : i32
    %c0_i32_0 = arith.constant 0 : i32
    return %arg0, %c0_i32 : i32, i32
  }
  func.func @transform_5(%arg0: i32) -> (i32, i32) {
    %c0_i32 = arith.constant 0 : i32
    %c0_i32_0 = arith.constant 0 : i32
    return %arg0, %c0_i32 : i32, i32
  }
  func.func @transform_6(%arg0: i32) -> (i32, i32) {
    %c0_i32 = arith.constant 0 : i32
    %c0_i32_0 = arith.constant 0 : i32
    return %arg0, %c0_i32 : i32, i32
  }
  func.func @transform_7(%arg0: i32) -> (i32, i32, i32) {
    %c0_i32 = arith.constant 0 : i32
    %c0_i32_0 = arith.constant 0 : i32
    %c0_i32_1 = arith.constant 0 : i32
    return %arg0, %c0_i32, %c0_i32_0 : i32, i32, i32
  }
}

module attributes {stable_mosaic.version = 14 : i64} {
  func.func @_dest_body(%arg0: memref<256x256xf32, #tpu.memory_space<vmem>>, %arg1: memref<256x256xi32, #tpu.memory_space<vmem>>) attributes {dimension_semantics = [], scalar_prefetch = 0 : i64, scratch_operands = 0 : i64, tpu.core_type = #tpu.core_type<tc>} {
    %get3A = arith.constant 0 : index
    %get3A_0 = arith.constant 0 : index
    %get3A_1 = vector.load %arg0[%get3A, %get3A_0] : memref<256x256xf32, #tpu.memory_space<vmem>>, vector<256x256xf32>
    %iota3A = tpu.iota {dimensions = array<i32: 0>} : vector<256x256xi32>
    %convert_element_type3A = arith.sitofp %iota3A : vector<256x256xi32> to vector<256x256xf32>
    %iota3A_2 = tpu.iota {dimensions = array<i32: 1>} : vector<256x256xi32>
    %convert_element_type3A_3 = arith.sitofp %iota3A_2 : vector<256x256xi32> to vector<256x256xf32>
    %lt3A = arith.cmpf olt, %convert_element_type3A, %convert_element_type3A_3 : vector<256x256xf32>
    %convert_element_type3A_4 = arith.extui %lt3A : vector<256x256xi1> to vector<256x256xi32>
    %convert_element_type3A_5 = arith.sitofp %convert_element_type3A_4 : vector<256x256xi32> to vector<256x256xf32>
    %gt3A = arith.cmpf ogt, %convert_element_type3A, %convert_element_type3A_3 : vector<256x256xf32>
    %convert_element_type3A_6 = arith.extui %gt3A : vector<256x256xi1> to vector<256x256xi32>
    %convert_element_type3A_7 = arith.sitofp %convert_element_type3A_6 : vector<256x256xi32> to vector<256x256xf32>
    %reduce_sum3A = arith.constant dense<0.000000e+00> : vector<256xf32>
    %reduce_sum3A_8 = vector.multi_reduction <add>, %get3A_1, %reduce_sum3A [1] : vector<256x256xf32> to vector<256xf32>
    %broadcast_in_dim3A = vector.shape_cast %reduce_sum3A_8 : vector<256xf32> to vector<256x1xf32>
    %dot_general3A = arith.constant dense<0.000000e+00> : vector<256x1xf32>
    %dot_general3A_9 = tpu.matmul %convert_element_type3A_7, %broadcast_in_dim3A, %dot_general3A {dimension_numbers = #tpu.dot_dimension_numbers<[1], [0], [0], [1], [0, 0, 1, 1], [], []>, transpose_lhs_hint = false} : vector<256x256xf32>, vector<256x1xf32>, vector<256x1xf32> -> vector<256x1xf32>
    %dot_general3A_10 = arith.constant dense<0.000000e+00> : vector<256x256xf32>
    %dot_general3A_11 = tpu.matmul %get3A_1, %convert_element_type3A_5, %dot_general3A_10 {dimension_numbers = #tpu.dot_dimension_numbers<[1], [0], [0], [1], [0, 0, 1, 1], [], []>, transpose_lhs_hint = false} : vector<256x256xf32>, vector<256x256xf32>, vector<256x256xf32> -> vector<256x256xf32>
    %add3A = vector.broadcast %dot_general3A_9 : vector<256x1xf32> to vector<256x256xf32>
    %add3A_12 = arith.addf %dot_general3A_11, %add3A : vector<256x256xf32>
    %reduce_sum3A_13 = vector.shape_cast %get3A_1 : vector<256x256xf32> to vector<1x256x256xf32>
    %reduce_sum3A_14 = arith.constant dense<0.000000e+00> : vector<1xf32>
    %reduce_sum3A_15 = vector.multi_reduction <add>, %reduce_sum3A_13, %reduce_sum3A_14 [1, 2] : vector<1x256x256xf32> to vector<1xf32>
    %reduce_sum3A_16 = vector.shape_cast %reduce_sum3A_15 : vector<1xf32> to vector<1x1x1xf32>
    %reduce_sum3A_17 = vector.extract %reduce_sum3A_16[0, 0, 0] : f32 from vector<1x1x1xf32>
    %mul3A = arith.constant 2.560000e+02 : f32
    %mul3A_18 = vector.broadcast %mul3A : f32 to vector<256x256xf32>
    %mul3A_19 = arith.mulf %convert_element_type3A, %mul3A_18 : vector<256x256xf32>
    %add3A_20 = arith.addf %mul3A_19, %convert_element_type3A_3 : vector<256x256xf32>
    %gt3A_21 = arith.constant 5.000000e-01 : f32
    %gt3A_22 = vector.broadcast %gt3A_21 : f32 to vector<256x256xf32>
    %gt3A_23 = arith.cmpf ogt, %get3A_1, %gt3A_22 : vector<256x256xf32>
    %sub3A = arith.subf %add3A_20, %add3A_12 : vector<256x256xf32>
    %add3A_24 = vector.broadcast %reduce_sum3A_17 : f32 to vector<256x256xf32>
    %add3A_25 = arith.addf %add3A_24, %sub3A : vector<256x256xf32>
    %select_n3A = arith.select %gt3A_23, %add3A_12, %add3A_25 : vector<256x256xi1>, vector<256x256xf32>
    %convert_element_type3A_26 = arith.fptosi %select_n3A : vector<256x256xf32> to vector<256x256xi32>
    %swap3A = arith.constant 0 : index
    %swap3A_27 = arith.constant 0 : index
    %swap3A_28 = vector.load %arg1[%swap3A, %swap3A_27] : memref<256x256xi32, #tpu.memory_space<vmem>>, vector<256x256xi32>
    tpu.vector_store %arg1[%swap3A, %swap3A_27], %convert_element_type3A_26 {strides = array<i32>} : memref<256x256xi32, #tpu.memory_space<vmem>>, vector<256x256xi32>,
    return
  }
}

</mosaic_0001>

<sc_bundles>
// kernel: kernel.5.cloned.1.call-start
scs
__scs_entry_jumppad:
0x0: {  	(pc) =	sbr.rel $0x88, $3  }
0x1: {  	(tag) =	ssettag $0x0;
	lr =	simm.s32 $0x1  }
0x2: {  	[smem:$0x3F9A] =	sst lr;
	_ =	strace $0xD0000000  }
0x3: {  	_ = 	snop  }
0x4: {  	_ = 	snop  }
0x5: {  	_ = 	snop  }
0x6: {  	_ = 	snop  }
0x7: {  	_ = 	snop  }
__scs_overlays_trampoline_lowered:
0x8: {  	[smem:$0x3FA9] =	sst s0  }
0x9: {  	[smem:$0x3FAA] =	sst s1  }
0xa: {  	[smem:$0x3FAB] =	sst s2  }
0xb: {  	[smem:$0x3FAC] =	sst s3  }
0xc: {  	[smem:$0x3FAD] =	sst s4  }
0xd: {  	[smem:$0x3FAE] =	sst s5  }
0xe: {  	[smem:$0x3FAF] =	sst s6  }
0xf: {  	[smem:$0x3FB0] =	sst s7  }
0x10: {  	[smem:$0x3FB1] =	sst s8  }
0x11: {  	[smem:$0x3FB2] =	sst s9;
	s0 =	simm.s32 @!p0 $0x0  }
0x12: {  	s1 =	sld [smem:$0x3F98];
	s0 =	simm.s32 @p0 $0x1  }
0x13: {  	[smem:$0x3FB3] =	sst s0;
	s0 =	simm.s32 @!p1 $0x0  }
0x14: {  	s2 =	sld [smem:$0x3F97];
	s0 =	simm.s32 @p1 $0x1  }
0x15: {  	[smem:$0x3FB4] =	sst s0;
	s0 =	simm.s32 @!p2 $0x0  }
0x16: {  	s3 =	sld [smem:$0x3FDB];
	s0 =	simm.s32 @p2 $0x1  }
0x17: {  	s4 =	simm.s32 $0x1BF5;
	[smem:$0x3FB6] =	sst s0  }
0x18: {  	s0 =	sld [smem:$0x3F99];
	_ =	swait.ge [sflag:s4], $0x0  }
0x19: {  	s7 =	sld [smem:$0x3F9A]  }
0x1a: {  	s8 =	sadd.s32 $0xFFFFE003, lr  }
0x1b: {  	s9 =	sadd.s32 $0xFFFFFEF7, lr;
	s5 =	simm.s32 $0xFFFFFFFF;
	p2 =	slt.u32 s8, $0xFFFFF086  }
0x1c: {  	p1 =	slt.u32 s9, $0xF7A;
	s5 =	simm.s32 @!p2 $0x0  }
0x1d: {  	s5 =	simm.s32 @p1 $0x1;
	p0 =	seq.s32 s7, s2  }
0x1e: {  	s7 =	smul.u32 @!p0 $0xF7A, s2;
	p2 =	seq.s32 @!p0 s5, $0x0  }
0x1f: {  	s9 =	smul.u32 $0xF7A, s1;
	s8 =	simm.s32 @!p0 $0x1BF5;
	p2 =	por !p2, p0  }
0x20: {  	[sflag:s8] =	ssyncset.s32 @!p0 $0xFFFFF086;
	s6 =	sadd.s32 @!p0 s3, s7;
	s7 =	simm.s32 @!p0 $0x108  }
0x21: {  	s3 =	sadd.s32 s3, s9;
	s6 =	sadd.s32 @!p0 $0x88, s6;
	s7 =	simm.s32 @p2 $0x1082  }
0x22: {  	[simem:s7], [sflag:s8] =	dma.local @!p0 [hbm:s6], $0xF7A  }
0x23: {  	s9 =	sor.u32 $0xD0000000, s2;
	s6 =	simm.s32 $0x108;
	_ =	swait.ge @!p0 [sflag:s8], $0x0  }
0x24: {  	s3 =	sadd.s32 $0x88, s3;
	s6 =	simm.s32 @!p1 $0x1082;
	[sflag:s4] =	ssyncset.s32 $0xFFFFF086  }
0x25: {  	[simem:s6], [sflag:s4] =	dma.local [hbm:s3], $0xF7A  }
0x26: {  	[smem:$0x3F9A] =	sst s1;
	(tag) =	ssettag s2;
	_ =	strace s9  }
0x27: {  	s1 =	sld [smem:$0x3FAA]  }
0x28: {  	s2 =	sld [smem:$0x3FAB]  }
0x29: {  	s4 =	sld [smem:$0x3FAD]  }
0x2a: {  	p0 =	seq.s32 s5, $0x0;
	s5 =	sld [smem:$0x3FAE]  }
0x2b: {  	s6 =	sld [smem:$0x3FAF]  }
0x2c: {  	s7 =	sld [smem:$0x3FB0]  }
0x2d: {  	s3 =	simm.s32 $0x108;
	s8 =	sld [smem:$0x3FB1]  }
0x2e: {  	s3 =	simm.s32 @!p0 $0x1082;
	s9 =	sld [smem:$0x3FB2]  }
0x2f: {  	lr =	sadd.s32 s0, s3;
	s0 =	sld [smem:$0x3FA9]  }
0x30: {  	s3 =	sld [smem:$0x3FAC]  }
0x31: {  	[smem:$0x3FB5] =	sst s10  }
0x32: {  	s10 =	sld [smem:$0x3FB3];
	_ =	sdelay $0x3  }
0x33: {  	p0 =	seq.s32 s10, $0x1;
	s10 =	sld [smem:$0x3FB5];
	_ =	sdelay $0x3  }
0x34: {  	[smem:$0x3FB5] =	sst s10  }
0x35: {  	s10 =	sld [smem:$0x3FB4];
	_ =	sdelay $0x3  }
0x36: {  	p1 =	seq.s32 s10, $0x1;
	s10 =	sld [smem:$0x3FB5];
	_ =	sdelay $0x3  }
0x37: {  	[smem:$0x3FB5] =	sst s10  }
0x38: {  	s10 =	sld [smem:$0x3FB6]  }
0x39: {  	_ = 	snop;
	(pc) =	sbr.ind lr, $3  }
0x3a: {  	_ = 	snop  }
0x3b: {  	_ = 	snop  }
0x3c: {  	p2 =	seq.s32 s10, $0x1;
	s10 =	sld [smem:$0x3FB5]  }
0x3d: {  	_ =	shalt  }
0x3e: {  	_ =	shalt  }
0x3f: {  	_ =	shalt  }
0x40: {  	_ =	shalt  }
0x41: {  	_ =	shalt  }
0x42: {  	_ =	shalt  }
0x43: {  	_ =	shalt  }
0x44: {  	_ =	shalt  }
0x45: {  	_ =	shalt  }
0x46: {  	_ =	shalt  }
0x47: {  	_ =	shalt  }
0x48: {  	_ =	shalt  }
0x49: {  	_ =	shalt  }
0x4a: {  	_ =	shalt  }
0x4b: {  	_ =	shalt  }
0x4c: {  	_ =	shalt  }
0x4d: {  	_ =	shalt  }
0x4e: {  	_ =	shalt  }
0x4f: {  	_ =	shalt  }
0x50: {  	_ =	shalt  }
0x51: {  	_ =	shalt  }
0x52: {  	_ =	shalt  }
0x53: {  	_ =	shalt  }
0x54: {  	_ =	shalt  }
0x55: {  	_ =	shalt  }
0x56: {  	_ =	shalt  }
0x57: {  	_ =	shalt  }
0x58: {  	_ =	shalt  }
0x59: {  	_ =	shalt  }
0x5a: {  	_ =	shalt  }
0x5b: {  	_ =	shalt  }
0x5c: {  	_ =	shalt  }
0x5d: {  	_ =	shalt  }
0x5e: {  	_ =	shalt  }
0x5f: {  	_ =	shalt  }
0x60: {  	_ =	shalt  }
0x61: {  	_ =	shalt  }
0x62: {  	_ =	shalt  }
0x63: {  	_ =	shalt  }
0x64: {  	_ =	shalt  }
0x65: {  	_ =	shalt  }
0x66: {  	_ =	shalt  }
0x67: {  	_ =	shalt  }
0x68: {  	_ =	shalt  }
0x69: {  	_ =	shalt  }
0x6a: {  	_ =	shalt  }
0x6b: {  	_ =	shalt  }
0x6c: {  	_ =	shalt  }
0x6d: {  	_ =	shalt  }
0x6e: {  	_ =	shalt  }
0x6f: {  	_ =	shalt  }
0x70: {  	_ =	shalt  }
0x71: {  	_ =	shalt  }
0x72: {  	_ =	shalt  }
0x73: {  	_ =	shalt  }
0x74: {  	_ =	shalt  }
0x75: {  	_ =	shalt  }
0x76: {  	_ =	shalt  }
0x77: {  	_ =	shalt  }
0x78: {  	_ =	shalt  }
0x79: {  	_ =	shalt  }
0x7a: {  	_ =	shalt  }
0x7b: {  	_ =	shalt  }
0x7c: {  	_ =	shalt  }
0x7d: {  	_ =	shalt  }
0x7e: {  	_ =	shalt  }
0x7f: {  	_ =	shalt  }
0x80: {  	_ =	shalt  }
0x81: {  	_ =	shalt  }
0x82: {  	_ =	shalt  }
0x83: {  	_ =	shalt  }
0x84: {  	_ =	shalt  }
0x85: {  	_ =	shalt  }
0x86: {  	_ =	shalt  }
0x87: {  	_ =	shalt  }
.Lfunc_end0:
.L_simem_size_0:
called_computation_lowered:
.L_overlay_start_0:
0x88: {  	s2 =	sld [smem:$0x3FD9]  }
0x89: {  	s3 =	sld [smem:$0x3FFE];
	_ =	sdelay $0x1  }
0x8a: {  	s1 =	srdreg.scid  }
0x8b: {  	s0 =	sand.u32 $0x1, s1  }
0x8c: {  	s14 =	sshll.u32 s0, $0xA;
	s2 =	sadd.s32 s3, s2  }
0x8d: {  	s2 =	sadd.s32 s2, s14  }
0x8e: {  	[smem:$0x3FC1] =	sst s2  }
0x8f: {  	_ = 	snop  }
0x90: {  	s2 =	sld [smem:$0x3FD0];
	_ =	sdelay $0x1  }
0x91: {  	s15 =	sld [smem:$0x3FC9]  }
0x92: {  	s5 =	simm.s32 $0xA;
	s6 =	simm.s32 $0x10;
	s4 =	sld [smem:$0x3FC8]  }
0x93: {  	[smem:s6], [sflag:s5] =	dma.local [hbm:s2], $0x1  }
0x94: {  	_ =	swait.eq [sflag:s5], $0x1  }
0x95: {  	[sflag:s5] =	ssyncset.done $0x0  }
0x96: {  	s16 =	sld [smem:$0x10];
	[sflag:s5] =	ssyncadd.s32 $0xFFFFFFFF  }
0x97: {  	s17 =	sld [smem:$0x11];
	(tm) =	ssettm $0x1  }
0x98: {  	s18 =	sld [smem:$0x3FFB];
	_ =	sdelay $0x3  }
0x99: {  	_ =	strace s18  }
0x9a: {  	s6 =	sld [smem:$0x3FFC];
	_ =	sdelay $0x3  }
0x9b: {  	_ =	strace s6  }
0x9c: {  	s6 =	sld [smem:$0x3FFD];
	_ =	sdelay $0x3  }
0x9d: {  	_ =	strace s6  }
0x9e: {  	_ =	strace $0x8FFFFFFF  }
0x9f: {  	s19 =	sld [smem:$0x3FDB];
	_ =	sdelay $0x1  }
0xa0: {  	s7 =	simm.s32 $_scs_section_size  }
0xa1: {  	s8 =	simm.s32 $_size__tile_overlayer_lowered;
	s9 =	simm.s32 $_tile_overlayer_lowered  }
0xa2: {  	s22 =	simm.s32 $0x1BFF;
	s21 =	sshll.u32 s9, $0x1;
	s6 =	sadd.s32 s7, s19  }
0xa3: {  	s10 =	simm.s32 $0x0;
	s20 =	sshll.u32 s8, $0x1;
	s8 =	sadd.s32 s21, s6  }
0xa4: {  	[timem:s10], [sflag:s22] =	dma.local [hbm:s8], s20  }
0xa5: {  	_ =	swait.ge [sflag:s22], s20  }
0xa6: {  	s7 =	ssub.s32 $0x0, s20;
	[sflag:s22] =	ssyncset.done $0x0  }
0xa7: {  	[sflag:s22] =	ssyncadd.s32 s7;
	_ =	sdelay $0x1  }
0xa8: {  	s23 =	simm.s32 $0x1B8B  }
0xa9: {  	_ =	swait.ge [sflag:s23], $0x1  }
0xaa: {  	[sflag:s23] =	ssyncset.done $0x0  }
0xab: {  	s25 =	simm.s32 $0x1B8E;
	s24 =	sld [smem:$0x3FFE];
	[sflag:s23] =	ssyncadd.s32 $0xFFFFFFFF  }
0xac: {  	s26 =	simm.s32 $execute0_lowered;
	[smem:$0x3FD2] =	sst s25  }
0xad: {  	s8 =	sshll.u32 s26, $0x1;
	_ =	strace $0x80000046;
	[dreg:$0x1] =	wrdreg $0xFFFFFFFF  }
0xae: {  	s28 =	simm.s32 $_size_execute0_lowered;
	s6 =	sadd.s32 s6, s8;
	[dreg:$0x0] =	wrdreg $0x0  }
0xaf: {  	s8 =	sshll.u32 s28, $0x1;
	[dreg:$0x2] =	wrdreg s6  }
0xb0: {  	[dreg:$0x3] =	wrdreg s8  }
0xb1: {  	[dreg:$0x4] =	wrdreg $0xC0  }
0xb2: {  	_ =	task [dreg:s10], $0x5FFFF  }
0xb3: {  	[dreg:$0x1] =	wrdreg $0xFFFFFFFF  }
0xb4: {  	[dreg:$0x0] =	wrdreg $0x60  }
0xb5: {  	[dreg:$0x2] =	wrdreg s15  }
0xb6: {  	[dreg:$0x3] =	wrdreg s24  }
0xb7: {  	[dreg:$0x4] =	wrdreg s4  }
0xb8: {  	[dreg:$0x5] =	wrdreg s16  }
0xb9: {  	[dreg:$0x6] =	wrdreg s17  }
0xba: {  	[dreg:$0x7] =	wrdreg $0x9  }
0xbb: {  	_ =	task.clear_ibuf [dreg:s10], $0x8FFFF;
	_ =	strace $0x90000046  }
0xbc: {  	s29 =	simm.s32 $0x9;
	_ =	strace $0x80000048  }
0xbd: {  	_ =	swait.ge [sflag:s29], $0x1  }
0xbe: {  	[sflag:s29] =	ssyncadd.s32 $0xFFFFFFFF  }
0xbf: {  	_ =	strace $0x90000048  }
0xc0: {  	_ =	sfence  }
0xc1: {  	s30 =	sld [smem:$0x0];
	_ =	sdelay $0x2  }
0xc2: {  	s31 =	sshll.u32 s1, $0xD;
	s1 =	sshrl.u32 s1, $0x2  }
0xc3: {  	s3 =	sand.u32 $0x4000, s31;
	s1 =	sadd.s32 s1, s30  }
0xc4: {  	s0 =	sor.u32 s3, s0;
	s1 =	sshll.u32 s1, $0x11  }
0xc5: {  	s0 =	sor.u32 s1, s0  }
0xc6: {  	s0 =	sadd.s32 $0x8F2B, s0  }
0xc7: {  	[sflag:s0] =	ssyncadd.remote.s32 $0x1  }
0xc8: {  	_ =	sfence.sel $0xFFFF  }
0xc9: {  	[dreg:$0x0] =	wrdreg $0xFFFFFFFF;
	(pc) =	sbr.abs _section_cstart, $3  }
0xca: {  	[dreg:$0x1] =	wrdreg $0xFFFFFFFF  }
0xcb: {  	_ =	task.clear_ibuf [dreg:s10], $0x2FFFF;
	_ =	strace $0x9FFFFFFF  }
0xcc: {  	(tm) =	ssettm $0x7FFFFFFF  }
0xcd: {  	_ =	shalt  }
tec
execute0_lowered:
.L_overlay_start_1:
0x0: {  	(tag) =	ssettag $0x1  }
0x1: {  	s1 =	rddreg [dreg:$0x0]  }
0x2: {  	s0 =	rddreg [dreg:$0x1]  }
0x3: {  	s2 =	rddreg [dreg:$0x2]  }
0x4: {  	s3 =	rddreg [dreg:$0x3]  }
0x5: {  	s4 =	rddreg [dreg:$0x4];
	s5 =	simm.s32 $0x0;
	s6 =	srdreg.scid  }
0x6: {  	s8 =	stileid.u32;
	s20 =	simm.s32 $0x12000;
	s21 =	simm.s32 $0x12100  }
0x7: {  	s22 =	simm.s32 $0x1;
	s19 =	simm.s32 $0x20;
	s23 =	simm.s32 $0x8000  }
0x8: {  	s24 =	simm.s32 $0x12080;
	[smem:$0x7FF] =	sst s5;
	s6 =	sand.u32 $0x1, s6  }
0x9: {  	s7 =	sadd.s32 $0xE00, s0;
	s11 =	sshll.u32 s8, $0xC;
	s8 =	sadd.s32 $0x100E00, s0  }
0xa: {  	s13 =	sadd.s32 $0x100, s3;
	s14 =	sadd.s32 $0x200, s3;
	s9 =	ssub.s32 $0x2, s6  }
0xb: {  	s15 =	sadd.s32 $0x300, s3;
	s6 =	sshll.u32 s6, $0xB;
	s10 =	sshrl.u32 s9, $0x1  }
0xc: {  	_ =	strace $0x80000047;
	s6 =	sor.u32 s6, s11;
	s25 =	ssub.s32 s9, s10  }
0xd: {  	s26 =	sshll.u32 s6, $0x7;
	s28 =	sshll.u32 s6, $0x4;
	s11 =	sshrl.u32 s6, $0x3  }
0xe: {  	s16 =	sor.u32 $0x40, s6;
	s18 =	sor.u32 $0x20, s6;
	s9 =	sadd.s32 s1, s26  }
.Ltmp0:
0xf: {  	s29 =	sadd.s32 s7, s28;
	[dreg:$0x6] =	wrdreg s9;
	(pc) =	sbr.rel .LBB2_1-.Ltmp0, $4  }
0x10: {  	s6 =	simm.s32 $0x5;
	s30 =	sadd.s32 s8, s11;
	[dreg:$0x7] =	wrdreg s29  }
0x11: {  	v2 =	vlaneseq.u32;
	s31 =	sadd.s32 s2, s11;
	s0 =	smax.u32 s25, $0x1;
	[dreg:$0x8] =	wrdreg s30  }
0x12: {  	vm0 =	vmmov $0xffff;
	v1 =	vshrl.u32 v2, $0x3;
	s25 =	simm.s32 $0x12180;
	s26 =	simm.s32 $0x2;
	[dreg:$0x9] =	wrdreg s31  }
0x13: {  	v0 =	vand.u32 $0x7, v2;
	v2 =	vor.u32 $0x8, v2;
	v1 =	vmul.u32 $0x8, v1;
	s11 =	simm.s32 $0x0;
	[dreg:$0xa] =	wrdreg s0;
	s0 =	simm.s32 $0x3  }
.LBB2_8:
0x14: {  	s9 =	simm.s32 $0x4  }
0x15: {  	_ =	swait.ge [sflag:s9], $0x8000  }
0x16: {  	[sflag:s9] =	ssyncset.done $0x0  }
0x17: {  	s10 =	simm.s32 $0x6;
	[sflag:s9] =	ssyncadd.s32 $0xFFFF8000  }
0x18: {  	_ =	swait.ge [sflag:s10], $0x20  }
0x19: {  	s11 =	rddreg [dreg:$0xb]  }
0x1a: {  	s31 =	rddreg [dreg:$0xa];
	s11 =	sadd.s32 $0x1, s11  }
0x1b: {  	p0 =	sne.s32 s11, s31  }
.Ltmp1:
0x1c: {  	_ = 	snop;
	(pc) =	sbr.rel @!p0 .LBB2_9-.Ltmp1, $3  }
0x1d: {  	_ =	sdelay $0x1  }
0x1e: {  	[sflag:s10] =	ssyncset.done $0x0  }
0x1f: {  	[sflag:s10] =	ssyncadd.s32 $0xFFFFFFE0  }
.LBB2_1:
0x20: {  	[dreg:$0xb] =	wrdreg s11  }
0x21: {  	s9 =	rddreg [dreg:$0x6]  }
0x22: {  	[tilespmem:s5], [sflag:$0x1] =	stream.linear.gather [hbm4b:s9+s5], $0x8000, $0x38;
	[tilespmem:$0x12200] =	vst v63  }
0x23: {  	s29 =	rddreg [dreg:$0x7];
	s10 =	simm.s32 $0x10000  }
0x24: {  	[tilespmem:s10], [sflag:$0x1] =	stream.linear.gather [hbm4b:s29+s5], $0x1000, $0x38;
	[tilespmem:$0x12200] =	vst v63  }
0x25: {  	s30 =	rddreg [dreg:$0x8]  }
0x26: {  	[tilespmem:s20], [sflag:$0x1] =	stream.linear.gather [hbm4b:s30+s5], $0x20, $0x38;
	[tilespmem:$0x12200] =	vst v63  }
0x27: {  	s31 =	rddreg [dreg:$0x9];
	s9 =	simm.s32 $0x0  }
0x28: {  	[tilespmem:s21], [sflag:$0x1] =	stream.linear.gather [hbm4b:s31+s5], $0x20, $0x38;
	[tilespmem:$0x12200] =	vst v63  }
.LBB2_2:
0x29: {  	_ =	swait.ge [sflag:s22], $0x8000  }
0x2a: {  	[sflag:s22] =	ssyncset.done $0x0  }
0x2b: {  	[sflag:s22] =	ssyncadd.s32 $0xFFFF8000  }
0x2c: {  	_ =	swait.ge [sflag:s22], $0x1000  }
0x2d: {  	[sflag:s22] =	ssyncset.done $0x0  }
0x2e: {  	[sflag:s22] =	ssyncadd.s32 $0xFFFFF000  }
0x2f: {  	_ =	swait.ge [sflag:s22], $0x20  }
0x30: {  	[sflag:s22] =	ssyncset.done $0x0  }
0x31: {  	[sflag:s22] =	ssyncadd.s32 $0xFFFFFFE0  }
0x32: {  	s10 =	simm.s32 $0x0;
	_ =	swait.ge [sflag:s22], $0x20  }
0x33: {  	s11 =	simm.s32 $0xFFFF8000;
	s12 =	simm.s32 $0x10000;
	[sflag:s22] =	ssyncset.done $0x0  }
0x34: {  	s17 =	simm.s32 $0x0;
	s28 =	simm.s32 $0x0;
	[sflag:s22] =	ssyncadd.s32 $0xFFFFFFE0  }
.LBB2_3:
0x35: {  	v3 =	vld [tilespmem:s12+$0x0];
	_ =	sdelay $0x4  }
0x36: {  	(erf) = vrcp.f32 v3;
	_ =	sdelay $0x1  }
0x37: {  	s29 =	sadd.s32 $0x8000, s11  }
0x38: {  	s30 =	sand.u32 $0x380, s28;
	s29 =	sand.u32 $0x6000, s29  }
0x39: {  	s29 =	sor.u32 s30, s29  }
0x3a: {  	v4 =	vld [tilespmem:s29+$0x0]  }
0x3b: {  	v5 =	vld [tilespmem:s29+$0x10]  }
0x3c: {  	v6 =	vld [tilespmem:s29+$0x20]  }
0x3d: {  	v7 =	vld [tilespmem:s29+$0x30]  }
0x3e: {  	v8 =	vld [tilespmem:s29+$0x50];
	v3 =	vpop (erf)  }
0x3f: {  	v9 =	vld [tilespmem:s29+$0x60];
	v4 =	vmul.f32 v3, v4  }
0x40: {  	v10 =	vld [tilespmem:s29+$0x70];
	v5 =	vmul.f32 v5, v3  }
0x41: {  	v19 =	vld [tilespmem:s29+$0x400];
	v18 =	vmul.f32 v6, v3;
	[tilespmem:s29+$0x0] =	vst v4  }
0x42: {  	v21 =	vld [tilespmem:s29+$0x410];
	v20 =	vmul.f32 v7, v3;
	[tilespmem:s29+$0x10] =	vst v5  }
0x43: {  	v23 =	vld [tilespmem:s29+$0x420];
	v22 =	vmul.f32 v8, v3;
	[tilespmem:s29+$0x20] =	vst v18  }
0x44: {  	v25 =	vld [tilespmem:s29+$0x430];
	v24 =	vmul.f32 v9, v3;
	[tilespmem:s29+$0x30] =	vst v20  }
0x45: {  	v27 =	vld [tilespmem:s29+$0x450];
	v26 =	vmul.f32 v10, v3;
	[tilespmem:s29+$0x50] =	vst v22  }
0x46: {  	v29 =	vld [tilespmem:s29+$0x460];
	v28 =	vmul.f32 v19, v3;
	[tilespmem:s29+$0x60] =	vst v24  }
0x47: {  	v31 =	vld [tilespmem:s29+$0x470];
	v30 =	vmul.f32 v21, v3;
	[tilespmem:s29+$0x70] =	vst v26  }
0x48: {  	v33 =	vld [tilespmem:s29+$0x800];
	v32 =	vmul.f32 v23, v3;
	[tilespmem:s29+$0x400] =	vst v28  }
0x49: {  	v35 =	vld [tilespmem:s29+$0x810];
	v34 =	vmul.f32 v25, v3;
	[tilespmem:s29+$0x410] =	vst v30  }
0x4a: {  	v37 =	vld [tilespmem:s29+$0x820];
	v36 =	vmul.f32 v27, v3;
	[tilespmem:s29+$0x420] =	vst v32  }
0x4b: {  	v39 =	vld [tilespmem:s29+$0x830];
	v38 =	vmul.f32 v29, v3;
	[tilespmem:s29+$0x430] =	vst v34  }
0x4c: {  	v41 =	vld [tilespmem:s29+$0x850];
	v40 =	vmul.f32 v31, v3;
	[tilespmem:s29+$0x450] =	vst v36  }
0x4d: {  	v43 =	vld [tilespmem:s29+$0x860];
	v42 =	vmul.f32 v33, v3;
	[tilespmem:s29+$0x460] =	vst v38  }
0x4e: {  	v45 =	vld [tilespmem:s29+$0x870];
	v44 =	vmul.f32 v35, v3;
	[tilespmem:s29+$0x470] =	vst v40  }
0x4f: {  	v47 =	vld [tilespmem:s29+$0xC00];
	v46 =	vmul.f32 v37, v3;
	[tilespmem:s29+$0x800] =	vst v42  }
0x50: {  	v49 =	vld [tilespmem:s29+$0xC10];
	v48 =	vmul.f32 v39, v3;
	[tilespmem:s29+$0x810] =	vst v44  }
0x51: {  	v51 =	vld [tilespmem:s29+$0xC20];
	v50 =	vmul.f32 v41, v3;
	[tilespmem:s29+$0x820] =	vst v46  }
0x52: {  	v53 =	vld [tilespmem:s29+$0xC30];
	v52 =	vmul.f32 v43, v3;
	[tilespmem:s29+$0x830] =	vst v48  }
0x53: {  	v55 =	vld [tilespmem:s29+$0xC50];
	v54 =	vmul.f32 v45, v3;
	[tilespmem:s29+$0x850] =	vst v50  }
0x54: {  	v57 =	vld [tilespmem:s29+$0xC60];
	v56 =	vmul.f32 v47, v3;
	[tilespmem:s29+$0x860] =	vst v52  }
0x55: {  	v59 =	vld [tilespmem:s29+$0xC70];
	v58 =	vmul.f32 v49, v3;
	[tilespmem:s29+$0x870] =	vst v54  }
0x56: {  	v61 =	vld [tilespmem:s29+$0x1000];
	v60 =	vmul.f32 v51, v3;
	[tilespmem:s29+$0xC00] =	vst v56  }
0x57: {  	v63 =	vld [tilespmem:s29+$0x1010];
	v62 =	vmul.f32 v53, v3;
	[tilespmem:s29+$0xC10] =	vst v58  }
0x58: {  	v13 =	vld [tilespmem:s29+$0x1020];
	v12 =	vmul.f32 v55, v3;
	[tilespmem:s29+$0xC20] =	vst v60  }
0x59: {  	v15 =	vld [tilespmem:s29+$0x1030];
	v14 =	vmul.f32 v57, v3;
	[tilespmem:s29+$0xC30] =	vst v62  }
0x5a: {  	v17 =	vld [tilespmem:s29+$0x1050];
	v16 =	vmul.f32 v59, v3;
	[tilespmem:s29+$0xC50] =	vst v12  }
0x5b: {  	v19 =	vld [tilespmem:s29+$0x1060];
	[tilespmem:s29+$0xC60] =	vst v14;
	v18 =	vmul.f32 v61, v3  }
0x5c: {  	v21 =	vld [tilespmem:s29+$0x1070];
	[tilespmem:s29+$0xC70] =	vst v16;
	v20 =	vmul.f32 v63, v3  }
0x5d: {  	v23 =	vld [tilespmem:s29+$0x1400];
	v22 =	vmul.f32 v13, v3;
	[tilespmem:s29+$0x1000] =	vst v18  }
0x5e: {  	v25 =	vld [tilespmem:s29+$0x1410];
	v24 =	vmul.f32 v15, v3;
	[tilespmem:s29+$0x1010] =	vst v20  }
0x5f: {  	v27 =	vld [tilespmem:s29+$0x1420];
	v26 =	vmul.f32 v17, v3;
	[tilespmem:s29+$0x1020] =	vst v22  }
0x60: {  	v29 =	vld [tilespmem:s29+$0x1430];
	[tilespmem:s29+$0x1030] =	vst v24;
	v28 =	vmul.f32 v19, v3  }
0x61: {  	v31 =	vld [tilespmem:s29+$0x1450];
	[tilespmem:s29+$0x1050] =	vst v26;
	v30 =	vmul.f32 v21, v3  }
0x62: {  	v33 =	vld [tilespmem:s29+$0x1460];
	v32 =	vmul.f32 v23, v3;
	[tilespmem:s29+$0x1060] =	vst v28  }
0x63: {  	v35 =	vld [tilespmem:s29+$0x1470];
	v34 =	vmul.f32 v25, v3;
	[tilespmem:s29+$0x1070] =	vst v30  }
0x64: {  	v37 =	vld [tilespmem:s29+$0x1800];
	v36 =	vmul.f32 v27, v3;
	[tilespmem:s29+$0x1400] =	vst v32  }
0x65: {  	v39 =	vld [tilespmem:s29+$0x1810];
	v38 =	vmul.f32 v29, v3;
	[tilespmem:s29+$0x1410] =	vst v34  }
0x66: {  	v41 =	vld [tilespmem:s29+$0x1820];
	v40 =	vmul.f32 v31, v3;
	[tilespmem:s29+$0x1420] =	vst v36  }
0x67: {  	v43 =	vld [tilespmem:s29+$0x1830];
	v42 =	vmul.f32 v33, v3;
	[tilespmem:s29+$0x1430] =	vst v38  }
0x68: {  	v45 =	vld [tilespmem:s29+$0x1850];
	v44 =	vmul.f32 v35, v3;
	[tilespmem:s29+$0x1450] =	vst v40  }
0x69: {  	v47 =	vld [tilespmem:s29+$0x1860];
	v46 =	vmul.f32 v37, v3;
	[tilespmem:s29+$0x1460] =	vst v42  }
0x6a: {  	v49 =	vld [tilespmem:s29+$0x1870];
	v48 =	vmul.f32 v39, v3;
	[tilespmem:s29+$0x1470] =	vst v44  }
0x6b: {  	v51 =	vld [tilespmem:s29+$0x440];
	v8 =	vmul.f32 v41, v3;
	[tilespmem:s29+$0x1800] =	vst v46  }
0x6c: {  	v53 =	vld [tilespmem:s29+$0xC40];
	v9 =	vmul.f32 v43, v3;
	[tilespmem:s29+$0x1810] =	vst v48  }
0x6d: {  	v55 =	vld [tilespmem:s29+$0x1440];
	v10 =	vmul.f32 v45, v3;
	[tilespmem:s29+$0x1820] =	vst v8  }
0x6e: {  	s31 =	sand.u32 $0x7, s10;
	v50 =	vld [tilespmem:s29+$0x40];
	v6 =	vmul.f32 v47, v3;
	[tilespmem:s29+$0x1830] =	vst v9  }
0x6f: {  	s30 =	sshll.u32 s31, $0x7;
	v52 =	vld [tilespmem:s29+$0x840];
	v7 =	vmul.f32 v49, v3;
	[tilespmem:s29+$0x1850] =	vst v10  }
0x70: {  	s30 =	sadd.s32 s30, s17;
	v54 =	vld [tilespmem:s29+$0x1040];
	v5 =	vmul.f32 v51, v3;
	[tilespmem:s29+$0x1860] =	vst v6  }
0x71: {  	s31 =	sor.u32 $0x1C00, s30;
	v56 =	vld [tilespmem:s29+$0x1840];
	v59 =	vmul.f32 v53, v3;
	[tilespmem:s29+$0x1870] =	vst v7  }
0x72: {  	v61 =	vmul.f32 v55, v3;
	[tilespmem:s29+$0x440] =	vst v5;
	v58 =	vld [tilespmem:s31+$0x0]  }
0x73: {  	v4 =	vmul.f32 v50, v3;
	[tilespmem:s29+$0xC40] =	vst v59  }
0x74: {  	v57 =	vmul.f32 v52, v3;
	[tilespmem:s29+$0x1440] =	vst v61  }
0x75: {  	v60 =	vmul.f32 v54, v3;
	[tilespmem:s29+$0x40] =	vst v4  }
0x76: {  	v62 =	vmul.f32 v56, v3;
	[tilespmem:s29+$0x840] =	vst v57  }
0x77: {  	[tilespmem:s29+$0x1040] =	vst v60;
	v63 =	vmul.f32 v58, v3  }
0x78: {  	[tilespmem:s29+$0x1840] =	vst v62  }
0x79: {  	[tilespmem:s31+$0x0] =	vst v63;
	s31 =	sor.u32 $0x1C10, s30  }
0x7a: {  	v4 =	vld [tilespmem:s31+$0x0];
	_ =	sdelay $0x4  }
0x7b: {  	v4 =	vmul.f32 v4, v3;
	_ =	sdelay $0x1  }
0x7c: {  	[tilespmem:s31+$0x0] =	vst v4;
	s31 =	sor.u32 $0x1C20, s30  }
0x7d: {  	v4 =	vld [tilespmem:s31+$0x0];
	_ =	sdelay $0x4  }
0x7e: {  	v4 =	vmul.f32 v4, v3;
	_ =	sdelay $0x1  }
0x7f: {  	[tilespmem:s31+$0x0] =	vst v4;
	s31 =	sor.u32 $0x1C30, s30  }
0x80: {  	v4 =	vld [tilespmem:s31+$0x0];
	_ =	sdelay $0x4  }
0x81: {  	v4 =	vmul.f32 v4, v3;
	_ =	sdelay $0x1  }
0x82: {  	[tilespmem:s31+$0x0] =	vst v4;
	s31 =	sor.u32 $0x1C40, s30  }
0x83: {  	v4 =	vld [tilespmem:s31+$0x0];
	_ =	sdelay $0x4  }
0x84: {  	v4 =	vmul.f32 v4, v3;
	_ =	sdelay $0x1  }
0x85: {  	[tilespmem:s31+$0x0] =	vst v4;
	s31 =	sor.u32 $0x1C50, s30  }
0x86: {  	v4 =	vld [tilespmem:s31+$0x0];
	_ =	sdelay $0x4  }
0x87: {  	v4 =	vmul.f32 v4, v3;
	_ =	sdelay $0x1  }
0x88: {  	[tilespmem:s31+$0x0] =	vst v4;
	s31 =	sor.u32 $0x1C60, s30  }
0x89: {  	v4 =	vld [tilespmem:s31+$0x0];
	_ =	sdelay $0x4  }
0x8a: {  	v4 =	vmul.f32 v4, v3;
	_ =	sdelay $0x1  }
0x8b: {  	[tilespmem:s31+$0x0] =	vst v4;
	s31 =	sor.u32 $0x1C70, s30  }
0x8c: {  	v4 =	vld [tilespmem:s31+$0x0];
	_ =	sdelay $0x1  }
0x8d: {  	p0 =	sne.s32 s28, $0xF80  }
.Ltmp2:
0x8e: {  	_ = 	snop;
	(pc) =	sbr.rel @p0 .LBB2_3-.Ltmp2, $4  }
0x8f: {  	_ = 	snop  }
0x90: {  	v3 =	vmul.f32 v4, v3  }
0x91: {  	s10 =	sadd.s32 $0x1, s10;
	s11 =	sadd.s32 $0x400, s11  }
0x92: {  	s12 =	sadd.s32 $0x80, s12;
	s28 =	sadd.s32 $0x80, s28;
	s17 =	sadd.s32 $0x400, s17;
	[tilespmem:s31+$0x0] =	vst v3  }
0x93: {  	v3 =	vld [tilespmem:$0x12000];
	_ =	sdelay $0x4  }
0x94: {  	v4 =	vshll.u32 v3, $0x3  }
0x95: {  	v3 =	vand.u32 $0x7, v3;
	v4 =	vand.u32 $0xFFFFFFC0, v4  }
0x96: {  	v3 =	vor.u32 v3, v4  }
0x97: {  	v4 =	vperm.xlane v3, v0;
	_ =	sdelay $0x1  }
0x98: {  	v4 =	vadd.s32 v1, v4;
	_ =	sdelay $0x4  }
0x99: {  	[hbm4b:s3+s5] =	stream.indirect_vreg.scatter [tilespmem:s5], [sflag:$0x3], $0x80, v4, vm0, $0xb8;
	[tilespmem:$0x12200] =	vst v63  }
0x9a: {  	s10 =	simm.s32 $0x800;
	v3 =	vperm.xlane v3, v2  }
0x9b: {  	[hbm4b:s13+s5] =	stream.indirect_vreg.scatter [tilespmem:s10], [sflag:$0x3], $0x80, v4, vm0, $0xb8;
	[tilespmem:$0x12200] =	vst v63  }
0x9c: {  	s30 =	simm.s32 $0x1000;
	v3 =	vadd.s32 v1, v3  }
0x9d: {  	[hbm4b:s14+s5] =	stream.indirect_vreg.scatter [tilespmem:s30], [sflag:$0x3], $0x80, v4, vm0, $0xb8;
	[tilespmem:$0x12200] =	vst v63  }
0x9e: {  	s31 =	simm.s32 $0x1800  }
0x9f: {  	[hbm4b:s15+s5] =	stream.indirect_vreg.scatter [tilespmem:s31], [sflag:$0x3], $0x80, v4, vm0, $0xb8;
	[tilespmem:$0x12200] =	vst v63  }
0xa0: {  	s11 =	simm.s32 $0x2000  }
0xa1: {  	[hbm4b:s3+s5] =	stream.indirect_vreg.scatter [tilespmem:s11], [sflag:$0x3], $0x80, v3, vm0, $0xb8;
	[tilespmem:$0x12200] =	vst v63  }
0xa2: {  	s12 =	simm.s32 $0x2800  }
0xa3: {  	[hbm4b:s13+s5] =	stream.indirect_vreg.scatter [tilespmem:s12], [sflag:$0x3], $0x80, v3, vm0, $0xb8;
	[tilespmem:$0x12200] =	vst v63  }
0xa4: {  	s17 =	simm.s32 $0x3000  }
0xa5: {  	[hbm4b:s14+s5] =	stream.indirect_vreg.scatter [tilespmem:s17], [sflag:$0x3], $0x80, v3, vm0, $0xb8;
	[tilespmem:$0x12200] =	vst v63  }
0xa6: {  	s28 =	simm.s32 $0x3800  }
0xa7: {  	[hbm4b:s15+s5] =	stream.indirect_vreg.scatter [tilespmem:s28], [sflag:$0x3], $0x80, v3, vm0, $0xb8;
	[tilespmem:$0x12200] =	vst v63  }
0xa8: {  	v3 =	vld [tilespmem:$0x12010];
	_ =	sdelay $0x4  }
0xa9: {  	v63 =	vshll.u32 v3, $0x3  }
0xaa: {  	v3 =	vand.u32 $0x7, v3;
	v4 =	vand.u32 $0xFFFFFFC0, v63  }
0xab: {  	v3 =	vor.u32 v3, v4  }
0xac: {  	v4 =	vperm.xlane v3, v0;
	_ =	sdelay $0x1  }
0xad: {  	v4 =	vadd.s32 v1, v4;
	_ =	sdelay $0x3  }
0xae: {  	s29 =	simm.s32 $0x4000  }
0xaf: {  	[hbm4b:s3+s5] =	stream.indirect_vreg.scatter [tilespmem:s29], [sflag:$0x3], $0x80, v4, vm0, $0xb8;
	[tilespmem:$0x12200] =	vst v63  }
0xb0: {  	s30 =	simm.s32 $0x4800;
	v3 =	vperm.xlane v3, v2  }
0xb1: {  	[hbm4b:s13+s5] =	stream.indirect_vreg.scatter [tilespmem:s30], [sflag:$0x3], $0x80, v4, vm0, $0xb8;
	[tilespmem:$0x12200] =	vst v63  }
0xb2: {  	s31 =	simm.s32 $0x5000;
	v3 =	vadd.s32 v1, v3  }
0xb3: {  	[hbm4b:s14+s5] =	stream.indirect_vreg.scatter [tilespmem:s31], [sflag:$0x3], $0x80, v4, vm0, $0xb8;
	[tilespmem:$0x12200] =	vst v63  }
0xb4: {  	s11 =	simm.s32 $0x5800  }
0xb5: {  	[hbm4b:s15+s5] =	stream.indirect_vreg.scatter [tilespmem:s11], [sflag:$0x3], $0x80, v4, vm0, $0xb8;
	[tilespmem:$0x12200] =	vst v63  }
0xb6: {  	s12 =	simm.s32 $0x6000  }
0xb7: {  	[hbm4b:s3+s5] =	stream.indirect_vreg.scatter [tilespmem:s12], [sflag:$0x3], $0x80, v3, vm0, $0xb8;
	[tilespmem:$0x12200] =	vst v63  }
0xb8: {  	s17 =	simm.s32 $0x6800  }
0xb9: {  	[hbm4b:s13+s5] =	stream.indirect_vreg.scatter [tilespmem:s17], [sflag:$0x3], $0x80, v3, vm0, $0xb8;
	[tilespmem:$0x12200] =	vst v63  }
0xba: {  	s28 =	simm.s32 $0x7000  }
0xbb: {  	[hbm4b:s14+s5] =	stream.indirect_vreg.scatter [tilespmem:s28], [sflag:$0x3], $0x80, v3, vm0, $0xb8;
	[tilespmem:$0x12200] =	vst v63  }
0xbc: {  	p0 =	seq.s32 s9, $0x0;
	s29 =	simm.s32 $0x7800  }
0xbd: {  	[hbm4b:s15+s5] =	stream.indirect_vreg.scatter [tilespmem:s29], [sflag:$0x3], $0x80, v3, vm0, $0xb8;
	[tilespmem:$0x12200] =	vst v63  }
0xbe: {  	s11 =	simm.s32 @!p0 $0x4  }
0xbf: {  	[hbm4b:s4+s19] =	stream.indirect.scatter [tilespmem:s21], [sflag:$0x5], $0x1, s20, s19, $0xb8;
	[tilespmem:$0x12200] =	vst v63  }
0xc0: {  	_ =	swait.ge @!p0 [sflag:s11], $0x8000  }
0xc1: {  	[sflag:s11] =	ssyncset.done @!p0 $0x0  }
0xc2: {  	s10 =	sshll.u32 s9, $0x6;
	[sflag:s11] =	ssyncadd.s32 @!p0 $0xFFFF8000;
	s11 =	simm.s32 @!p0 $0x6  }
0xc3: {  	s17 =	sor.u32 s18, s10;
	_ =	swait.ge @!p0 [sflag:s11], $0x20  }
0xc4: {  	s12 =	sshll.u32 s17, $0x7;
	s30 =	sshll.u32 s17, $0x4;
	[sflag:s11] =	ssyncset.done @!p0 $0x0  }
0xc5: {  	s12 =	sadd.s32 s1, s12;
	[sflag:s11] =	ssyncadd.s32 @!p0 $0xFFFFFFE0;
	s11 =	simm.s32 $0x0  }
0xc6: {  	[tilespmem:s23], [sflag:$0x2] =	stream.linear.gather [hbm4b:s12+s11], $0x8000, $0x38;
	[tilespmem:$0x12200] =	vst v63  }
0xc7: {  	s17 =	sshrl.u32 s17, $0x3;
	s28 =	sadd.s32 s7, s30;
	s12 =	simm.s32 $0x11000  }
0xc8: {  	[tilespmem:s12], [sflag:$0x2] =	stream.linear.gather [hbm4b:s28+s11], $0x1000, $0x38;
	[tilespmem:$0x12200] =	vst v63  }
0xc9: {  	s31 =	sadd.s32 s8, s17  }
0xca: {  	[tilespmem:s24], [sflag:$0x2] =	stream.linear.gather [hbm4b:s31+s11], $0x20, $0x38;
	[tilespmem:$0x12200] =	vst v63  }
0xcb: {  	s17 =	sadd.s32 s2, s17  }
0xcc: {  	[tilespmem:s25], [sflag:$0x2] =	stream.linear.gather [hbm4b:s17+s11], $0x20, $0x38;
	[tilespmem:$0x12200] =	vst v63  }
0xcd: {  	_ =	swait.ge [sflag:s26], $0x8000  }
0xce: {  	[sflag:s26] =	ssyncset.done $0x0  }
0xcf: {  	[sflag:s26] =	ssyncadd.s32 $0xFFFF8000  }
0xd0: {  	_ =	swait.ge [sflag:s26], $0x1000  }
0xd1: {  	[sflag:s26] =	ssyncset.done $0x0  }
0xd2: {  	[sflag:s26] =	ssyncadd.s32 $0xFFFFF000  }
0xd3: {  	_ =	swait.ge [sflag:s26], $0x20  }
0xd4: {  	[sflag:s26] =	ssyncset.done $0x0  }
0xd5: {  	[sflag:s26] =	ssyncadd.s32 $0xFFFFFFE0  }
0xd6: {  	_ =	swait.ge [sflag:s26], $0x20  }
0xd7: {  	[sflag:s26] =	ssyncset.done $0x0  }
0xd8: {  	s17 =	simm.s32 $0x0;
	[sflag:s26] =	ssyncadd.s32 $0xFFFFFFE0  }
.LBB2_5:
0xd9: {  	v3 =	vld [tilespmem:s12+$0x0];
	_ =	sdelay $0x4  }
0xda: {  	(erf) = vrcp.f32 v3;
	_ =	sdelay $0x2  }
0xdb: {  	s29 =	sand.u32 $0x6000, s17;
	s28 =	sand.u32 $0x380, s11  }
0xdc: {  	s28 =	sor.u32 s28, s29  }
0xdd: {  	v4 =	vld [tilespmem:s28+$0x8000]  }
0xde: {  	v5 =	vld [tilespmem:s28+$0x8010]  }
0xdf: {  	v6 =	vld [tilespmem:s28+$0x8020]  }
0xe0: {  	v7 =	vld [tilespmem:s28+$0x8030]  }
0xe1: {  	v8 =	vld [tilespmem:s28+$0x8040];
	v3 =	vpop (erf)  }
0xe2: {  	v9 =	vld [tilespmem:s28+$0x8050];
	v4 =	vmul.f32 v3, v4  }
0xe3: {  	v10 =	vld [tilespmem:s28+$0x8060];
	v5 =	vmul.f32 v5, v3  }
0xe4: {  	v13 =	vld [tilespmem:s28+$0x8070];
	v12 =	vmul.f32 v6, v3;
	[tilespmem:s28+$0x8000] =	vst v4  }
0xe5: {  	v15 =	vld [tilespmem:s28+$0x8400];
	v14 =	vmul.f32 v7, v3;
	[tilespmem:s28+$0x8010] =	vst v5  }
0xe6: {  	v17 =	vld [tilespmem:s28+$0x8410];
	v16 =	vmul.f32 v8, v3;
	[tilespmem:s28+$0x8020] =	vst v12  }
0xe7: {  	v19 =	vld [tilespmem:s28+$0x8420];
	v18 =	vmul.f32 v9, v3;
	[tilespmem:s28+$0x8030] =	vst v14  }
0xe8: {  	v21 =	vld [tilespmem:s28+$0x8430];
	v20 =	vmul.f32 v10, v3;
	[tilespmem:s28+$0x8040] =	vst v16  }
0xe9: {  	v23 =	vld [tilespmem:s28+$0x8440];
	v22 =	vmul.f32 v13, v3;
	[tilespmem:s28+$0x8050] =	vst v18  }
0xea: {  	v25 =	vld [tilespmem:s28+$0x8450];
	v24 =	vmul.f32 v15, v3;
	[tilespmem:s28+$0x8060] =	vst v20  }
0xeb: {  	v27 =	vld [tilespmem:s28+$0x8460];
	v26 =	vmul.f32 v17, v3;
	[tilespmem:s28+$0x8070] =	vst v22  }
0xec: {  	v29 =	vld [tilespmem:s28+$0x8470];
	v28 =	vmul.f32 v19, v3;
	[tilespmem:s28+$0x8400] =	vst v24  }
0xed: {  	v31 =	vld [tilespmem:s28+$0x8800];
	v30 =	vmul.f32 v21, v3;
	[tilespmem:s28+$0x8410] =	vst v26  }
0xee: {  	v33 =	vld [tilespmem:s28+$0x8810];
	v32 =	vmul.f32 v23, v3;
	[tilespmem:s28+$0x8420] =	vst v28  }
0xef: {  	v35 =	vld [tilespmem:s28+$0x8820];
	v34 =	vmul.f32 v25, v3;
	[tilespmem:s28+$0x8430] =	vst v30  }
0xf0: {  	v37 =	vld [tilespmem:s28+$0x8830];
	v36 =	vmul.f32 v27, v3;
	[tilespmem:s28+$0x8440] =	vst v32  }
0xf1: {  	v39 =	vld [tilespmem:s28+$0x8850];
	v38 =	vmul.f32 v29, v3;
	[tilespmem:s28+$0x8450] =	vst v34  }
0xf2: {  	v41 =	vld [tilespmem:s28+$0x8860];
	v40 =	vmul.f32 v31, v3;
	[tilespmem:s28+$0x8460] =	vst v36  }
0xf3: {  	v43 =	vld [tilespmem:s28+$0x8870];
	v42 =	vmul.f32 v33, v3;
	[tilespmem:s28+$0x8470] =	vst v38  }
0xf4: {  	v45 =	vld [tilespmem:s28+$0x8840];
	v44 =	vmul.f32 v35, v3;
	[tilespmem:s28+$0x8800] =	vst v40  }
0xf5: {  	v46 =	vmul.f32 v37, v3;
	[tilespmem:s28+$0x8810] =	vst v42  }
0xf6: {  	v47 =	vmul.f32 v39, v3;
	[tilespmem:s28+$0x8820] =	vst v44  }
0xf7: {  	v48 =	vmul.f32 v41, v3;
	[tilespmem:s28+$0x8830] =	vst v46  }
0xf8: {  	v49 =	vmul.f32 v43, v3;
	[tilespmem:s28+$0x8850] =	vst v47  }
0xf9: {  	s29 =	sor.u32 s29, s11;
	v50 =	vmul.f32 v45, v3;
	[tilespmem:s28+$0x8860] =	vst v48  }
0xfa: {  	s29 =	sor.u32 $0x8C00, s29;
	[tilespmem:s28+$0x8870] =	vst v49  }
0xfb: {  	[tilespmem:s28+$0x8840] =	vst v50;
	v4 =	vld [tilespmem:s29+$0x0]  }
0xfc: {  	v5 =	vld [tilespmem:s29+$0x10]  }
0xfd: {  	v6 =	vld [tilespmem:s29+$0x20]  }
0xfe: {  	v51 =	vld [tilespmem:s29+$0x30]  }
0xff: {  	v52 =	vld [tilespmem:s29+$0x40]  }
0x100: {  	v53 =	vld [tilespmem:s29+$0x50];
	v4 =	vmul.f32 v4, v3  }
0x101: {  	v54 =	vld [tilespmem:s29+$0x60];
	v5 =	vmul.f32 v5, v3  }
0x102: {  	v56 =	vld [tilespmem:s29+$0x70];
	v55 =	vmul.f32 v6, v3;
	[tilespmem:s29+$0x0] =	vst v4  }
0x103: {  	v57 =	vmul.f32 v51, v3;
	[tilespmem:s29+$0x10] =	vst v5  }
0x104: {  	v58 =	vmul.f32 v52, v3;
	[tilespmem:s29+$0x20] =	vst v55  }
0x105: {  	v59 =	vmul.f32 v53, v3;
	[tilespmem:s29+$0x30] =	vst v57  }
0x106: {  	v60 =	vmul.f32 v54, v3;
	[tilespmem:s29+$0x40] =	vst v58  }
0x107: {  	v61 =	vmul.f32 v56, v3;
	[tilespmem:s29+$0x50] =	vst v59  }
0x108: {  	[tilespmem:s29+$0x60] =	vst v60  }
0x109: {  	[tilespmem:s29+$0x70] =	vst v61  }
0x10a: {  	v4 =	vld [tilespmem:s28+$0x9000]  }
0x10b: {  	v5 =	vld [tilespmem:s28+$0x9010]  }
0x10c: {  	v62 =	vld [tilespmem:s28+$0x9020]  }
0x10d: {  	v63 =	vld [tilespmem:s28+$0x9030]  }
0x10e: {  	v12 =	vld [tilespmem:s28+$0x9040]  }
0x10f: {  	v13 =	vld [tilespmem:s28+$0x9050];
	v4 =	vmul.f32 v4, v3  }
0x110: {  	v14 =	vld [tilespmem:s28+$0x9060];
	v5 =	vmul.f32 v5, v3  }
0x111: {  	v16 =	vld [tilespmem:s28+$0x9070];
	v15 =	vmul.f32 v62, v3;
	[tilespmem:s28+$0x9000] =	vst v4  }
0x112: {  	v18 =	vld [tilespmem:s28+$0x9400];
	v17 =	vmul.f32 v63, v3;
	[tilespmem:s28+$0x9010] =	vst v5  }
0x113: {  	v20 =	vld [tilespmem:s28+$0x9410];
	v19 =	vmul.f32 v12, v3;
	[tilespmem:s28+$0x9020] =	vst v15  }
0x114: {  	v22 =	vld [tilespmem:s28+$0x9420];
	v21 =	vmul.f32 v13, v3;
	[tilespmem:s28+$0x9030] =	vst v17  }
0x115: {  	v24 =	vld [tilespmem:s28+$0x9430];
	v23 =	vmul.f32 v14, v3;
	[tilespmem:s28+$0x9040] =	vst v19  }
0x116: {  	v26 =	vld [tilespmem:s28+$0x9440];
	v25 =	vmul.f32 v16, v3;
	[tilespmem:s28+$0x9050] =	vst v21  }
0x117: {  	v28 =	vld [tilespmem:s28+$0x9450];
	v27 =	vmul.f32 v18, v3;
	[tilespmem:s28+$0x9060] =	vst v23  }
0x118: {  	v30 =	vld [tilespmem:s28+$0x9460];
	v29 =	vmul.f32 v20, v3;
	[tilespmem:s28+$0x9070] =	vst v25  }
0x119: {  	v32 =	vld [tilespmem:s28+$0x9470];
	v31 =	vmul.f32 v22, v3;
	[tilespmem:s28+$0x9400] =	vst v27  }
0x11a: {  	v34 =	vld [tilespmem:s28+$0x9800];
	v33 =	vmul.f32 v24, v3;
	[tilespmem:s28+$0x9410] =	vst v29  }
0x11b: {  	v36 =	vld [tilespmem:s28+$0x9810];
	v35 =	vmul.f32 v26, v3;
	[tilespmem:s28+$0x9420] =	vst v31  }
0x11c: {  	v38 =	vld [tilespmem:s28+$0x9820];
	v37 =	vmul.f32 v28, v3;
	[tilespmem:s28+$0x9430] =	vst v33  }
0x11d: {  	v40 =	vld [tilespmem:s28+$0x9830];
	v39 =	vmul.f32 v30, v3;
	[tilespmem:s28+$0x9440] =	vst v35  }
0x11e: {  	v42 =	vld [tilespmem:s28+$0x9850];
	v41 =	vmul.f32 v32, v3;
	[tilespmem:s28+$0x9450] =	vst v37  }
0x11f: {  	v44 =	vld [tilespmem:s28+$0x9860];
	v43 =	vmul.f32 v34, v3;
	[tilespmem:s28+$0x9460] =	vst v39  }
0x120: {  	v46 =	vld [tilespmem:s28+$0x9870];
	v45 =	vmul.f32 v36, v3;
	[tilespmem:s28+$0x9470] =	vst v41  }
0x121: {  	v48 =	vld [tilespmem:s28+$0x9840];
	v47 =	vmul.f32 v38, v3;
	[tilespmem:s28+$0x9800] =	vst v43  }
0x122: {  	v49 =	vmul.f32 v40, v3;
	[tilespmem:s28+$0x9810] =	vst v45  }
0x123: {  	v50 =	vmul.f32 v42, v3;
	[tilespmem:s28+$0x9820] =	vst v47  }
0x124: {  	v51 =	vmul.f32 v44, v3;
	[tilespmem:s28+$0x9830] =	vst v49  }
0x125: {  	v52 =	vmul.f32 v46, v3;
	[tilespmem:s28+$0x9850] =	vst v50  }
0x126: {  	s31 =	sor.u32 s17, s11;
	v53 =	vmul.f32 v48, v3;
	[tilespmem:s28+$0x9860] =	vst v51  }
0x127: {  	s29 =	sor.u32 $0x9C00, s31;
	[tilespmem:s28+$0x9870] =	vst v52  }
0x128: {  	[tilespmem:s28+$0x9840] =	vst v53;
	v4 =	vld [tilespmem:s29+$0x0]  }
0x129: {  	v5 =	vld [tilespmem:s29+$0x10]  }
0x12a: {  	v6 =	vld [tilespmem:s29+$0x20]  }
0x12b: {  	v54 =	vld [tilespmem:s29+$0x30]  }
0x12c: {  	v55 =	vld [tilespmem:s29+$0x40]  }
0x12d: {  	v56 =	vld [tilespmem:s29+$0x50];
	v4 =	vmul.f32 v4, v3  }
0x12e: {  	v57 =	vld [tilespmem:s29+$0x60];
	v5 =	vmul.f32 v5, v3  }
0x12f: {  	v59 =	vld [tilespmem:s29+$0x70];
	v58 =	vmul.f32 v6, v3;
	[tilespmem:s29+$0x0] =	vst v4  }
0x130: {  	v60 =	vmul.f32 v54, v3;
	[tilespmem:s29+$0x10] =	vst v5  }
0x131: {  	p0 =	sne.s32 s17, $0x7C00;
	v61 =	vmul.f32 v55, v3;
	[tilespmem:s29+$0x20] =	vst v58  }
.Ltmp3:
0x132: {  	v62 =	vmul.f32 v56, v3;
	[tilespmem:s29+$0x30] =	vst v60;
	(pc) =	sbr.rel @p0 .LBB2_5-.Ltmp3, $4  }
0x133: {  	v63 =	vmul.f32 v57, v3;
	[tilespmem:s29+$0x40] =	vst v61  }
0x134: {  	v3 =	vmul.f32 v59, v3;
	[tilespmem:s29+$0x50] =	vst v62  }
0x135: {  	[tilespmem:s29+$0x60] =	vst v63  }
0x136: {  	s12 =	sadd.s32 $0x80, s12;
	s17 =	sadd.s32 $0x400, s17;
	s11 =	sadd.s32 $0x80, s11;
	[tilespmem:s29+$0x70] =	vst v3  }
0x137: {  	v3 =	vld [tilespmem:$0x12080];
	_ =	sdelay $0x4  }
0x138: {  	v4 =	vshll.u32 v3, $0x3  }
0x139: {  	v3 =	vand.u32 $0x7, v3;
	v4 =	vand.u32 $0xFFFFFFC0, v4  }
0x13a: {  	v3 =	vor.u32 v3, v4  }
0x13b: {  	v4 =	vperm.xlane v3, v0;
	_ =	sdelay $0x1  }
0x13c: {  	v4 =	vadd.s32 v1, v4;
	_ =	sdelay $0x4  }
0x13d: {  	[hbm4b:s3+s5] =	stream.indirect_vreg.scatter [tilespmem:s23], [sflag:$0x4], $0x80, v4, vm0, $0xb8;
	[tilespmem:$0x12200] =	vst v63  }
0x13e: {  	s11 =	simm.s32 $0x8800;
	v3 =	vperm.xlane v3, v2  }
0x13f: {  	[hbm4b:s13+s5] =	stream.indirect_vreg.scatter [tilespmem:s11], [sflag:$0x4], $0x80, v4, vm0, $0xb8;
	[tilespmem:$0x12200] =	vst v63  }
0x140: {  	s30 =	simm.s32 $0x9000;
	v3 =	vadd.s32 v1, v3  }
0x141: {  	[hbm4b:s14+s5] =	stream.indirect_vreg.scatter [tilespmem:s30], [sflag:$0x4], $0x80, v4, vm0, $0xb8;
	[tilespmem:$0x12200] =	vst v63  }
0x142: {  	s31 =	simm.s32 $0x9800  }
0x143: {  	[hbm4b:s15+s5] =	stream.indirect_vreg.scatter [tilespmem:s31], [sflag:$0x4], $0x80, v4, vm0, $0xb8;
	[tilespmem:$0x12200] =	vst v63  }
0x144: {  	s12 =	simm.s32 $0xA000  }
0x145: {  	[hbm4b:s3+s5] =	stream.indirect_vreg.scatter [tilespmem:s12], [sflag:$0x4], $0x80, v3, vm0, $0xb8;
	[tilespmem:$0x12200] =	vst v63  }
0x146: {  	s17 =	simm.s32 $0xA800  }
0x147: {  	[hbm4b:s13+s5] =	stream.indirect_vreg.scatter [tilespmem:s17], [sflag:$0x4], $0x80, v3, vm0, $0xb8;
	[tilespmem:$0x12200] =	vst v63  }
0x148: {  	s28 =	simm.s32 $0xB000  }
0x149: {  	[hbm4b:s14+s5] =	stream.indirect_vreg.scatter [tilespmem:s28], [sflag:$0x4], $0x80, v3, vm0, $0xb8;
	[tilespmem:$0x12200] =	vst v63  }
0x14a: {  	s29 =	simm.s32 $0xB800  }
0x14b: {  	[hbm4b:s15+s5] =	stream.indirect_vreg.scatter [tilespmem:s29], [sflag:$0x4], $0x80, v3, vm0, $0xb8;
	[tilespmem:$0x12200] =	vst v63  }
0x14c: {  	v3 =	vld [tilespmem:$0x12090];
	_ =	sdelay $0x4  }
0x14d: {  	v63 =	vshll.u32 v3, $0x3  }
0x14e: {  	v3 =	vand.u32 $0x7, v3;
	v4 =	vand.u32 $0xFFFFFFC0, v63  }
0x14f: {  	v3 =	vor.u32 v3, v4  }
0x150: {  	v4 =	vperm.xlane v3, v0;
	_ =	sdelay $0x1  }
0x151: {  	v4 =	vadd.s32 v1, v4;
	_ =	sdelay $0x3  }
0x152: {  	s30 =	simm.s32 $0xC000  }
0x153: {  	[hbm4b:s3+s5] =	stream.indirect_vreg.scatter [tilespmem:s30], [sflag:$0x4], $0x80, v4, vm0, $0xb8;
	[tilespmem:$0x12200] =	vst v63  }
0x154: {  	s31 =	simm.s32 $0xC800;
	v3 =	vperm.xlane v3, v2  }
0x155: {  	[hbm4b:s13+s5] =	stream.indirect_vreg.scatter [tilespmem:s31], [sflag:$0x4], $0x80, v4, vm0, $0xb8;
	[tilespmem:$0x12200] =	vst v63  }
0x156: {  	s12 =	simm.s32 $0xD000;
	v3 =	vadd.s32 v1, v3  }
0x157: {  	[hbm4b:s14+s5] =	stream.indirect_vreg.scatter [tilespmem:s12], [sflag:$0x4], $0x80, v4, vm0, $0xb8;
	[tilespmem:$0x12200] =	vst v63  }
0x158: {  	s17 =	simm.s32 $0xD800  }
0x159: {  	[hbm4b:s15+s5] =	stream.indirect_vreg.scatter [tilespmem:s17], [sflag:$0x4], $0x80, v4, vm0, $0xb8;
	[tilespmem:$0x12200] =	vst v63  }
0x15a: {  	s28 =	simm.s32 $0xE000  }
0x15b: {  	[hbm4b:s3+s5] =	stream.indirect_vreg.scatter [tilespmem:s28], [sflag:$0x4], $0x80, v3, vm0, $0xb8;
	[tilespmem:$0x12200] =	vst v63  }
0x15c: {  	s29 =	simm.s32 $0xE800  }
0x15d: {  	[hbm4b:s13+s5] =	stream.indirect_vreg.scatter [tilespmem:s29], [sflag:$0x4], $0x80, v3, vm0, $0xb8;
	[tilespmem:$0x12200] =	vst v63  }
0x15e: {  	s30 =	simm.s32 $0xF000  }
0x15f: {  	[hbm4b:s14+s5] =	stream.indirect_vreg.scatter [tilespmem:s30], [sflag:$0x4], $0x80, v3, vm0, $0xb8;
	[tilespmem:$0x12200] =	vst v63  }
0x160: {  	s31 =	simm.s32 $0xF800  }
0x161: {  	[hbm4b:s15+s5] =	stream.indirect_vreg.scatter [tilespmem:s31], [sflag:$0x4], $0x80, v3, vm0, $0xb8;
	[tilespmem:$0x12200] =	vst v63  }
0x162: {  	_ = 	snop  }
0x163: {  	[hbm4b:s4+s19] =	stream.indirect.scatter [tilespmem:s25], [sflag:$0x6], $0x1, s24, s19, $0xb8;
	[tilespmem:$0x12200] =	vst v63  }
0x164: {  	p0 =	seq.s32 s9, $0x1F;
	_ =	swait.ge [sflag:s0], $0x8000  }
.Ltmp4:
0x165: {  	[sflag:s0] =	ssyncset.done $0x0;
	(pc) =	sbr.rel @p0 .LBB2_8-.Ltmp4, $4  }
0x166: {  	[sflag:s0] =	ssyncadd.s32 $0xFFFF8000  }
0x167: {  	_ =	swait.ge [sflag:s6], $0x20  }
0x168: {  	[sflag:s6] =	ssyncset.done $0x0  }
0x169: {  	[sflag:s6] =	ssyncadd.s32 $0xFFFFFFE0  }
0x16a: {  	s10 =	sadd.s32 s10, s16  }
0x16b: {  	s11 =	sshll.u32 s10, $0x7  }
0x16c: {  	s30 =	sshll.u32 s10, $0x4;
	s11 =	sadd.s32 s1, s11  }
0x16d: {  	[tilespmem:s5], [sflag:$0x1] =	stream.linear.gather [hbm4b:s11+s5], $0x8000, $0x38;
	[tilespmem:$0x12200] =	vst v63  }
0x16e: {  	s12 =	simm.s32 $0x10000;
	s11 =	sadd.s32 s7, s30  }
0x16f: {  	[tilespmem:s12], [sflag:$0x1] =	stream.linear.gather [hbm4b:s11+s5], $0x1000, $0x38;
	[tilespmem:$0x12200] =	vst v63  }
.Ltmp5:
0x170: {  	s10 =	sshrl.u32 s10, $0x3;
	(pc) =	sbr.rel .LBB2_2-.Ltmp5, $4  }
0x171: {  	s31 =	sadd.s32 s8, s10  }
0x172: {  	[tilespmem:s20], [sflag:$0x1] =	stream.linear.gather [hbm4b:s31+s5], $0x20, $0x38;
	[tilespmem:$0x12200] =	vst v63  }
0x173: {  	s9 =	sadd.s32 $0x1, s9;
	s10 =	sadd.s32 s2, s10  }
0x174: {  	[tilespmem:s21], [sflag:$0x1] =	stream.linear.gather [hbm4b:s10+s5], $0x20, $0x38;
	[tilespmem:$0x12200] =	vst v63  }
.LBB2_9:
0x175: {  	_ =	sfence.sel $0x180000  }
0x176: {  	[bflag:$0x0] =	sbarrier.arrive $0xFFFF  }
0x177: {  	_ =	strace $0x90000047  }
0x178: {  	s0 =	stileid.u32;
	[bflag:$0x2] =	sbarrier.arrive $0xFFFF  }
0x179: {  	p0 =	sne.s32 s0, $0x0;
	s0 =	rddreg [dreg:$0x5]  }
0x17a: {  	s0 =	sadd.s32 @!p0 $0x100000, s0  }
0x17b: {  	[sflag:s0] =	ssyncadd.tile.s32 @!p0 $0x1;
	_ =	shalt  }
.Lfunc_end2:
_tile_overlayer_lowered:
.L_overlay_start_2:
0x17c: {  	(tag) =	ssettag $0x2  }
0x17d: {  	s0 =	rddreg [dreg:$0x0];
	s2 =	stileid.u32  }
0x17e: {  	s1 =	rddreg [dreg:$0x1];
	p0 =	sne.s32 s2, $0x0  }
0x17f: {  	s3 =	rddreg [dreg:$0x2];
	[bflag:$0x3] =	sbarrier.arrive $0xFFFF;
	s2 =	simm.s32 @!p0 $0x1C07  }
0x180: {  	[timem:s3], [sflag:s2] =	dma.local @!p0 [hbm:s0], s1  }
0x181: {  	s0 =	simm.s32 @!p0 $0x7  }
0x182: {  	_ =	swait.ge @!p0 [sflag:s0], s1  }
0x183: {  	s1 =	ssub.s32 @!p0 $0x0, s1;
	[sflag:s0] =	ssyncset.done @!p0 $0x0  }
0x184: {  	[sflag:s0] =	ssyncadd.s32 @!p0 s1  }
0x185: {  	[bflag:$0x3] =	sbarrier.arrive $0xFFFF  }
0x186: {  	_ =	shalt  }

</sc_bundles>
